<compile_context>
chip_gen: v7x
topology: tpu7x:2x2x1
jax: 0.10.2.dev20260603
libtpu: 0.0.44.dev20260713+nightly
codegen_flags: <defaults>
</compile_context>

<pallas_src>
import functools

import jax
import jax.numpy as jnp
from jax import lax
from jax.experimental import pallas as pl
from jax.experimental.pallas import tpu as pltpu
from jax.experimental.pallas import tpu_sc as plsc

_N = 10000
_E = 320000
_D = 128
_G = 128

_NC = 2
_NS = 16
_K = 80
_EDGES_PER_TILE = _E // (_NC * _NS)
_CHUNKS = _EDGES_PER_TILE // _K
_ROWS_PER_TILE = 624
_ROWS_REM = _N - _NS * _ROWS_PER_TILE
_ZROWS = 48


def _sc_segment_sum(x, edge_index):
    mesh = plsc.VectorSubcoreMesh(
        core_axis_name="c", subcore_axis_name="s", num_cores=_NC, num_subcores=_NS
    )

    @functools.partial(
        pl.kernel,
        out_type=jax.ShapeDtypeStruct((_NC, _N, _D), jnp.float32),
        mesh=mesh,
        scratch_types=[
            pltpu.VMEM((_EDGES_PER_TILE,), jnp.int32),
            pltpu.VMEM((_EDGES_PER_TILE,), jnp.int32),
            pltpu.VMEM((_K, _D), jnp.float32),
            pltpu.VMEM((_K, _D), jnp.float32),
            pltpu.VMEM((_K, _D), jnp.float32),
            pltpu.VMEM_SHARED((_N, _D), jnp.float32),
            pltpu.SemaphoreType.DMA,
            pltpu.SemaphoreType.DMA,
            pltpu.SemaphoreType.DMA,
            pltpu.SemaphoreType.DMA,
        ],
    )
    def k(x_hbm, eif_hbm, out_hbm, sidx, didx, rows_a, rows_b, rows_c,
          acc, sem_a, sem_b, sem_c, sem_i):
        cid = lax.axis_index("c")
        sid = lax.axis_index("s")
        wid = cid * _NS + sid

        cp_s = pltpu.async_copy(
            eif_hbm.at[pl.ds(wid * _EDGES_PER_TILE, _EDGES_PER_TILE)], sidx, sem_i
        )
        cp_d = pltpu.async_copy(
            eif_hbm.at[pl.ds(_E + wid * _EDGES_PER_TILE, _EDGES_PER_TILE)],
            didx,
            sem_i,
        )

        zeros16 = jnp.zeros((16,), jnp.float32)

        @pl.loop(0, _ZROWS)
        def _(r):
            @pl.loop(0, _D, step=16)
            def _(c0):
                rows_a[r, pl.ds(c0, 16)] = zeros16

        cp_s.wait()
        cp_d.wait()

        def gstart(c, buf, sem):
            pltpu.async_copy(x_hbm.at[sidx.at[pl.ds(c * _K, _K)]], buf, sem)

        def gwait(c, buf, sem):
            pltpu.make_async_copy(
                x_hbm.at[sidx.at[pl.ds(c * _K, _K)]], buf, sem
            ).wait()

        def slot(c, buf, sem, prefetch):
            gwait(c, buf, sem)
            pltpu.sync_copy(buf, acc.at[didx.at[pl.ds(c * _K, _K)]], add=True)
            if prefetch:
                gstart(c + 3, buf, sem)

        gstart(0, rows_b, sem_b)
        gstart(1, rows_c, sem_c)

        row0 = sid * _ROWS_PER_TILE

        @pl.loop(0, _ROWS_PER_TILE, step=_ZROWS)
        def _(r0):
            pltpu.sync_copy(
                rows_a.at[pl.ds(0, _ZROWS)], acc.at[pl.ds(row0 + r0, _ZROWS)]
            )

        @pl.when(sid == 0)
        def _():
            pltpu.sync_copy(
                rows_a.at[pl.ds(0, _ROWS_REM)],
                acc.at[pl.ds(_NS * _ROWS_PER_TILE, _ROWS_REM)],
            )

        gstart(2, rows_a, sem_a)
        plsc.subcore_barrier()

        @pl.loop(0, _CHUNKS - 5, step=3)
        def _(c):
            slot(c, rows_b, sem_b, True)
            slot(c + 1, rows_c, sem_c, True)
            slot(c + 2, rows_a, sem_a, True)

        slot(_CHUNKS - 5, rows_b, sem_b, True)
        slot(_CHUNKS - 4, rows_c, sem_c, True)
        slot(_CHUNKS - 3, rows_a, sem_a, False)
        slot(_CHUNKS - 2, rows_b, sem_b, False)
        slot(_CHUNKS - 1, rows_c, sem_c, False)

        plsc.subcore_barrier()

        pltpu.sync_copy(
            acc.at[pl.ds(row0, _ROWS_PER_TILE)],
            out_hbm.at[cid, pl.ds(row0, _ROWS_PER_TILE)],
        )

        @pl.when(sid == 0)
        def _():
            pltpu.sync_copy(
                acc.at[pl.ds(_NS * _ROWS_PER_TILE, _ROWS_REM)],
                out_hbm.at[cid, pl.ds(_NS * _ROWS_PER_TILE, _ROWS_REM)],
            )

    return k(x, edge_index.reshape(2 * _E))


def _tc_layer_body(e_ref, h_ref, a_ref, w_ref, b_ref, g_ref, bt_ref, o_ref):
    u = h_ref[...] * (e_ref[0] + 1.0) + a_ref[0] + a_ref[1]
    v = lax.dot_general(
        u, w_ref[...], (((1,), (1,)), ((), ())), preferred_element_type=jnp.float32
    ) + b_ref[...]
    mean = jnp.mean(v, axis=0, keepdims=True)
    var = jnp.mean((v - mean) ** 2, axis=0, keepdims=True)
    h = (v - mean) * lax.rsqrt(var + 1e-5) * g_ref[...] + bt_ref[...]
    o_ref[...] = jnp.maximum(h, 0.0)


def _tc_layer(h, aggs, W, b, eps, gamma, beta):
    epsp1 = eps.astype(jnp.float32).reshape(1)
    return pl.pallas_call(
        _tc_layer_body,
        out_shape=jax.ShapeDtypeStruct((_N, _D), jnp.float32),
        in_specs=[
            pl.BlockSpec(memory_space=pltpu.SMEM),
            pl.BlockSpec(memory_space=pltpu.VMEM),
            pl.BlockSpec(memory_space=pltpu.VMEM),
            pl.BlockSpec(memory_space=pltpu.VMEM),
            pl.BlockSpec(memory_space=pltpu.VMEM),
            pl.BlockSpec(memory_space=pltpu.VMEM),
            pl.BlockSpec(memory_space=pltpu.VMEM),
        ],
    )(epsp1, h, aggs, W, b.reshape(1, _D), gamma.reshape(1, _D), beta.reshape(1, _D))


def _tc_final_body(e_ref, h_ref, a_ref, w3_ref, b3_ref, seg_ref, wp_ref, bp_ref, o_ref):
    u = h_ref[...] * (e_ref[0] + 1.0) + a_ref[0] + a_ref[1]
    v = lax.dot_general(
        u, w3_ref[...], (((1,), (1,)), ((), ())), preferred_element_type=jnp.float32
    ) + b3_ref[...]
    onehot = (seg_ref[...] == lax.broadcasted_iota(jnp.int32, (1, _G), 1)).astype(
        jnp.float32
    )
    sums = lax.dot_general(
        onehot, v, (((0,), (0,)), ((), ())), preferred_element_type=jnp.float32
    )
    counts = lax.dot_general(
        onehot,
        jnp.ones((_N, 1), jnp.float32),
        (((0,), (0,)), ((), ())),
        preferred_element_type=jnp.float32,
    )
    pooled = sums / jnp.maximum(counts, 1.0)
    o_ref[...] = lax.dot_general(
        pooled, wp_ref[...], (((1,), (1,)), ((), ())), preferred_element_type=jnp.float32
    ) + bp_ref[...]


def _tc_final(h, aggs, W3, b3, eps3, batch, Wp, bp):
    epsp1 = eps3.astype(jnp.float32).reshape(1)
    return pl.pallas_call(
        _tc_final_body,
        out_shape=jax.ShapeDtypeStruct((_G, _D), jnp.float32),
        in_specs=[
            pl.BlockSpec(memory_space=pltpu.SMEM),
            pl.BlockSpec(memory_space=pltpu.VMEM),
            pl.BlockSpec(memory_space=pltpu.VMEM),
            pl.BlockSpec(memory_space=pltpu.VMEM),
            pl.BlockSpec(memory_space=pltpu.VMEM),
            pl.BlockSpec(memory_space=pltpu.VMEM),
            pl.BlockSpec(memory_space=pltpu.VMEM),
            pl.BlockSpec(memory_space=pltpu.VMEM),
        ],
    )(
        epsp1,
        h,
        aggs,
        W3,
        b3.reshape(1, _D),
        batch.reshape(_N, 1),
        Wp,
        bp.reshape(1, _D),
    )


def kernel(edge_index, x, batch, W1, b1, eps1, W2, b2, eps2, W3, b3, eps3,
           gamma1, beta1, gamma2, beta2, Wp, bp):
    agg1 = _sc_segment_sum(x, edge_index)
    h1 = _tc_layer(x, agg1, W1, b1, eps1, gamma1, beta1)
    agg2 = _sc_segment_sum(h1, edge_index)
    h2 = _tc_layer(h1, agg2, W2, b2, eps2, gamma2, beta2)
    agg3 = _sc_segment_sum(h2, edge_index)
    return _tc_final(h2, agg3, W3, b3, eps3, batch, Wp, bp)

# --- scband reference (transcript-rebuilt; emitter-appended) ---
"""Pipeline reference for scband-g-gin-45561013076148 (READ-ONLY COPY).

The authoritative reference and input builder live on the scoring server;
editing this copy changes nothing except your own understanding.
"""

import jax, jax.numpy as jnp
import numpy as np

N = 10000
E = 320000
D = 128
NUM_GRAPHS = 128


def setup_inputs(seed: int = 0) -> dict:
    key = jax.random.key(seed)
    ks = jax.random.split(key, 16)
    inp = {}
    inp["edge_index"] = jax.random.randint(ks[0], (2, E), 0, N, dtype=jnp.int32)
    inp["x"] = jax.random.normal(ks[1], (N, D), dtype=jnp.float32)
    inp["batch"] = jnp.sort(jax.random.randint(ks[2], (N,), 0, NUM_GRAPHS, dtype=jnp.int32))
    scale = 1.0 / np.sqrt(D)
    inp["W1"] = jax.random.normal(ks[3], (D, D), dtype=jnp.float32) * scale
    inp["b1"] = jnp.zeros((D,), dtype=jnp.float32)
    inp["eps1"] = jnp.zeros((), dtype=jnp.float32)
    inp["W2"] = jax.random.normal(ks[4], (D, D), dtype=jnp.float32) * scale
    inp["b2"] = jnp.zeros((D,), dtype=jnp.float32)
    inp["eps2"] = jnp.zeros((), dtype=jnp.float32)
    inp["W3"] = jax.random.normal(ks[5], (D, D), dtype=jnp.float32) * scale
    inp["b3"] = jnp.zeros((D,), dtype=jnp.float32)
    inp["eps3"] = jnp.zeros((), dtype=jnp.float32)
    inp["gamma1"] = jnp.ones((D,), dtype=jnp.float32)
    inp["beta1"] = jnp.zeros((D,), dtype=jnp.float32)
    inp["gamma2"] = jnp.ones((D,), dtype=jnp.float32)
    inp["beta2"] = jnp.zeros((D,), dtype=jnp.float32)
    inp["Wp"] = jax.random.normal(ks[6], (D, D), dtype=jnp.float32) * scale
    inp["bp"] = jnp.zeros((D,), dtype=jnp.float32)
    return inp


def _gin_conv(x, src, dst, W, b, eps):
    # sum aggregation of neighbor messages (scatter-add), then (1+eps)*x + agg, then Linear
    agg = jax.ops.segment_sum(x[src], dst, num_segments=N)
    h = (1.0 + eps) * x + agg
    return h @ W.T + b


def _batch_norm(h, gamma, beta):
    # BatchNorm1d in training mode: batch statistics, biased variance, eps=1e-5
    mean = jnp.mean(h, axis=0)
    var = jnp.var(h, axis=0)
    return (h - mean) / jnp.sqrt(var + 1e-5) * gamma + beta


def reference(edge_index, x, batch, W1, b1, eps1, W2, b2, eps2, W3, b3, eps3, gamma1, beta1, gamma2, beta2, Wp, bp):
    src = edge_index[0]
    dst = edge_index[1]
    h = _gin_conv(x, src, dst, W1, b1, eps1)
    h = _batch_norm(h, gamma1, beta1)
    h = jax.nn.relu(h)
    h = _gin_conv(h, src, dst, W2, b2, eps2)
    h = _batch_norm(h, gamma2, beta2)
    h = jax.nn.relu(h)
    h = _gin_conv(h, src, dst, W3, b3, eps3)
    # global mean pool over batch assignment
    sums = jax.ops.segment_sum(h, batch, num_segments=NUM_GRAPHS)
    counts = jax.ops.segment_sum(jnp.ones((h.shape[0], 1), h.dtype), batch, num_segments=NUM_GRAPHS)
    pooled = sums / jnp.maximum(counts, 1.0)
    return pooled @ Wp.T + bp

if __name__ == "__main__":
    import jax
    _d = setup_inputs()
    print(jax.jit(kernel)(*tuple(_d.values())))

</pallas_src>

<mosaic_0001>
#map = affine_map<(d0, d1) -> (0, 0)>
#map1 = affine_map<(d0, d1) -> (0)>
#map2 = affine_map<(d0, d1) -> (0, 0, 0)>
module attributes {stable_mosaic.version = 14 : i64} {
  func.func @k(%arg0: i32, %arg1: i32, %arg2: memref<10000x128xf32, #tpu.memory_space<hbm>>, %arg3: memref<640000xi32, #tpu.memory_space<hbm>>, %arg4: memref<2x10000x128xf32, #tpu.memory_space<hbm>>, %arg5: memref<10000xi32, #tpu.memory_space<vmem>>, %arg6: memref<10000xi32, #tpu.memory_space<vmem>>, %arg7: memref<80x128xf32, #tpu.memory_space<vmem>>, %arg8: memref<80x128xf32, #tpu.memory_space<vmem>>, %arg9: memref<80x128xf32, #tpu.memory_space<vmem>>, %arg10: memref<10000x128xf32, #tpu.memory_space<vmem_shared>>, %arg11: memref<!tpu.dma_semaphore, #tpu.memory_space<semaphore_mem>>, %arg12: memref<!tpu.dma_semaphore, #tpu.memory_space<semaphore_mem>>, %arg13: memref<!tpu.dma_semaphore, #tpu.memory_space<semaphore_mem>>, %arg14: memref<!tpu.dma_semaphore, #tpu.memory_space<semaphore_mem>>) attributes {dimension_semantics = [#tpu.dimension_semantics<core_parallel>, #tpu.dimension_semantics<subcore_parallel>], iteration_bounds = array<i64: 2, 16>, scalar_prefetch = 0 : i64, scratch_operands = 10 : i64, tpu.core_type = #tpu.core_type<sc_vector_subcore>, window_params = [{transform_indices = #map}, {transform_indices = #map1}, {transform_indices = #map2}]} {
    %mul3A = arith.constant 16 : i32
    %mul3A_0 = arith.muli %arg0, %mul3A : i32
    %add3A = arith.addi %mul3A_0, %arg1 : i32
    %mul3A_1 = arith.constant 10000 : i32
    %mul3A_2 = arith.muli %add3A, %mul3A_1 : i32
    %dma_start3A = tpu.memref_slice %arg3[%mul3A_2] : memref<640000xi32, #tpu.memory_space<hbm>> -> memref<10000xi32, #tpu.memory_space<hbm>>
    %dma_start3A_3 = tpu.memref_slice %arg3[%mul3A_2] : memref<640000xi32, #tpu.memory_space<hbm>> -> memref<10000xi32, #tpu.memory_space<hbm>>
    tpu.enqueue_dma source(%dma_start3A_3 : memref<10000xi32, #tpu.memory_space<hbm>>) target(%arg5 : memref<10000xi32, #tpu.memory_space<vmem>>) target_semaphore(%arg14 : memref<!tpu.dma_semaphore, #tpu.memory_space<semaphore_mem>>)
    %mul3A_4 = arith.constant 10000 : i32
    %mul3A_5 = arith.muli %add3A, %mul3A_4 : i32
    %add3A_6 = arith.constant 320000 : i32
    %add3A_7 = arith.addi %add3A_6, %mul3A_5 : i32
    %dma_start3A_8 = tpu.memref_slice %arg3[%add3A_7] : memref<640000xi32, #tpu.memory_space<hbm>> -> memref<10000xi32, #tpu.memory_space<hbm>>
    %dma_start3A_9 = tpu.memref_slice %arg3[%add3A_7] : memref<640000xi32, #tpu.memory_space<hbm>> -> memref<10000xi32, #tpu.memory_space<hbm>>
    tpu.enqueue_dma source(%dma_start3A_9 : memref<10000xi32, #tpu.memory_space<hbm>>) target(%arg6 : memref<10000xi32, #tpu.memory_space<vmem>>) target_semaphore(%arg14 : memref<!tpu.dma_semaphore, #tpu.memory_space<semaphore_mem>>)
    %broadcast_in_dim3A = arith.constant 0.000000e+00 : f32
    %broadcast_in_dim3A_10 = vector.broadcast %broadcast_in_dim3A : f32 to vector<16xf32>
    %scan3A = arith.constant 0 : i32
    %scan3A_11 = arith.constant 48 : i32
    %scan3A_12 = arith.addi %scan3A, %scan3A_11 : i32
    %scan3A_13 = arith.constant 1 : i32
    scf.for %scan3A_88 = %scan3A to %scan3A_12 step %scan3A_13  : i32 {
      %mul3A_89 = arith.constant 1 : i32
      %mul3A_90 = arith.muli %scan3A_88, %mul3A_89 : i32
      %add3A_91 = arith.constant 0 : i32
      %add3A_92 = arith.addi %add3A_91, %mul3A_90 : i32
      %scan3A_93 = arith.constant 0 : i32
      %scan3A_94 = arith.constant 8 : i32
      %scan3A_95 = arith.addi %scan3A_93, %scan3A_94 : i32
      %scan3A_96 = arith.constant 1 : i32
      scf.for %scan3A_98 = %scan3A_93 to %scan3A_95 step %scan3A_96  : i32 {
        %mul3A_99 = arith.constant 16 : i32
        %mul3A_100 = arith.muli %scan3A_98, %mul3A_99 : i32
        %add3A_101 = arith.constant 0 : i32
        %add3A_102 = arith.addi %add3A_101, %mul3A_100 : i32
        %swap3A = arith.index_cast %add3A_92 : i32 to index
        %swap3A_103 = arith.index_cast %add3A_102 : i32 to index
        %swap3A_104 = tpu.vector_load %arg7[%swap3A, %swap3A_103] {strides = array<i32>} : memref<80x128xf32, #tpu.memory_space<vmem>>, vector<1x16xf32>,
        %swap3A_105 = vector.shape_cast %swap3A_104 : vector<1x16xf32> to vector<16xf32>
        %swap3A_106 = vector.shape_cast %broadcast_in_dim3A_10 : vector<16xf32> to vector<1x16xf32>
        tpu.vector_store %arg7[%swap3A, %swap3A_103], %swap3A_106 {strides = array<i32>} : memref<80x128xf32, #tpu.memory_space<vmem>>, vector<1x16xf32>,
      }
      %scan3A_97 = arith.constant 8 : i32
    }
    %scan3A_14 = arith.constant 48 : i32
    %dma_wait3A = tpu.memref_slice %arg3[%mul3A_2] : memref<640000xi32, #tpu.memory_space<hbm>> -> memref<10000xi32, #tpu.memory_space<hbm>>
    %dma_wait3A_15 = tpu.memref_slice %arg3[%mul3A_2] : memref<640000xi32, #tpu.memory_space<hbm>> -> memref<10000xi32, #tpu.memory_space<hbm>>
    tpu.wait_dma2 semaphore(%arg14 : memref<!tpu.dma_semaphore, #tpu.memory_space<semaphore_mem>>) src(%dma_wait3A_15 : memref<10000xi32, #tpu.memory_space<hbm>>) dst(%arg5 : memref<10000xi32, #tpu.memory_space<vmem>>)
    %dma_wait3A_16 = tpu.memref_slice %arg3[%add3A_7] : memref<640000xi32, #tpu.memory_space<hbm>> -> memref<10000xi32, #tpu.memory_space<hbm>>
    %dma_wait3A_17 = tpu.memref_slice %arg3[%add3A_7] : memref<640000xi32, #tpu.memory_space<hbm>> -> memref<10000xi32, #tpu.memory_space<hbm>>
    tpu.wait_dma2 semaphore(%arg14 : memref<!tpu.dma_semaphore, #tpu.memory_space<semaphore_mem>>) src(%dma_wait3A_17 : memref<10000xi32, #tpu.memory_space<hbm>>) dst(%arg6 : memref<10000xi32, #tpu.memory_space<vmem>>)
    %dma_start3A_18 = arith.constant 0 : i32
    %dma_start3A_19 = tpu.memref_slice %arg5[%dma_start3A_18] : memref<10000xi32, #tpu.memory_space<vmem>> -> memref<80xi32, #tpu.memory_space<vmem>>
    %dma_start3A_20 = arith.constant 0 : i32
    %dma_start3A_21 = arith.constant 0 : i32
    %dma_start3A_22 = tpu.memref_slice %arg2[%dma_start3A_20, %dma_start3A_21] : memref<10000x128xf32, #tpu.memory_space<hbm>> -> memref<10000x128xf32, #tpu.memory_space<hbm>>
    tpu.enqueue_indirect_dma source(%dma_start3A_22 : memref<10000x128xf32, #tpu.memory_space<hbm>>) target(%arg8 : memref<80x128xf32, #tpu.memory_space<vmem>>) offsets(%dma_start3A_19 : memref<80xi32, #tpu.memory_space<vmem>>) semaphore(%arg12 : memref<!tpu.dma_semaphore, #tpu.memory_space<semaphore_mem>>)
    %dma_start3A_23 = arith.constant 80 : i32
    %dma_start3A_24 = tpu.memref_slice %arg5[%dma_start3A_23] : memref<10000xi32, #tpu.memory_space<vmem>> -> memref<80xi32, #tpu.memory_space<vmem>>
    %dma_start3A_25 = arith.constant 0 : i32
    %dma_start3A_26 = arith.constant 0 : i32
    %dma_start3A_27 = tpu.memref_slice %arg2[%dma_start3A_25, %dma_start3A_26] : memref<10000x128xf32, #tpu.memory_space<hbm>> -> memref<10000x128xf32, #tpu.memory_space<hbm>>
    tpu.enqueue_indirect_dma source(%dma_start3A_27 : memref<10000x128xf32, #tpu.memory_space<hbm>>) target(%arg9 : memref<80x128xf32, #tpu.memory_space<vmem>>) offsets(%dma_start3A_24 : memref<80xi32, #tpu.memory_space<vmem>>) semaphore(%arg13 : memref<!tpu.dma_semaphore, #tpu.memory_space<semaphore_mem>>)
    %mul3A_28 = arith.constant 624 : i32
    %mul3A_29 = arith.muli %arg1, %mul3A_28 : i32
    %scan3A_30 = arith.constant 0 : i32
    %scan3A_31 = arith.constant 13 : i32
    %scan3A_32 = arith.addi %scan3A_30, %scan3A_31 : i32
    %scan3A_33 = arith.constant 1 : i32
    scf.for %scan3A_88 = %scan3A_30 to %scan3A_32 step %scan3A_33  : i32 {
      %mul3A_89 = arith.constant 48 : i32
      %mul3A_90 = arith.muli %scan3A_88, %mul3A_89 : i32
      %add3A_91 = arith.constant 0 : i32
      %add3A_92 = arith.addi %add3A_91, %mul3A_90 : i32
      %add3A_93 = arith.addi %mul3A_29, %add3A_92 : i32
      "tpu.region"() ({
        %run_scoped3A = tpu.sem_alloc : memref<!tpu.dma_semaphore, #tpu.memory_space<semaphore_mem>>
        %dma_start3A_94 = arith.constant 0 : i32
        %dma_start3A_95 = arith.constant 0 : i32
        %dma_start3A_96 = tpu.memref_slice %arg7[%dma_start3A_94, %dma_start3A_95] : memref<80x128xf32, #tpu.memory_space<vmem>> -> memref<48x128xf32, #tpu.memory_space<vmem>>
        %dma_start3A_97 = arith.constant 0 : i32
        %dma_start3A_98 = tpu.memref_slice %arg10[%add3A_93, %dma_start3A_97] : memref<10000x128xf32, #tpu.memory_space<vmem_shared>> -> memref<48x128xf32, #tpu.memory_space<vmem_shared>>
        %dma_start3A_99 = arith.constant 0 : i32
        %dma_start3A_100 = tpu.memref_slice %arg10[%add3A_93, %dma_start3A_99] : memref<10000x128xf32, #tpu.memory_space<vmem_shared>> -> memref<48x128xf32, #tpu.memory_space<vmem_shared>>
        %dma_start3A_101 = arith.constant 0 : i32
        %dma_start3A_102 = arith.constant 0 : i32
        %dma_start3A_103 = tpu.memref_slice %arg7[%dma_start3A_101, %dma_start3A_102] : memref<80x128xf32, #tpu.memory_space<vmem>> -> memref<48x128xf32, #tpu.memory_space<vmem>>
        tpu.enqueue_dma source(%dma_start3A_103 : memref<48x128xf32, #tpu.memory_space<vmem>>) target(%dma_start3A_100 : memref<48x128xf32, #tpu.memory_space<vmem_shared>>) target_semaphore(%run_scoped3A : memref<!tpu.dma_semaphore, #tpu.memory_space<semaphore_mem>>)
        %dma_wait3A_104 = arith.constant 0 : i32
        %dma_wait3A_105 = arith.constant 0 : i32
        %dma_wait3A_106 = tpu.memref_slice %arg7[%dma_wait3A_104, %dma_wait3A_105] : memref<80x128xf32, #tpu.memory_space<vmem>> -> memref<48x128xf32, #tpu.memory_space<vmem>>
        %dma_wait3A_107 = arith.constant 0 : i32
        %dma_wait3A_108 = tpu.memref_slice %arg10[%add3A_93, %dma_wait3A_107] : memref<10000x128xf32, #tpu.memory_space<vmem_shared>> -> memref<48x128xf32, #tpu.memory_space<vmem_shared>>
        %dma_wait3A_109 = arith.constant 0 : i32
        %dma_wait3A_110 = tpu.memref_slice %arg10[%add3A_93, %dma_wait3A_109] : memref<10000x128xf32, #tpu.memory_space<vmem_shared>> -> memref<48x128xf32, #tpu.memory_space<vmem_shared>>
        %dma_wait3A_111 = arith.constant 0 : i32
        %dma_wait3A_112 = arith.constant 0 : i32
        %dma_wait3A_113 = tpu.memref_slice %arg7[%dma_wait3A_111, %dma_wait3A_112] : memref<80x128xf32, #tpu.memory_space<vmem>> -> memref<48x128xf32, #tpu.memory_space<vmem>>
        tpu.wait_dma2 semaphore(%run_scoped3A : memref<!tpu.dma_semaphore, #tpu.memory_space<semaphore_mem>>) src(%dma_wait3A_113 : memref<48x128xf32, #tpu.memory_space<vmem>>) dst(%dma_wait3A_110 : memref<48x128xf32, #tpu.memory_space<vmem_shared>>)
        tpu.yield
      }) : () -> ()
    }
    %scan3A_34 = arith.constant 13 : i32
    %eq3A = arith.constant 0 : i32
    %eq3A_35 = arith.cmpi eq, %arg1, %eq3A : i32
    %convert_element_type3A = arith.extui %eq3A_35 : i1 to i32
    %cond3A = arith.constant 0 : i32
    %cond3A_36 = arith.cmpi ne, %convert_element_type3A, %cond3A : i32
    scf.if %cond3A_36 {
      "tpu.region"() ({
        %run_scoped3A = tpu.sem_alloc : memref<!tpu.dma_semaphore, #tpu.memory_space<semaphore_mem>>
        %dma_start3A_88 = arith.constant 0 : i32
        %dma_start3A_89 = arith.constant 0 : i32
        %dma_start3A_90 = tpu.memref_slice %arg7[%dma_start3A_88, %dma_start3A_89] : memref<80x128xf32, #tpu.memory_space<vmem>> -> memref<16x128xf32, #tpu.memory_space<vmem>>
        %dma_start3A_91 = arith.constant 9984 : i32
        %dma_start3A_92 = arith.constant 0 : i32
        %dma_start3A_93 = tpu.memref_slice %arg10[%dma_start3A_91, %dma_start3A_92] : memref<10000x128xf32, #tpu.memory_space<vmem_shared>> -> memref<16x128xf32, #tpu.memory_space<vmem_shared>>
        %dma_start3A_94 = arith.constant 9984 : i32
        %dma_start3A_95 = arith.constant 0 : i32
        %dma_start3A_96 = tpu.memref_slice %arg10[%dma_start3A_94, %dma_start3A_95] : memref<10000x128xf32, #tpu.memory_space<vmem_shared>> -> memref<16x128xf32, #tpu.memory_space<vmem_shared>>
        %dma_start3A_97 = arith.constant 0 : i32
        %dma_start3A_98 = arith.constant 0 : i32
        %dma_start3A_99 = tpu.memref_slice %arg7[%dma_start3A_97, %dma_start3A_98] : memref<80x128xf32, #tpu.memory_space<vmem>> -> memref<16x128xf32, #tpu.memory_space<vmem>>
        tpu.enqueue_dma source(%dma_start3A_99 : memref<16x128xf32, #tpu.memory_space<vmem>>) target(%dma_start3A_96 : memref<16x128xf32, #tpu.memory_space<vmem_shared>>) target_semaphore(%run_scoped3A : memref<!tpu.dma_semaphore, #tpu.memory_space<semaphore_mem>>)
        %dma_wait3A_100 = arith.constant 0 : i32
        %dma_wait3A_101 = arith.constant 0 : i32
        %dma_wait3A_102 = tpu.memref_slice %arg7[%dma_wait3A_100, %dma_wait3A_101] : memref<80x128xf32, #tpu.memory_space<vmem>> -> memref<16x128xf32, #tpu.memory_space<vmem>>
        %dma_wait3A_103 = arith.constant 9984 : i32
        %dma_wait3A_104 = arith.constant 0 : i32
        %dma_wait3A_105 = tpu.memref_slice %arg10[%dma_wait3A_103, %dma_wait3A_104] : memref<10000x128xf32, #tpu.memory_space<vmem_shared>> -> memref<16x128xf32, #tpu.memory_space<vmem_shared>>
        %dma_wait3A_106 = arith.constant 9984 : i32
        %dma_wait3A_107 = arith.constant 0 : i32
        %dma_wait3A_108 = tpu.memref_slice %arg10[%dma_wait3A_106, %dma_wait3A_107] : memref<10000x128xf32, #tpu.memory_space<vmem_shared>> -> memref<16x128xf32, #tpu.memory_space<vmem_shared>>
        %dma_wait3A_109 = arith.constant 0 : i32
        %dma_wait3A_110 = arith.constant 0 : i32
        %dma_wait3A_111 = tpu.memref_slice %arg7[%dma_wait3A_109, %dma_wait3A_110] : memref<80x128xf32, #tpu.memory_space<vmem>> -> memref<16x128xf32, #tpu.memory_space<vmem>>
        tpu.wait_dma2 semaphore(%run_scoped3A : memref<!tpu.dma_semaphore, #tpu.memory_space<semaphore_mem>>) src(%dma_wait3A_111 : memref<16x128xf32, #tpu.memory_space<vmem>>) dst(%dma_wait3A_108 : memref<16x128xf32, #tpu.memory_space<vmem_shared>>)
        tpu.yield
      }) : () -> ()
    } else {
    }
    %dma_start3A_37 = arith.constant 160 : i32
    %dma_start3A_38 = tpu.memref_slice %arg5[%dma_start3A_37] : memref<10000xi32, #tpu.memory_space<vmem>> -> memref<80xi32, #tpu.memory_space<vmem>>
    %dma_start3A_39 = arith.constant 0 : i32
    %dma_start3A_40 = arith.constant 0 : i32
    %dma_start3A_41 = tpu.memref_slice %arg2[%dma_start3A_39, %dma_start3A_40] : memref<10000x128xf32, #tpu.memory_space<hbm>> -> memref<10000x128xf32, #tpu.memory_space<hbm>>
    tpu.enqueue_indirect_dma source(%dma_start3A_41 : memref<10000x128xf32, #tpu.memory_space<hbm>>) target(%arg7 : memref<80x128xf32, #tpu.memory_space<vmem>>) offsets(%dma_start3A_38 : memref<80xi32, #tpu.memory_space<vmem>>) semaphore(%arg11 : memref<!tpu.dma_semaphore, #tpu.memory_space<semaphore_mem>>)
    %barrier3A = arith.constant 0 : index
    tpu.barrier barrier_id(%barrier3A)
    %scan3A_42 = arith.constant 0 : i32
    %scan3A_43 = arith.constant 40 : i32
    %scan3A_44 = arith.addi %scan3A_42, %scan3A_43 : i32
    %scan3A_45 = arith.constant 1 : i32
    scf.for %scan3A_88 = %scan3A_42 to %scan3A_44 step %scan3A_45  : i32 {
      %mul3A_89 = arith.constant 3 : i32
      %mul3A_90 = arith.muli %scan3A_88, %mul3A_89 : i32
      %add3A_91 = arith.constant 0 : i32
      %add3A_92 = arith.addi %add3A_91, %mul3A_90 : i32
      %mul3A_93 = arith.constant 80 : i32
      %mul3A_94 = arith.muli %add3A_92, %mul3A_93 : i32
      %dma_wait3A_95 = tpu.memref_slice %arg5[%mul3A_94] : memref<10000xi32, #tpu.memory_space<vmem>> -> memref<80xi32, #tpu.memory_space<vmem>>
      %dma_wait3A_96 = arith.constant 0 : i32
      %dma_wait3A_97 = arith.constant 0 : i32
      %dma_wait3A_98 = tpu.memref_slice %arg2[%dma_wait3A_96, %dma_wait3A_97] : memref<10000x128xf32, #tpu.memory_space<hbm>> -> memref<10000x128xf32, #tpu.memory_space<hbm>>
      tpu.wait_indirect_dma semaphore(%arg12 : memref<!tpu.dma_semaphore, #tpu.memory_space<semaphore_mem>>) src(%dma_wait3A_98 : memref<10000x128xf32, #tpu.memory_space<hbm>>) dst(%arg8 : memref<80x128xf32, #tpu.memory_space<vmem>>)
      %mul3A_99 = arith.constant 80 : i32
      %mul3A_100 = arith.muli %add3A_92, %mul3A_99 : i32
      "tpu.region"() ({
        %run_scoped3A = tpu.sem_alloc : memref<!tpu.dma_semaphore, #tpu.memory_space<semaphore_mem>>
        %dma_start3A_145 = tpu.memref_slice %arg6[%mul3A_100] : memref<10000xi32, #tpu.memory_space<vmem>> -> memref<80xi32, #tpu.memory_space<vmem>>
        %dma_start3A_146 = arith.constant 0 : i32
        %dma_start3A_147 = arith.constant 0 : i32
        %dma_start3A_148 = tpu.memref_slice %arg10[%dma_start3A_146, %dma_start3A_147] : memref<10000x128xf32, #tpu.memory_space<vmem_shared>> -> memref<10000x128xf32, #tpu.memory_space<vmem_shared>>
        tpu.enqueue_indirect_dma source(%arg8 : memref<80x128xf32, #tpu.memory_space<vmem>>) target(%dma_start3A_148 : memref<10000x128xf32, #tpu.memory_space<vmem_shared>>) offsets(%dma_start3A_145 : memref<80xi32, #tpu.memory_space<vmem>>) semaphore(%run_scoped3A : memref<!tpu.dma_semaphore, #tpu.memory_space<semaphore_mem>>) {add = true}
        %dma_wait3A_149 = tpu.memref_slice %arg6[%mul3A_100] : memref<10000xi32, #tpu.memory_space<vmem>> -> memref<80xi32, #tpu.memory_space<vmem>>
        %dma_wait3A_150 = arith.constant 0 : i32
        %dma_wait3A_151 = arith.constant 0 : i32
        %dma_wait3A_152 = tpu.memref_slice %arg10[%dma_wait3A_150, %dma_wait3A_151] : memref<10000x128xf32, #tpu.memory_space<vmem_shared>> -> memref<10000x128xf32, #tpu.memory_space<vmem_shared>>
        tpu.wait_indirect_dma semaphore(%run_scoped3A : memref<!tpu.dma_semaphore, #tpu.memory_space<semaphore_mem>>) src(%arg8 : memref<80x128xf32, #tpu.memory_space<vmem>>) dst(%dma_wait3A_152 : memref<10000x128xf32, #tpu.memory_space<vmem_shared>>)
        tpu.yield
      }) : () -> ()
      %add3A_101 = arith.constant 3 : i32
      %add3A_102 = arith.addi %add3A_92, %add3A_101 : i32
      %mul3A_103 = arith.constant 80 : i32
      %mul3A_104 = arith.muli %add3A_102, %mul3A_103 : i32
      %dma_start3A_105 = tpu.memref_slice %arg5[%mul3A_104] : memref<10000xi32, #tpu.memory_space<vmem>> -> memref<80xi32, #tpu.memory_space<vmem>>
      %dma_start3A_106 = arith.constant 0 : i32
      %dma_start3A_107 = arith.constant 0 : i32
      %dma_start3A_108 = tpu.memref_slice %arg2[%dma_start3A_106, %dma_start3A_107] : memref<10000x128xf32, #tpu.memory_space<hbm>> -> memref<10000x128xf32, #tpu.memory_space<hbm>>
      tpu.enqueue_indirect_dma source(%dma_start3A_108 : memref<10000x128xf32, #tpu.memory_space<hbm>>) target(%arg8 : memref<80x128xf32, #tpu.memory_space<vmem>>) offsets(%dma_start3A_105 : memref<80xi32, #tpu.memory_space<vmem>>) semaphore(%arg12 : memref<!tpu.dma_semaphore, #tpu.memory_space<semaphore_mem>>)
      %add3A_109 = arith.constant 1 : i32
      %add3A_110 = arith.addi %add3A_92, %add3A_109 : i32
      %mul3A_111 = arith.constant 80 : i32
      %mul3A_112 = arith.muli %add3A_110, %mul3A_111 : i32
      %dma_wait3A_113 = tpu.memref_slice %arg5[%mul3A_112] : memref<10000xi32, #tpu.memory_space<vmem>> -> memref<80xi32, #tpu.memory_space<vmem>>
      %dma_wait3A_114 = arith.constant 0 : i32
      %dma_wait3A_115 = arith.constant 0 : i32
      %dma_wait3A_116 = tpu.memref_slice %arg2[%dma_wait3A_114, %dma_wait3A_115] : memref<10000x128xf32, #tpu.memory_space<hbm>> -> memref<10000x128xf32, #tpu.memory_space<hbm>>
      tpu.wait_indirect_dma semaphore(%arg13 : memref<!tpu.dma_semaphore, #tpu.memory_space<semaphore_mem>>) src(%dma_wait3A_116 : memref<10000x128xf32, #tpu.memory_space<hbm>>) dst(%arg9 : memref<80x128xf32, #tpu.memory_space<vmem>>)
      %mul3A_117 = arith.constant 80 : i32
      %mul3A_118 = arith.muli %add3A_110, %mul3A_117 : i32
      "tpu.region"() ({
        %run_scoped3A = tpu.sem_alloc : memref<!tpu.dma_semaphore, #tpu.memory_space<semaphore_mem>>
        %dma_start3A_145 = tpu.memref_slice %arg6[%mul3A_118] : memref<10000xi32, #tpu.memory_space<vmem>> -> memref<80xi32, #tpu.memory_space<vmem>>
        %dma_start3A_146 = arith.constant 0 : i32
        %dma_start3A_147 = arith.constant 0 : i32
        %dma_start3A_148 = tpu.memref_slice %arg10[%dma_start3A_146, %dma_start3A_147] : memref<10000x128xf32, #tpu.memory_space<vmem_shared>> -> memref<10000x128xf32, #tpu.memory_space<vmem_shared>>
        tpu.enqueue_indirect_dma source(%arg9 : memref<80x128xf32, #tpu.memory_space<vmem>>) target(%dma_start3A_148 : memref<10000x128xf32, #tpu.memory_space<vmem_shared>>) offsets(%dma_start3A_145 : memref<80xi32, #tpu.memory_space<vmem>>) semaphore(%run_scoped3A : memref<!tpu.dma_semaphore, #tpu.memory_space<semaphore_mem>>) {add = true}
        %dma_wait3A_149 = tpu.memref_slice %arg6[%mul3A_118] : memref<10000xi32, #tpu.memory_space<vmem>> -> memref<80xi32, #tpu.memory_space<vmem>>
        %dma_wait3A_150 = arith.constant 0 : i32
        %dma_wait3A_151 = arith.constant 0 : i32
        %dma_wait3A_152 = tpu.memref_slice %arg10[%dma_wait3A_150, %dma_wait3A_151] : memref<10000x128xf32, #tpu.memory_space<vmem_shared>> -> memref<10000x128xf32, #tpu.memory_space<vmem_shared>>
        tpu.wait_indirect_dma semaphore(%run_scoped3A : memref<!tpu.dma_semaphore, #tpu.memory_space<semaphore_mem>>) src(%arg9 : memref<80x128xf32, #tpu.memory_space<vmem>>) dst(%dma_wait3A_152 : memref<10000x128xf32, #tpu.memory_space<vmem_shared>>)
        tpu.yield
      }) : () -> ()
      %add3A_119 = arith.constant 3 : i32
      %add3A_120 = arith.addi %add3A_110, %add3A_119 : i32
      %mul3A_121 = arith.constant 80 : i32
      %mul3A_122 = arith.muli %add3A_120, %mul3A_121 : i32
      %dma_start3A_123 = tpu.memref_slice %arg5[%mul3A_122] : memref<10000xi32, #tpu.memory_space<vmem>> -> memref<80xi32, #tpu.memory_space<vmem>>
      %dma_start3A_124 = arith.constant 0 : i32
      %dma_start3A_125 = arith.constant 0 : i32
      %dma_start3A_126 = tpu.memref_slice %arg2[%dma_start3A_124, %dma_start3A_125] : memref<10000x128xf32, #tpu.memory_space<hbm>> -> memref<10000x128xf32, #tpu.memory_space<hbm>>
      tpu.enqueue_indirect_dma source(%dma_start3A_126 : memref<10000x128xf32, #tpu.memory_space<hbm>>) target(%arg9 : memref<80x128xf32, #tpu.memory_space<vmem>>) offsets(%dma_start3A_123 : memref<80xi32, #tpu.memory_space<vmem>>) semaphore(%arg13 : memref<!tpu.dma_semaphore, #tpu.memory_space<semaphore_mem>>)
      %add3A_127 = arith.constant 2 : i32
      %add3A_128 = arith.addi %add3A_92, %add3A_127 : i32
      %mul3A_129 = arith.constant 80 : i32
      %mul3A_130 = arith.muli %add3A_128, %mul3A_129 : i32
      %dma_wait3A_131 = tpu.memref_slice %arg5[%mul3A_130] : memref<10000xi32, #tpu.memory_space<vmem>> -> memref<80xi32, #tpu.memory_space<vmem>>
      %dma_wait3A_132 = arith.constant 0 : i32
      %dma_wait3A_133 = arith.constant 0 : i32
      %dma_wait3A_134 = tpu.memref_slice %arg2[%dma_wait3A_132, %dma_wait3A_133] : memref<10000x128xf32, #tpu.memory_space<hbm>> -> memref<10000x128xf32, #tpu.memory_space<hbm>>
      tpu.wait_indirect_dma semaphore(%arg11 : memref<!tpu.dma_semaphore, #tpu.memory_space<semaphore_mem>>) src(%dma_wait3A_134 : memref<10000x128xf32, #tpu.memory_space<hbm>>) dst(%arg7 : memref<80x128xf32, #tpu.memory_space<vmem>>)
      %mul3A_135 = arith.constant 80 : i32
      %mul3A_136 = arith.muli %add3A_128, %mul3A_135 : i32
      "tpu.region"() ({
        %run_scoped3A = tpu.sem_alloc : memref<!tpu.dma_semaphore, #tpu.memory_space<semaphore_mem>>
        %dma_start3A_145 = tpu.memref_slice %arg6[%mul3A_136] : memref<10000xi32, #tpu.memory_space<vmem>> -> memref<80xi32, #tpu.memory_space<vmem>>
        %dma_start3A_146 = arith.constant 0 : i32
        %dma_start3A_147 = arith.constant 0 : i32
        %dma_start3A_148 = tpu.memref_slice %arg10[%dma_start3A_146, %dma_start3A_147] : memref<10000x128xf32, #tpu.memory_space<vmem_shared>> -> memref<10000x128xf32, #tpu.memory_space<vmem_shared>>
        tpu.enqueue_indirect_dma source(%arg7 : memref<80x128xf32, #tpu.memory_space<vmem>>) target(%dma_start3A_148 : memref<10000x128xf32, #tpu.memory_space<vmem_shared>>) offsets(%dma_start3A_145 : memref<80xi32, #tpu.memory_space<vmem>>) semaphore(%run_scoped3A : memref<!tpu.dma_semaphore, #tpu.memory_space<semaphore_mem>>) {add = true}
        %dma_wait3A_149 = tpu.memref_slice %arg6[%mul3A_136] : memref<10000xi32, #tpu.memory_space<vmem>> -> memref<80xi32, #tpu.memory_space<vmem>>
        %dma_wait3A_150 = arith.constant 0 : i32
        %dma_wait3A_151 = arith.constant 0 : i32
        %dma_wait3A_152 = tpu.memref_slice %arg10[%dma_wait3A_150, %dma_wait3A_151] : memref<10000x128xf32, #tpu.memory_space<vmem_shared>> -> memref<10000x128xf32, #tpu.memory_space<vmem_shared>>
        tpu.wait_indirect_dma semaphore(%run_scoped3A : memref<!tpu.dma_semaphore, #tpu.memory_space<semaphore_mem>>) src(%arg7 : memref<80x128xf32, #tpu.memory_space<vmem>>) dst(%dma_wait3A_152 : memref<10000x128xf32, #tpu.memory_space<vmem_shared>>)
        tpu.yield
      }) : () -> ()
      %add3A_137 = arith.constant 3 : i32
      %add3A_138 = arith.addi %add3A_128, %add3A_137 : i32
      %mul3A_139 = arith.constant 80 : i32
      %mul3A_140 = arith.muli %add3A_138, %mul3A_139 : i32
      %dma_start3A_141 = tpu.memref_slice %arg5[%mul3A_140] : memref<10000xi32, #tpu.memory_space<vmem>> -> memref<80xi32, #tpu.memory_space<vmem>>
      %dma_start3A_142 = arith.constant 0 : i32
      %dma_start3A_143 = arith.constant 0 : i32
      %dma_start3A_144 = tpu.memref_slice %arg2[%dma_start3A_142, %dma_start3A_143] : memref<10000x128xf32, #tpu.memory_space<hbm>> -> memref<10000x128xf32, #tpu.memory_space<hbm>>
      tpu.enqueue_indirect_dma source(%dma_start3A_144 : memref<10000x128xf32, #tpu.memory_space<hbm>>) target(%arg7 : memref<80x128xf32, #tpu.memory_space<vmem>>) offsets(%dma_start3A_141 : memref<80xi32, #tpu.memory_space<vmem>>) semaphore(%arg11 : memref<!tpu.dma_semaphore, #tpu.memory_space<semaphore_mem>>)
    }
    %scan3A_46 = arith.constant 40 : i32
    %dma_wait3A_47 = arith.constant 9600 : i32
    %dma_wait3A_48 = tpu.memref_slice %arg5[%dma_wait3A_47] : memref<10000xi32, #tpu.memory_space<vmem>> -> memref<80xi32, #tpu.memory_space<vmem>>
    %dma_wait3A_49 = arith.constant 0 : i32
    %dma_wait3A_50 = arith.constant 0 : i32
    %dma_wait3A_51 = tpu.memref_slice %arg2[%dma_wait3A_49, %dma_wait3A_50] : memref<10000x128xf32, #tpu.memory_space<hbm>> -> memref<10000x128xf32, #tpu.memory_space<hbm>>
    tpu.wait_indirect_dma semaphore(%arg12 : memref<!tpu.dma_semaphore, #tpu.memory_space<semaphore_mem>>) src(%dma_wait3A_51 : memref<10000x128xf32, #tpu.memory_space<hbm>>) dst(%arg8 : memref<80x128xf32, #tpu.memory_space<vmem>>)
    "tpu.region"() ({
      %run_scoped3A = tpu.sem_alloc : memref<!tpu.dma_semaphore, #tpu.memory_space<semaphore_mem>>
      %dma_start3A_88 = arith.constant 9600 : i32
      %dma_start3A_89 = tpu.memref_slice %arg6[%dma_start3A_88] : memref<10000xi32, #tpu.memory_space<vmem>> -> memref<80xi32, #tpu.memory_space<vmem>>
      %dma_start3A_90 = arith.constant 0 : i32
      %dma_start3A_91 = arith.constant 0 : i32
      %dma_start3A_92 = tpu.memref_slice %arg10[%dma_start3A_90, %dma_start3A_91] : memref<10000x128xf32, #tpu.memory_space<vmem_shared>> -> memref<10000x128xf32, #tpu.memory_space<vmem_shared>>
      tpu.enqueue_indirect_dma source(%arg8 : memref<80x128xf32, #tpu.memory_space<vmem>>) target(%dma_start3A_92 : memref<10000x128xf32, #tpu.memory_space<vmem_shared>>) offsets(%dma_start3A_89 : memref<80xi32, #tpu.memory_space<vmem>>) semaphore(%run_scoped3A : memref<!tpu.dma_semaphore, #tpu.memory_space<semaphore_mem>>) {add = true}
      %dma_wait3A_93 = arith.constant 9600 : i32
      %dma_wait3A_94 = tpu.memref_slice %arg6[%dma_wait3A_93] : memref<10000xi32, #tpu.memory_space<vmem>> -> memref<80xi32, #tpu.memory_space<vmem>>
      %dma_wait3A_95 = arith.constant 0 : i32
      %dma_wait3A_96 = arith.constant 0 : i32
      %dma_wait3A_97 = tpu.memref_slice %arg10[%dma_wait3A_95, %dma_wait3A_96] : memref<10000x128xf32, #tpu.memory_space<vmem_shared>> -> memref<10000x128xf32, #tpu.memory_space<vmem_shared>>
      tpu.wait_indirect_dma semaphore(%run_scoped3A : memref<!tpu.dma_semaphore, #tpu.memory_space<semaphore_mem>>) src(%arg8 : memref<80x128xf32, #tpu.memory_space<vmem>>) dst(%dma_wait3A_97 : memref<10000x128xf32, #tpu.memory_space<vmem_shared>>)
      tpu.yield
    }) : () -> ()
    %dma_start3A_52 = arith.constant 9840 : i32
    %dma_start3A_53 = tpu.memref_slice %arg5[%dma_start3A_52] : memref<10000xi32, #tpu.memory_space<vmem>> -> memref<80xi32, #tpu.memory_space<vmem>>
    %dma_start3A_54 = arith.constant 0 : i32
    %dma_start3A_55 = arith.constant 0 : i32
    %dma_start3A_56 = tpu.memref_slice %arg2[%dma_start3A_54, %dma_start3A_55] : memref<10000x128xf32, #tpu.memory_space<hbm>> -> memref<10000x128xf32, #tpu.memory_space<hbm>>
    tpu.enqueue_indirect_dma source(%dma_start3A_56 : memref<10000x128xf32, #tpu.memory_space<hbm>>) target(%arg8 : memref<80x128xf32, #tpu.memory_space<vmem>>) offsets(%dma_start3A_53 : memref<80xi32, #tpu.memory_space<vmem>>) semaphore(%arg12 : memref<!tpu.dma_semaphore, #tpu.memory_space<semaphore_mem>>)
    %dma_wait3A_57 = arith.constant 9680 : i32
    %dma_wait3A_58 = tpu.memref_slice %arg5[%dma_wait3A_57] : memref<10000xi32, #tpu.memory_space<vmem>> -> memref<80xi32, #tpu.memory_space<vmem>>
    %dma_wait3A_59 = arith.constant 0 : i32
    %dma_wait3A_60 = arith.constant 0 : i32
    %dma_wait3A_61 = tpu.memref_slice %arg2[%dma_wait3A_59, %dma_wait3A_60] : memref<10000x128xf32, #tpu.memory_space<hbm>> -> memref<10000x128xf32, #tpu.memory_space<hbm>>
    tpu.wait_indirect_dma semaphore(%arg13 : memref<!tpu.dma_semaphore, #tpu.memory_space<semaphore_mem>>) src(%dma_wait3A_61 : memref<10000x128xf32, #tpu.memory_space<hbm>>) dst(%arg9 : memref<80x128xf32, #tpu.memory_space<vmem>>)
    "tpu.region"() ({
      %run_scoped3A = tpu.sem_alloc : memref<!tpu.dma_semaphore, #tpu.memory_space<semaphore_mem>>
      %dma_start3A_88 = arith.constant 9680 : i32
      %dma_start3A_89 = tpu.memref_slice %arg6[%dma_start3A_88] : memref<10000xi32, #tpu.memory_space<vmem>> -> memref<80xi32, #tpu.memory_space<vmem>>
      %dma_start3A_90 = arith.constant 0 : i32
      %dma_start3A_91 = arith.constant 0 : i32
      %dma_start3A_92 = tpu.memref_slice %arg10[%dma_start3A_90, %dma_start3A_91] : memref<10000x128xf32, #tpu.memory_space<vmem_shared>> -> memref<10000x128xf32, #tpu.memory_space<vmem_shared>>
      tpu.enqueue_indirect_dma source(%arg9 : memref<80x128xf32, #tpu.memory_space<vmem>>) target(%dma_start3A_92 : memref<10000x128xf32, #tpu.memory_space<vmem_shared>>) offsets(%dma_start3A_89 : memref<80xi32, #tpu.memory_space<vmem>>) semaphore(%run_scoped3A : memref<!tpu.dma_semaphore, #tpu.memory_space<semaphore_mem>>) {add = true}
      %dma_wait3A_93 = arith.constant 9680 : i32
      %dma_wait3A_94 = tpu.memref_slice %arg6[%dma_wait3A_93] : memref<10000xi32, #tpu.memory_space<vmem>> -> memref<80xi32, #tpu.memory_space<vmem>>
      %dma_wait3A_95 = arith.constant 0 : i32
      %dma_wait3A_96 = arith.constant 0 : i32
      %dma_wait3A_97 = tpu.memref_slice %arg10[%dma_wait3A_95, %dma_wait3A_96] : memref<10000x128xf32, #tpu.memory_space<vmem_shared>> -> memref<10000x128xf32, #tpu.memory_space<vmem_shared>>
      tpu.wait_indirect_dma semaphore(%run_scoped3A : memref<!tpu.dma_semaphore, #tpu.memory_space<semaphore_mem>>) src(%arg9 : memref<80x128xf32, #tpu.memory_space<vmem>>) dst(%dma_wait3A_97 : memref<10000x128xf32, #tpu.memory_space<vmem_shared>>)
      tpu.yield
    }) : () -> ()
    %dma_start3A_62 = arith.constant 9920 : i32
    %dma_start3A_63 = tpu.memref_slice %arg5[%dma_start3A_62] : memref<10000xi32, #tpu.memory_space<vmem>> -> memref<80xi32, #tpu.memory_space<vmem>>
    %dma_start3A_64 = arith.constant 0 : i32
    %dma_start3A_65 = arith.constant 0 : i32
    %dma_start3A_66 = tpu.memref_slice %arg2[%dma_start3A_64, %dma_start3A_65] : memref<10000x128xf32, #tpu.memory_space<hbm>> -> memref<10000x128xf32, #tpu.memory_space<hbm>>
    tpu.enqueue_indirect_dma source(%dma_start3A_66 : memref<10000x128xf32, #tpu.memory_space<hbm>>) target(%arg9 : memref<80x128xf32, #tpu.memory_space<vmem>>) offsets(%dma_start3A_63 : memref<80xi32, #tpu.memory_space<vmem>>) semaphore(%arg13 : memref<!tpu.dma_semaphore, #tpu.memory_space<semaphore_mem>>)
    %dma_wait3A_67 = arith.constant 9760 : i32
    %dma_wait3A_68 = tpu.memref_slice %arg5[%dma_wait3A_67] : memref<10000xi32, #tpu.memory_space<vmem>> -> memref<80xi32, #tpu.memory_space<vmem>>
    %dma_wait3A_69 = arith.constant 0 : i32
    %dma_wait3A_70 = arith.constant 0 : i32
    %dma_wait3A_71 = tpu.memref_slice %arg2[%dma_wait3A_69, %dma_wait3A_70] : memref<10000x128xf32, #tpu.memory_space<hbm>> -> memref<10000x128xf32, #tpu.memory_space<hbm>>
    tpu.wait_indirect_dma semaphore(%arg11 : memref<!tpu.dma_semaphore, #tpu.memory_space<semaphore_mem>>) src(%dma_wait3A_71 : memref<10000x128xf32, #tpu.memory_space<hbm>>) dst(%arg7 : memref<80x128xf32, #tpu.memory_space<vmem>>)
    "tpu.region"() ({
      %run_scoped3A = tpu.sem_alloc : memref<!tpu.dma_semaphore, #tpu.memory_space<semaphore_mem>>
      %dma_start3A_88 = arith.constant 9760 : i32
      %dma_start3A_89 = tpu.memref_slice %arg6[%dma_start3A_88] : memref<10000xi32, #tpu.memory_space<vmem>> -> memref<80xi32, #tpu.memory_space<vmem>>
      %dma_start3A_90 = arith.constant 0 : i32
      %dma_start3A_91 = arith.constant 0 : i32
      %dma_start3A_92 = tpu.memref_slice %arg10[%dma_start3A_90, %dma_start3A_91] : memref<10000x128xf32, #tpu.memory_space<vmem_shared>> -> memref<10000x128xf32, #tpu.memory_space<vmem_shared>>
      tpu.enqueue_indirect_dma source(%arg7 : memref<80x128xf32, #tpu.memory_space<vmem>>) target(%dma_start3A_92 : memref<10000x128xf32, #tpu.memory_space<vmem_shared>>) offsets(%dma_start3A_89 : memref<80xi32, #tpu.memory_space<vmem>>) semaphore(%run_scoped3A : memref<!tpu.dma_semaphore, #tpu.memory_space<semaphore_mem>>) {add = true}
      %dma_wait3A_93 = arith.constant 9760 : i32
      %dma_wait3A_94 = tpu.memref_slice %arg6[%dma_wait3A_93] : memref<10000xi32, #tpu.memory_space<vmem>> -> memref<80xi32, #tpu.memory_space<vmem>>
      %dma_wait3A_95 = arith.constant 0 : i32
      %dma_wait3A_96 = arith.constant 0 : i32
      %dma_wait3A_97 = tpu.memref_slice %arg10[%dma_wait3A_95, %dma_wait3A_96] : memref<10000x128xf32, #tpu.memory_space<vmem_shared>> -> memref<10000x128xf32, #tpu.memory_space<vmem_shared>>
      tpu.wait_indirect_dma semaphore(%run_scoped3A : memref<!tpu.dma_semaphore, #tpu.memory_space<semaphore_mem>>) src(%arg7 : memref<80x128xf32, #tpu.memory_space<vmem>>) dst(%dma_wait3A_97 : memref<10000x128xf32, #tpu.memory_space<vmem_shared>>)
      tpu.yield
    }) : () -> ()
    %dma_wait3A_72 = arith.constant 9840 : i32
    %dma_wait3A_73 = tpu.memref_slice %arg5[%dma_wait3A_72] : memref<10000xi32, #tpu.memory_space<vmem>> -> memref<80xi32, #tpu.memory_space<vmem>>
    %dma_wait3A_74 = arith.constant 0 : i32
    %dma_wait3A_75 = arith.constant 0 : i32
    %dma_wait3A_76 = tpu.memref_slice %arg2[%dma_wait3A_74, %dma_wait3A_75] : memref<10000x128xf32, #tpu.memory_space<hbm>> -> memref<10000x128xf32, #tpu.memory_space<hbm>>
    tpu.wait_indirect_dma semaphore(%arg12 : memref<!tpu.dma_semaphore, #tpu.memory_space<semaphore_mem>>) src(%dma_wait3A_76 : memref<10000x128xf32, #tpu.memory_space<hbm>>) dst(%arg8 : memref<80x128xf32, #tpu.memory_space<vmem>>)
    "tpu.region"() ({
      %run_scoped3A = tpu.sem_alloc : memref<!tpu.dma_semaphore, #tpu.memory_space<semaphore_mem>>
      %dma_start3A_88 = arith.constant 9840 : i32
      %dma_start3A_89 = tpu.memref_slice %arg6[%dma_start3A_88] : memref<10000xi32, #tpu.memory_space<vmem>> -> memref<80xi32, #tpu.memory_space<vmem>>
      %dma_start3A_90 = arith.constant 0 : i32
      %dma_start3A_91 = arith.constant 0 : i32
      %dma_start3A_92 = tpu.memref_slice %arg10[%dma_start3A_90, %dma_start3A_91] : memref<10000x128xf32, #tpu.memory_space<vmem_shared>> -> memref<10000x128xf32, #tpu.memory_space<vmem_shared>>
      tpu.enqueue_indirect_dma source(%arg8 : memref<80x128xf32, #tpu.memory_space<vmem>>) target(%dma_start3A_92 : memref<10000x128xf32, #tpu.memory_space<vmem_shared>>) offsets(%dma_start3A_89 : memref<80xi32, #tpu.memory_space<vmem>>) semaphore(%run_scoped3A : memref<!tpu.dma_semaphore, #tpu.memory_space<semaphore_mem>>) {add = true}
      %dma_wait3A_93 = arith.constant 9840 : i32
      %dma_wait3A_94 = tpu.memref_slice %arg6[%dma_wait3A_93] : memref<10000xi32, #tpu.memory_space<vmem>> -> memref<80xi32, #tpu.memory_space<vmem>>
      %dma_wait3A_95 = arith.constant 0 : i32
      %dma_wait3A_96 = arith.constant 0 : i32
      %dma_wait3A_97 = tpu.memref_slice %arg10[%dma_wait3A_95, %dma_wait3A_96] : memref<10000x128xf32, #tpu.memory_space<vmem_shared>> -> memref<10000x128xf32, #tpu.memory_space<vmem_shared>>
      tpu.wait_indirect_dma semaphore(%run_scoped3A : memref<!tpu.dma_semaphore, #tpu.memory_space<semaphore_mem>>) src(%arg8 : memref<80x128xf32, #tpu.memory_space<vmem>>) dst(%dma_wait3A_97 : memref<10000x128xf32, #tpu.memory_space<vmem_shared>>)
      tpu.yield
    }) : () -> ()
    %dma_wait3A_77 = arith.constant 9920 : i32
    %dma_wait3A_78 = tpu.memref_slice %arg5[%dma_wait3A_77] : memref<10000xi32, #tpu.memory_space<vmem>> -> memref<80xi32, #tpu.memory_space<vmem>>
    %dma_wait3A_79 = arith.constant 0 : i32
    %dma_wait3A_80 = arith.constant 0 : i32
    %dma_wait3A_81 = tpu.memref_slice %arg2[%dma_wait3A_79, %dma_wait3A_80] : memref<10000x128xf32, #tpu.memory_space<hbm>> -> memref<10000x128xf32, #tpu.memory_space<hbm>>
    tpu.wait_indirect_dma semaphore(%arg13 : memref<!tpu.dma_semaphore, #tpu.memory_space<semaphore_mem>>) src(%dma_wait3A_81 : memref<10000x128xf32, #tpu.memory_space<hbm>>) dst(%arg9 : memref<80x128xf32, #tpu.memory_space<vmem>>)
    "tpu.region"() ({
      %run_scoped3A = tpu.sem_alloc : memref<!tpu.dma_semaphore, #tpu.memory_space<semaphore_mem>>
      %dma_start3A_88 = arith.constant 9920 : i32
      %dma_start3A_89 = tpu.memref_slice %arg6[%dma_start3A_88] : memref<10000xi32, #tpu.memory_space<vmem>> -> memref<80xi32, #tpu.memory_space<vmem>>
      %dma_start3A_90 = arith.constant 0 : i32
      %dma_start3A_91 = arith.constant 0 : i32
      %dma_start3A_92 = tpu.memref_slice %arg10[%dma_start3A_90, %dma_start3A_91] : memref<10000x128xf32, #tpu.memory_space<vmem_shared>> -> memref<10000x128xf32, #tpu.memory_space<vmem_shared>>
      tpu.enqueue_indirect_dma source(%arg9 : memref<80x128xf32, #tpu.memory_space<vmem>>) target(%dma_start3A_92 : memref<10000x128xf32, #tpu.memory_space<vmem_shared>>) offsets(%dma_start3A_89 : memref<80xi32, #tpu.memory_space<vmem>>) semaphore(%run_scoped3A : memref<!tpu.dma_semaphore, #tpu.memory_space<semaphore_mem>>) {add = true}
      %dma_wait3A_93 = arith.constant 9920 : i32
      %dma_wait3A_94 = tpu.memref_slice %arg6[%dma_wait3A_93] : memref<10000xi32, #tpu.memory_space<vmem>> -> memref<80xi32, #tpu.memory_space<vmem>>
      %dma_wait3A_95 = arith.constant 0 : i32
      %dma_wait3A_96 = arith.constant 0 : i32
      %dma_wait3A_97 = tpu.memref_slice %arg10[%dma_wait3A_95, %dma_wait3A_96] : memref<10000x128xf32, #tpu.memory_space<vmem_shared>> -> memref<10000x128xf32, #tpu.memory_space<vmem_shared>>
      tpu.wait_indirect_dma semaphore(%run_scoped3A : memref<!tpu.dma_semaphore, #tpu.memory_space<semaphore_mem>>) src(%arg9 : memref<80x128xf32, #tpu.memory_space<vmem>>) dst(%dma_wait3A_97 : memref<10000x128xf32, #tpu.memory_space<vmem_shared>>)
      tpu.yield
    }) : () -> ()
    %barrier3A_82 = arith.constant 0 : index
    tpu.barrier barrier_id(%barrier3A_82)
    "tpu.region"() ({
      %run_scoped3A = tpu.sem_alloc : memref<!tpu.dma_semaphore, #tpu.memory_space<semaphore_mem>>
      %dma_start3A_88 = arith.constant 0 : i32
      %dma_start3A_89 = tpu.memref_slice %arg4[%arg0, %mul3A_29, %dma_start3A_88] : memref<2x10000x128xf32, #tpu.memory_space<hbm>> -> memref<1x624x128xf32, #tpu.memory_space<hbm>>
      %dma_start3A_90 = tpu.memref_squeeze %dma_start3A_89 : memref<1x624x128xf32, #tpu.memory_space<hbm>> -> memref<624x128xf32, #tpu.memory_space<hbm>>
      %dma_start3A_91 = arith.constant 0 : i32
      %dma_start3A_92 = tpu.memref_slice %arg10[%mul3A_29, %dma_start3A_91] : memref<10000x128xf32, #tpu.memory_space<vmem_shared>> -> memref<624x128xf32, #tpu.memory_space<vmem_shared>>
      tpu.enqueue_dma source(%dma_start3A_92 : memref<624x128xf32, #tpu.memory_space<vmem_shared>>) target(%dma_start3A_90 : memref<624x128xf32, #tpu.memory_space<hbm>>) target_semaphore(%run_scoped3A : memref<!tpu.dma_semaphore, #tpu.memory_space<semaphore_mem>>)
      %dma_wait3A_93 = arith.constant 0 : i32
      %dma_wait3A_94 = tpu.memref_slice %arg4[%arg0, %mul3A_29, %dma_wait3A_93] : memref<2x10000x128xf32, #tpu.memory_space<hbm>> -> memref<1x624x128xf32, #tpu.memory_space<hbm>>
      %dma_wait3A_95 = tpu.memref_squeeze %dma_wait3A_94 : memref<1x624x128xf32, #tpu.memory_space<hbm>> -> memref<624x128xf32, #tpu.memory_space<hbm>>
      %dma_wait3A_96 = arith.constant 0 : i32
      %dma_wait3A_97 = tpu.memref_slice %arg10[%mul3A_29, %dma_wait3A_96] : memref<10000x128xf32, #tpu.memory_space<vmem_shared>> -> memref<624x128xf32, #tpu.memory_space<vmem_shared>>
      tpu.wait_dma2 semaphore(%run_scoped3A : memref<!tpu.dma_semaphore, #tpu.memory_space<semaphore_mem>>) src(%dma_wait3A_97 : memref<624x128xf32, #tpu.memory_space<vmem_shared>>) dst(%dma_wait3A_95 : memref<624x128xf32, #tpu.memory_space<hbm>>)
      tpu.yield
    }) : () -> ()
    %eq3A_83 = arith.constant 0 : i32
    %eq3A_84 = arith.cmpi eq, %arg1, %eq3A_83 : i32
    %convert_element_type3A_85 = arith.extui %eq3A_84 : i1 to i32
    %cond3A_86 = arith.constant 0 : i32
    %cond3A_87 = arith.cmpi ne, %convert_element_type3A_85, %cond3A_86 : i32
    scf.if %cond3A_87 {
      "tpu.region"() ({
        %run_scoped3A = tpu.sem_alloc : memref<!tpu.dma_semaphore, #tpu.memory_space<semaphore_mem>>
        %dma_start3A_88 = arith.constant 9984 : i32
        %dma_start3A_89 = arith.constant 0 : i32
        %dma_start3A_90 = tpu.memref_slice %arg4[%arg0, %dma_start3A_88, %dma_start3A_89] : memref<2x10000x128xf32, #tpu.memory_space<hbm>> -> memref<1x16x128xf32, #tpu.memory_space<hbm>>
        %dma_start3A_91 = tpu.memref_squeeze %dma_start3A_90 : memref<1x16x128xf32, #tpu.memory_space<hbm>> -> memref<16x128xf32, #tpu.memory_space<hbm>>
        %dma_start3A_92 = arith.constant 9984 : i32
        %dma_start3A_93 = arith.constant 0 : i32
        %dma_start3A_94 = tpu.memref_slice %arg10[%dma_start3A_92, %dma_start3A_93] : memref<10000x128xf32, #tpu.memory_space<vmem_shared>> -> memref<16x128xf32, #tpu.memory_space<vmem_shared>>
        tpu.enqueue_dma source(%dma_start3A_94 : memref<16x128xf32, #tpu.memory_space<vmem_shared>>) target(%dma_start3A_91 : memref<16x128xf32, #tpu.memory_space<hbm>>) target_semaphore(%run_scoped3A : memref<!tpu.dma_semaphore, #tpu.memory_space<semaphore_mem>>)
        %dma_wait3A_95 = arith.constant 9984 : i32
        %dma_wait3A_96 = arith.constant 0 : i32
        %dma_wait3A_97 = tpu.memref_slice %arg4[%arg0, %dma_wait3A_95, %dma_wait3A_96] : memref<2x10000x128xf32, #tpu.memory_space<hbm>> -> memref<1x16x128xf32, #tpu.memory_space<hbm>>
        %dma_wait3A_98 = tpu.memref_squeeze %dma_wait3A_97 : memref<1x16x128xf32, #tpu.memory_space<hbm>> -> memref<16x128xf32, #tpu.memory_space<hbm>>
        %dma_wait3A_99 = arith.constant 9984 : i32
        %dma_wait3A_100 = arith.constant 0 : i32
        %dma_wait3A_101 = tpu.memref_slice %arg10[%dma_wait3A_99, %dma_wait3A_100] : memref<10000x128xf32, #tpu.memory_space<vmem_shared>> -> memref<16x128xf32, #tpu.memory_space<vmem_shared>>
        tpu.wait_dma2 semaphore(%run_scoped3A : memref<!tpu.dma_semaphore, #tpu.memory_space<semaphore_mem>>) src(%dma_wait3A_101 : memref<16x128xf32, #tpu.memory_space<vmem_shared>>) dst(%dma_wait3A_98 : memref<16x128xf32, #tpu.memory_space<hbm>>)
        tpu.yield
      }) : () -> ()
    } else {
    }
    return
  }
}

#map = affine_map<(d0, d1) -> (0, 0)>
#map1 = affine_map<(d0, d1) -> (0)>
#map2 = affine_map<(d0, d1) -> (0, 0, 0)>
module attributes {stable_mosaic.version = 14 : i64} {
  func.func @k(%arg0: i32, %arg1: i32, %arg2: memref<10000x128xf32, #tpu.memory_space<hbm>>, %arg3: memref<640000xi32, #tpu.memory_space<hbm>>, %arg4: memref<2x10000x128xf32, #tpu.memory_space<hbm>>, %arg5: memref<10000xi32, #tpu.memory_space<vmem>>, %arg6: memref<10000xi32, #tpu.memory_space<vmem>>, %arg7: memref<80x128xf32, #tpu.memory_space<vmem>>, %arg8: memref<80x128xf32, #tpu.memory_space<vmem>>, %arg9: memref<80x128xf32, #tpu.memory_space<vmem>>, %arg10: memref<10000x128xf32, #tpu.memory_space<vmem_shared>>, %arg11: memref<!tpu.dma_semaphore, #tpu.memory_space<semaphore_mem>>, %arg12: memref<!tpu.dma_semaphore, #tpu.memory_space<semaphore_mem>>, %arg13: memref<!tpu.dma_semaphore, #tpu.memory_space<semaphore_mem>>, %arg14: memref<!tpu.dma_semaphore, #tpu.memory_space<semaphore_mem>>) attributes {dimension_semantics = [#tpu.dimension_semantics<core_parallel>, #tpu.dimension_semantics<subcore_parallel>], iteration_bounds = array<i64: 2, 16>, scalar_prefetch = 0 : i64, scratch_operands = 10 : i64, tpu.core_type = #tpu.core_type<sc_vector_subcore>, window_params = [{transform_indices = #map}, {transform_indices = #map1}, {transform_indices = #map2}]} {
    %mul3A = arith.constant 16 : i32
    %mul3A_0 = arith.muli %arg0, %mul3A : i32
    %add3A = arith.addi %mul3A_0, %arg1 : i32
    %mul3A_1 = arith.constant 10000 : i32
    %mul3A_2 = arith.muli %add3A, %mul3A_1 : i32
    %dma_start3A = tpu.memref_slice %arg3[%mul3A_2] : memref<640000xi32, #tpu.memory_space<hbm>> -> memref<10000xi32, #tpu.memory_space<hbm>>
    %dma_start3A_3 = tpu.memref_slice %arg3[%mul3A_2] : memref<640000xi32, #tpu.memory_space<hbm>> -> memref<10000xi32, #tpu.memory_space<hbm>>
    tpu.enqueue_dma source(%dma_start3A_3 : memref<10000xi32, #tpu.memory_space<hbm>>) target(%arg5 : memref<10000xi32, #tpu.memory_space<vmem>>) target_semaphore(%arg14 : memref<!tpu.dma_semaphore, #tpu.memory_space<semaphore_mem>>)
    %mul3A_4 = arith.constant 10000 : i32
    %mul3A_5 = arith.muli %add3A, %mul3A_4 : i32
    %add3A_6 = arith.constant 320000 : i32
    %add3A_7 = arith.addi %add3A_6, %mul3A_5 : i32
    %dma_start3A_8 = tpu.memref_slice %arg3[%add3A_7] : memref<640000xi32, #tpu.memory_space<hbm>> -> memref<10000xi32, #tpu.memory_space<hbm>>
    %dma_start3A_9 = tpu.memref_slice %arg3[%add3A_7] : memref<640000xi32, #tpu.memory_space<hbm>> -> memref<10000xi32, #tpu.memory_space<hbm>>
    tpu.enqueue_dma source(%dma_start3A_9 : memref<10000xi32, #tpu.memory_space<hbm>>) target(%arg6 : memref<10000xi32, #tpu.memory_space<vmem>>) target_semaphore(%arg14 : memref<!tpu.dma_semaphore, #tpu.memory_space<semaphore_mem>>)
    %broadcast_in_dim3A = arith.constant 0.000000e+00 : f32
    %broadcast_in_dim3A_10 = vector.broadcast %broadcast_in_dim3A : f32 to vector<16xf32>
    %scan3A = arith.constant 0 : i32
    %scan3A_11 = arith.constant 48 : i32
    %scan3A_12 = arith.addi %scan3A, %scan3A_11 : i32
    %scan3A_13 = arith.constant 1 : i32
    scf.for %scan3A_88 = %scan3A to %scan3A_12 step %scan3A_13  : i32 {
      %mul3A_89 = arith.constant 1 : i32
      %mul3A_90 = arith.muli %scan3A_88, %mul3A_89 : i32
      %add3A_91 = arith.constant 0 : i32
      %add3A_92 = arith.addi %add3A_91, %mul3A_90 : i32
      %scan3A_93 = arith.constant 0 : i32
      %scan3A_94 = arith.constant 8 : i32
      %scan3A_95 = arith.addi %scan3A_93, %scan3A_94 : i32
      %scan3A_96 = arith.constant 1 : i32
      scf.for %scan3A_98 = %scan3A_93 to %scan3A_95 step %scan3A_96  : i32 {
        %mul3A_99 = arith.constant 16 : i32
        %mul3A_100 = arith.muli %scan3A_98, %mul3A_99 : i32
        %add3A_101 = arith.constant 0 : i32
        %add3A_102 = arith.addi %add3A_101, %mul3A_100 : i32
        %swap3A = arith.index_cast %add3A_92 : i32 to index
        %swap3A_103 = arith.index_cast %add3A_102 : i32 to index
        %swap3A_104 = tpu.vector_load %arg7[%swap3A, %swap3A_103] {strides = array<i32>} : memref<80x128xf32, #tpu.memory_space<vmem>>, vector<1x16xf32>,
        %swap3A_105 = vector.shape_cast %swap3A_104 : vector<1x16xf32> to vector<16xf32>
        %swap3A_106 = vector.shape_cast %broadcast_in_dim3A_10 : vector<16xf32> to vector<1x16xf32>
        tpu.vector_store %arg7[%swap3A, %swap3A_103], %swap3A_106 {strides = array<i32>} : memref<80x128xf32, #tpu.memory_space<vmem>>, vector<1x16xf32>,
      }
      %scan3A_97 = arith.constant 8 : i32
    }
    %scan3A_14 = arith.constant 48 : i32
    %dma_wait3A = tpu.memref_slice %arg3[%mul3A_2] : memref<640000xi32, #tpu.memory_space<hbm>> -> memref<10000xi32, #tpu.memory_space<hbm>>
    %dma_wait3A_15 = tpu.memref_slice %arg3[%mul3A_2] : memref<640000xi32, #tpu.memory_space<hbm>> -> memref<10000xi32, #tpu.memory_space<hbm>>
    tpu.wait_dma2 semaphore(%arg14 : memref<!tpu.dma_semaphore, #tpu.memory_space<semaphore_mem>>) src(%dma_wait3A_15 : memref<10000xi32, #tpu.memory_space<hbm>>) dst(%arg5 : memref<10000xi32, #tpu.memory_space<vmem>>)
    %dma_wait3A_16 = tpu.memref_slice %arg3[%add3A_7] : memref<640000xi32, #tpu.memory_space<hbm>> -> memref<10000xi32, #tpu.memory_space<hbm>>
    %dma_wait3A_17 = tpu.memref_slice %arg3[%add3A_7] : memref<640000xi32, #tpu.memory_space<hbm>> -> memref<10000xi32, #tpu.memory_space<hbm>>
    tpu.wait_dma2 semaphore(%arg14 : memref<!tpu.dma_semaphore, #tpu.memory_space<semaphore_mem>>) src(%dma_wait3A_17 : memref<10000xi32, #tpu.memory_space<hbm>>) dst(%arg6 : memref<10000xi32, #tpu.memory_space<vmem>>)
    %dma_start3A_18 = arith.constant 0 : i32
    %dma_start3A_19 = tpu.memref_slice %arg5[%dma_start3A_18] : memref<10000xi32, #tpu.memory_space<vmem>> -> memref<80xi32, #tpu.memory_space<vmem>>
    %dma_start3A_20 = arith.constant 0 : i32
    %dma_start3A_21 = arith.constant 0 : i32
    %dma_start3A_22 = tpu.memref_slice %arg2[%dma_start3A_20, %dma_start3A_21] : memref<10000x128xf32, #tpu.memory_space<hbm>> -> memref<10000x128xf32, #tpu.memory_space<hbm>>
    tpu.enqueue_indirect_dma source(%dma_start3A_22 : memref<10000x128xf32, #tpu.memory_space<hbm>>) target(%arg8 : memref<80x128xf32, #tpu.memory_space<vmem>>) offsets(%dma_start3A_19 : memref<80xi32, #tpu.memory_space<vmem>>) semaphore(%arg12 : memref<!tpu.dma_semaphore, #tpu.memory_space<semaphore_mem>>)
    %dma_start3A_23 = arith.constant 80 : i32
    %dma_start3A_24 = tpu.memref_slice %arg5[%dma_start3A_23] : memref<10000xi32, #tpu.memory_space<vmem>> -> memref<80xi32, #tpu.memory_space<vmem>>
    %dma_start3A_25 = arith.constant 0 : i32
    %dma_start3A_26 = arith.constant 0 : i32
    %dma_start3A_27 = tpu.memref_slice %arg2[%dma_start3A_25, %dma_start3A_26] : memref<10000x128xf32, #tpu.memory_space<hbm>> -> memref<10000x128xf32, #tpu.memory_space<hbm>>
    tpu.enqueue_indirect_dma source(%dma_start3A_27 : memref<10000x128xf32, #tpu.memory_space<hbm>>) target(%arg9 : memref<80x128xf32, #tpu.memory_space<vmem>>) offsets(%dma_start3A_24 : memref<80xi32, #tpu.memory_space<vmem>>) semaphore(%arg13 : memref<!tpu.dma_semaphore, #tpu.memory_space<semaphore_mem>>)
    %mul3A_28 = arith.constant 624 : i32
    %mul3A_29 = arith.muli %arg1, %mul3A_28 : i32
    %scan3A_30 = arith.constant 0 : i32
    %scan3A_31 = arith.constant 13 : i32
    %scan3A_32 = arith.addi %scan3A_30, %scan3A_31 : i32
    %scan3A_33 = arith.constant 1 : i32
    scf.for %scan3A_88 = %scan3A_30 to %scan3A_32 step %scan3A_33  : i32 {
      %mul3A_89 = arith.constant 48 : i32
      %mul3A_90 = arith.muli %scan3A_88, %mul3A_89 : i32
      %add3A_91 = arith.constant 0 : i32
      %add3A_92 = arith.addi %add3A_91, %mul3A_90 : i32
      %add3A_93 = arith.addi %mul3A_29, %add3A_92 : i32
      "tpu.region"() ({
        %run_scoped3A = tpu.sem_alloc : memref<!tpu.dma_semaphore, #tpu.memory_space<semaphore_mem>>
        %dma_start3A_94 = arith.constant 0 : i32
        %dma_start3A_95 = arith.constant 0 : i32
        %dma_start3A_96 = tpu.memref_slice %arg7[%dma_start3A_94, %dma_start3A_95] : memref<80x128xf32, #tpu.memory_space<vmem>> -> memref<48x128xf32, #tpu.memory_space<vmem>>
        %dma_start3A_97 = arith.constant 0 : i32
        %dma_start3A_98 = tpu.memref_slice %arg10[%add3A_93, %dma_start3A_97] : memref<10000x128xf32, #tpu.memory_space<vmem_shared>> -> memref<48x128xf32, #tpu.memory_space<vmem_shared>>
        %dma_start3A_99 = arith.constant 0 : i32
        %dma_start3A_100 = tpu.memref_slice %arg10[%add3A_93, %dma_start3A_99] : memref<10000x128xf32, #tpu.memory_space<vmem_shared>> -> memref<48x128xf32, #tpu.memory_space<vmem_shared>>
        %dma_start3A_101 = arith.constant 0 : i32
        %dma_start3A_102 = arith.constant 0 : i32
        %dma_start3A_103 = tpu.memref_slice %arg7[%dma_start3A_101, %dma_start3A_102] : memref<80x128xf32, #tpu.memory_space<vmem>> -> memref<48x128xf32, #tpu.memory_space<vmem>>
        tpu.enqueue_dma source(%dma_start3A_103 : memref<48x128xf32, #tpu.memory_space<vmem>>) target(%dma_start3A_100 : memref<48x128xf32, #tpu.memory_space<vmem_shared>>) target_semaphore(%run_scoped3A : memref<!tpu.dma_semaphore, #tpu.memory_space<semaphore_mem>>)
        %dma_wait3A_104 = arith.constant 0 : i32
        %dma_wait3A_105 = arith.constant 0 : i32
        %dma_wait3A_106 = tpu.memref_slice %arg7[%dma_wait3A_104, %dma_wait3A_105] : memref<80x128xf32, #tpu.memory_space<vmem>> -> memref<48x128xf32, #tpu.memory_space<vmem>>
        %dma_wait3A_107 = arith.constant 0 : i32
        %dma_wait3A_108 = tpu.memref_slice %arg10[%add3A_93, %dma_wait3A_107] : memref<10000x128xf32, #tpu.memory_space<vmem_shared>> -> memref<48x128xf32, #tpu.memory_space<vmem_shared>>
        %dma_wait3A_109 = arith.constant 0 : i32
        %dma_wait3A_110 = tpu.memref_slice %arg10[%add3A_93, %dma_wait3A_109] : memref<10000x128xf32, #tpu.memory_space<vmem_shared>> -> memref<48x128xf32, #tpu.memory_space<vmem_shared>>
        %dma_wait3A_111 = arith.constant 0 : i32
        %dma_wait3A_112 = arith.constant 0 : i32
        %dma_wait3A_113 = tpu.memref_slice %arg7[%dma_wait3A_111, %dma_wait3A_112] : memref<80x128xf32, #tpu.memory_space<vmem>> -> memref<48x128xf32, #tpu.memory_space<vmem>>
        tpu.wait_dma2 semaphore(%run_scoped3A : memref<!tpu.dma_semaphore, #tpu.memory_space<semaphore_mem>>) src(%dma_wait3A_113 : memref<48x128xf32, #tpu.memory_space<vmem>>) dst(%dma_wait3A_110 : memref<48x128xf32, #tpu.memory_space<vmem_shared>>)
        tpu.yield
      }) : () -> ()
    }
    %scan3A_34 = arith.constant 13 : i32
    %eq3A = arith.constant 0 : i32
    %eq3A_35 = arith.cmpi eq, %arg1, %eq3A : i32
    %convert_element_type3A = arith.extui %eq3A_35 : i1 to i32
    %cond3A = arith.constant 0 : i32
    %cond3A_36 = arith.cmpi ne, %convert_element_type3A, %cond3A : i32
    scf.if %cond3A_36 {
      "tpu.region"() ({
        %run_scoped3A = tpu.sem_alloc : memref<!tpu.dma_semaphore, #tpu.memory_space<semaphore_mem>>
        %dma_start3A_88 = arith.constant 0 : i32
        %dma_start3A_89 = arith.constant 0 : i32
        %dma_start3A_90 = tpu.memref_slice %arg7[%dma_start3A_88, %dma_start3A_89] : memref<80x128xf32, #tpu.memory_space<vmem>> -> memref<16x128xf32, #tpu.memory_space<vmem>>
        %dma_start3A_91 = arith.constant 9984 : i32
        %dma_start3A_92 = arith.constant 0 : i32
        %dma_start3A_93 = tpu.memref_slice %arg10[%dma_start3A_91, %dma_start3A_92] : memref<10000x128xf32, #tpu.memory_space<vmem_shared>> -> memref<16x128xf32, #tpu.memory_space<vmem_shared>>
        %dma_start3A_94 = arith.constant 9984 : i32
        %dma_start3A_95 = arith.constant 0 : i32
        %dma_start3A_96 = tpu.memref_slice %arg10[%dma_start3A_94, %dma_start3A_95] : memref<10000x128xf32, #tpu.memory_space<vmem_shared>> -> memref<16x128xf32, #tpu.memory_space<vmem_shared>>
        %dma_start3A_97 = arith.constant 0 : i32
        %dma_start3A_98 = arith.constant 0 : i32
        %dma_start3A_99 = tpu.memref_slice %arg7[%dma_start3A_97, %dma_start3A_98] : memref<80x128xf32, #tpu.memory_space<vmem>> -> memref<16x128xf32, #tpu.memory_space<vmem>>
        tpu.enqueue_dma source(%dma_start3A_99 : memref<16x128xf32, #tpu.memory_space<vmem>>) target(%dma_start3A_96 : memref<16x128xf32, #tpu.memory_space<vmem_shared>>) target_semaphore(%run_scoped3A : memref<!tpu.dma_semaphore, #tpu.memory_space<semaphore_mem>>)
        %dma_wait3A_100 = arith.constant 0 : i32
        %dma_wait3A_101 = arith.constant 0 : i32
        %dma_wait3A_102 = tpu.memref_slice %arg7[%dma_wait3A_100, %dma_wait3A_101] : memref<80x128xf32, #tpu.memory_space<vmem>> -> memref<16x128xf32, #tpu.memory_space<vmem>>
        %dma_wait3A_103 = arith.constant 9984 : i32
        %dma_wait3A_104 = arith.constant 0 : i32
        %dma_wait3A_105 = tpu.memref_slice %arg10[%dma_wait3A_103, %dma_wait3A_104] : memref<10000x128xf32, #tpu.memory_space<vmem_shared>> -> memref<16x128xf32, #tpu.memory_space<vmem_shared>>
        %dma_wait3A_106 = arith.constant 9984 : i32
        %dma_wait3A_107 = arith.constant 0 : i32
        %dma_wait3A_108 = tpu.memref_slice %arg10[%dma_wait3A_106, %dma_wait3A_107] : memref<10000x128xf32, #tpu.memory_space<vmem_shared>> -> memref<16x128xf32, #tpu.memory_space<vmem_shared>>
        %dma_wait3A_109 = arith.constant 0 : i32
        %dma_wait3A_110 = arith.constant 0 : i32
        %dma_wait3A_111 = tpu.memref_slice %arg7[%dma_wait3A_109, %dma_wait3A_110] : memref<80x128xf32, #tpu.memory_space<vmem>> -> memref<16x128xf32, #tpu.memory_space<vmem>>
        tpu.wait_dma2 semaphore(%run_scoped3A : memref<!tpu.dma_semaphore, #tpu.memory_space<semaphore_mem>>) src(%dma_wait3A_111 : memref<16x128xf32, #tpu.memory_space<vmem>>) dst(%dma_wait3A_108 : memref<16x128xf32, #tpu.memory_space<vmem_shared>>)
        tpu.yield
      }) : () -> ()
    } else {
    }
    %dma_start3A_37 = arith.constant 160 : i32
    %dma_start3A_38 = tpu.memref_slice %arg5[%dma_start3A_37] : memref<10000xi32, #tpu.memory_space<vmem>> -> memref<80xi32, #tpu.memory_space<vmem>>
    %dma_start3A_39 = arith.constant 0 : i32
    %dma_start3A_40 = arith.constant 0 : i32
    %dma_start3A_41 = tpu.memref_slice %arg2[%dma_start3A_39, %dma_start3A_40] : memref<10000x128xf32, #tpu.memory_space<hbm>> -> memref<10000x128xf32, #tpu.memory_space<hbm>>
    tpu.enqueue_indirect_dma source(%dma_start3A_41 : memref<10000x128xf32, #tpu.memory_space<hbm>>) target(%arg7 : memref<80x128xf32, #tpu.memory_space<vmem>>) offsets(%dma_start3A_38 : memref<80xi32, #tpu.memory_space<vmem>>) semaphore(%arg11 : memref<!tpu.dma_semaphore, #tpu.memory_space<semaphore_mem>>)
    %barrier3A = arith.constant 0 : index
    tpu.barrier barrier_id(%barrier3A)
    %scan3A_42 = arith.constant 0 : i32
    %scan3A_43 = arith.constant 40 : i32
    %scan3A_44 = arith.addi %scan3A_42, %scan3A_43 : i32
    %scan3A_45 = arith.constant 1 : i32
    scf.for %scan3A_88 = %scan3A_42 to %scan3A_44 step %scan3A_45  : i32 {
      %mul3A_89 = arith.constant 3 : i32
      %mul3A_90 = arith.muli %scan3A_88, %mul3A_89 : i32
      %add3A_91 = arith.constant 0 : i32
      %add3A_92 = arith.addi %add3A_91, %mul3A_90 : i32
      %mul3A_93 = arith.constant 80 : i32
      %mul3A_94 = arith.muli %add3A_92, %mul3A_93 : i32
      %dma_wait3A_95 = tpu.memref_slice %arg5[%mul3A_94] : memref<10000xi32, #tpu.memory_space<vmem>> -> memref<80xi32, #tpu.memory_space<vmem>>
      %dma_wait3A_96 = arith.constant 0 : i32
      %dma_wait3A_97 = arith.constant 0 : i32
      %dma_wait3A_98 = tpu.memref_slice %arg2[%dma_wait3A_96, %dma_wait3A_97] : memref<10000x128xf32, #tpu.memory_space<hbm>> -> memref<10000x128xf32, #tpu.memory_space<hbm>>
      tpu.wait_indirect_dma semaphore(%arg12 : memref<!tpu.dma_semaphore, #tpu.memory_space<semaphore_mem>>) src(%dma_wait3A_98 : memref<10000x128xf32, #tpu.memory_space<hbm>>) dst(%arg8 : memref<80x128xf32, #tpu.memory_space<vmem>>)
      %mul3A_99 = arith.constant 80 : i32
      %mul3A_100 = arith.muli %add3A_92, %mul3A_99 : i32
      "tpu.region"() ({
        %run_scoped3A = tpu.sem_alloc : memref<!tpu.dma_semaphore, #tpu.memory_space<semaphore_mem>>
        %dma_start3A_145 = tpu.memref_slice %arg6[%mul3A_100] : memref<10000xi32, #tpu.memory_space<vmem>> -> memref<80xi32, #tpu.memory_space<vmem>>
        %dma_start3A_146 = arith.constant 0 : i32
        %dma_start3A_147 = arith.constant 0 : i32
        %dma_start3A_148 = tpu.memref_slice %arg10[%dma_start3A_146, %dma_start3A_147] : memref<10000x128xf32, #tpu.memory_space<vmem_shared>> -> memref<10000x128xf32, #tpu.memory_space<vmem_shared>>
        tpu.enqueue_indirect_dma source(%arg8 : memref<80x128xf32, #tpu.memory_space<vmem>>) target(%dma_start3A_148 : memref<10000x128xf32, #tpu.memory_space<vmem_shared>>) offsets(%dma_start3A_145 : memref<80xi32, #tpu.memory_space<vmem>>) semaphore(%run_scoped3A : memref<!tpu.dma_semaphore, #tpu.memory_space<semaphore_mem>>) {add = true}
        %dma_wait3A_149 = tpu.memref_slice %arg6[%mul3A_100] : memref<10000xi32, #tpu.memory_space<vmem>> -> memref<80xi32, #tpu.memory_space<vmem>>
        %dma_wait3A_150 = arith.constant 0 : i32
        %dma_wait3A_151 = arith.constant 0 : i32
        %dma_wait3A_152 = tpu.memref_slice %arg10[%dma_wait3A_150, %dma_wait3A_151] : memref<10000x128xf32, #tpu.memory_space<vmem_shared>> -> memref<10000x128xf32, #tpu.memory_space<vmem_shared>>
        tpu.wait_indirect_dma semaphore(%run_scoped3A : memref<!tpu.dma_semaphore, #tpu.memory_space<semaphore_mem>>) src(%arg8 : memref<80x128xf32, #tpu.memory_space<vmem>>) dst(%dma_wait3A_152 : memref<10000x128xf32, #tpu.memory_space<vmem_shared>>)
        tpu.yield
      }) : () -> ()
      %add3A_101 = arith.constant 3 : i32
      %add3A_102 = arith.addi %add3A_92, %add3A_101 : i32
      %mul3A_103 = arith.constant 80 : i32
      %mul3A_104 = arith.muli %add3A_102, %mul3A_103 : i32
      %dma_start3A_105 = tpu.memref_slice %arg5[%mul3A_104] : memref<10000xi32, #tpu.memory_space<vmem>> -> memref<80xi32, #tpu.memory_space<vmem>>
      %dma_start3A_106 = arith.constant 0 : i32
      %dma_start3A_107 = arith.constant 0 : i32
      %dma_start3A_108 = tpu.memref_slice %arg2[%dma_start3A_106, %dma_start3A_107] : memref<10000x128xf32, #tpu.memory_space<hbm>> -> memref<10000x128xf32, #tpu.memory_space<hbm>>
      tpu.enqueue_indirect_dma source(%dma_start3A_108 : memref<10000x128xf32, #tpu.memory_space<hbm>>) target(%arg8 : memref<80x128xf32, #tpu.memory_space<vmem>>) offsets(%dma_start3A_105 : memref<80xi32, #tpu.memory_space<vmem>>) semaphore(%arg12 : memref<!tpu.dma_semaphore, #tpu.memory_space<semaphore_mem>>)
      %add3A_109 = arith.constant 1 : i32
      %add3A_110 = arith.addi %add3A_92, %add3A_109 : i32
      %mul3A_111 = arith.constant 80 : i32
      %mul3A_112 = arith.muli %add3A_110, %mul3A_111 : i32
      %dma_wait3A_113 = tpu.memref_slice %arg5[%mul3A_112] : memref<10000xi32, #tpu.memory_space<vmem>> -> memref<80xi32, #tpu.memory_space<vmem>>
      %dma_wait3A_114 = arith.constant 0 : i32
      %dma_wait3A_115 = arith.constant 0 : i32
      %dma_wait3A_116 = tpu.memref_slice %arg2[%dma_wait3A_114, %dma_wait3A_115] : memref<10000x128xf32, #tpu.memory_space<hbm>> -> memref<10000x128xf32, #tpu.memory_space<hbm>>
      tpu.wait_indirect_dma semaphore(%arg13 : memref<!tpu.dma_semaphore, #tpu.memory_space<semaphore_mem>>) src(%dma_wait3A_116 : memref<10000x128xf32, #tpu.memory_space<hbm>>) dst(%arg9 : memref<80x128xf32, #tpu.memory_space<vmem>>)
      %mul3A_117 = arith.constant 80 : i32
      %mul3A_118 = arith.muli %add3A_110, %mul3A_117 : i32
      "tpu.region"() ({
        %run_scoped3A = tpu.sem_alloc : memref<!tpu.dma_semaphore, #tpu.memory_space<semaphore_mem>>
        %dma_start3A_145 = tpu.memref_slice %arg6[%mul3A_118] : memref<10000xi32, #tpu.memory_space<vmem>> -> memref<80xi32, #tpu.memory_space<vmem>>
        %dma_start3A_146 = arith.constant 0 : i32
        %dma_start3A_147 = arith.constant 0 : i32
        %dma_start3A_148 = tpu.memref_slice %arg10[%dma_start3A_146, %dma_start3A_147] : memref<10000x128xf32, #tpu.memory_space<vmem_shared>> -> memref<10000x128xf32, #tpu.memory_space<vmem_shared>>
        tpu.enqueue_indirect_dma source(%arg9 : memref<80x128xf32, #tpu.memory_space<vmem>>) target(%dma_start3A_148 : memref<10000x128xf32, #tpu.memory_space<vmem_shared>>) offsets(%dma_start3A_145 : memref<80xi32, #tpu.memory_space<vmem>>) semaphore(%run_scoped3A : memref<!tpu.dma_semaphore, #tpu.memory_space<semaphore_mem>>) {add = true}
        %dma_wait3A_149 = tpu.memref_slice %arg6[%mul3A_118] : memref<10000xi32, #tpu.memory_space<vmem>> -> memref<80xi32, #tpu.memory_space<vmem>>
        %dma_wait3A_150 = arith.constant 0 : i32
        %dma_wait3A_151 = arith.constant 0 : i32
        %dma_wait3A_152 = tpu.memref_slice %arg10[%dma_wait3A_150, %dma_wait3A_151] : memref<10000x128xf32, #tpu.memory_space<vmem_shared>> -> memref<10000x128xf32, #tpu.memory_space<vmem_shared>>
        tpu.wait_indirect_dma semaphore(%run_scoped3A : memref<!tpu.dma_semaphore, #tpu.memory_space<semaphore_mem>>) src(%arg9 : memref<80x128xf32, #tpu.memory_space<vmem>>) dst(%dma_wait3A_152 : memref<10000x128xf32, #tpu.memory_space<vmem_shared>>)
        tpu.yield
      }) : () -> ()
      %add3A_119 = arith.constant 3 : i32
      %add3A_120 = arith.addi %add3A_110, %add3A_119 : i32
      %mul3A_121 = arith.constant 80 : i32
      %mul3A_122 = arith.muli %add3A_120, %mul3A_121 : i32
      %dma_start3A_123 = tpu.memref_slice %arg5[%mul3A_122] : memref<10000xi32, #tpu.memory_space<vmem>> -> memref<80xi32, #tpu.memory_space<vmem>>
      %dma_start3A_124 = arith.constant 0 : i32
      %dma_start3A_125 = arith.constant 0 : i32
      %dma_start3A_126 = tpu.memref_slice %arg2[%dma_start3A_124, %dma_start3A_125] : memref<10000x128xf32, #tpu.memory_space<hbm>> -> memref<10000x128xf32, #tpu.memory_space<hbm>>
      tpu.enqueue_indirect_dma source(%dma_start3A_126 : memref<10000x128xf32, #tpu.memory_space<hbm>>) target(%arg9 : memref<80x128xf32, #tpu.memory_space<vmem>>) offsets(%dma_start3A_123 : memref<80xi32, #tpu.memory_space<vmem>>) semaphore(%arg13 : memref<!tpu.dma_semaphore, #tpu.memory_space<semaphore_mem>>)
      %add3A_127 = arith.constant 2 : i32
      %add3A_128 = arith.addi %add3A_92, %add3A_127 : i32
      %mul3A_129 = arith.constant 80 : i32
      %mul3A_130 = arith.muli %add3A_128, %mul3A_129 : i32
      %dma_wait3A_131 = tpu.memref_slice %arg5[%mul3A_130] : memref<10000xi32, #tpu.memory_space<vmem>> -> memref<80xi32, #tpu.memory_space<vmem>>
      %dma_wait3A_132 = arith.constant 0 : i32
      %dma_wait3A_133 = arith.constant 0 : i32
      %dma_wait3A_134 = tpu.memref_slice %arg2[%dma_wait3A_132, %dma_wait3A_133] : memref<10000x128xf32, #tpu.memory_space<hbm>> -> memref<10000x128xf32, #tpu.memory_space<hbm>>
      tpu.wait_indirect_dma semaphore(%arg11 : memref<!tpu.dma_semaphore, #tpu.memory_space<semaphore_mem>>) src(%dma_wait3A_134 : memref<10000x128xf32, #tpu.memory_space<hbm>>) dst(%arg7 : memref<80x128xf32, #tpu.memory_space<vmem>>)
      %mul3A_135 = arith.constant 80 : i32
      %mul3A_136 = arith.muli %add3A_128, %mul3A_135 : i32
      "tpu.region"() ({
        %run_scoped3A = tpu.sem_alloc : memref<!tpu.dma_semaphore, #tpu.memory_space<semaphore_mem>>
        %dma_start3A_145 = tpu.memref_slice %arg6[%mul3A_136] : memref<10000xi32, #tpu.memory_space<vmem>> -> memref<80xi32, #tpu.memory_space<vmem>>
        %dma_start3A_146 = arith.constant 0 : i32
        %dma_start3A_147 = arith.constant 0 : i32
        %dma_start3A_148 = tpu.memref_slice %arg10[%dma_start3A_146, %dma_start3A_147] : memref<10000x128xf32, #tpu.memory_space<vmem_shared>> -> memref<10000x128xf32, #tpu.memory_space<vmem_shared>>
        tpu.enqueue_indirect_dma source(%arg7 : memref<80x128xf32, #tpu.memory_space<vmem>>) target(%dma_start3A_148 : memref<10000x128xf32, #tpu.memory_space<vmem_shared>>) offsets(%dma_start3A_145 : memref<80xi32, #tpu.memory_space<vmem>>) semaphore(%run_scoped3A : memref<!tpu.dma_semaphore, #tpu.memory_space<semaphore_mem>>) {add = true}
        %dma_wait3A_149 = tpu.memref_slice %arg6[%mul3A_136] : memref<10000xi32, #tpu.memory_space<vmem>> -> memref<80xi32, #tpu.memory_space<vmem>>
        %dma_wait3A_150 = arith.constant 0 : i32
        %dma_wait3A_151 = arith.constant 0 : i32
        %dma_wait3A_152 = tpu.memref_slice %arg10[%dma_wait3A_150, %dma_wait3A_151] : memref<10000x128xf32, #tpu.memory_space<vmem_shared>> -> memref<10000x128xf32, #tpu.memory_space<vmem_shared>>
        tpu.wait_indirect_dma semaphore(%run_scoped3A : memref<!tpu.dma_semaphore, #tpu.memory_space<semaphore_mem>>) src(%arg7 : memref<80x128xf32, #tpu.memory_space<vmem>>) dst(%dma_wait3A_152 : memref<10000x128xf32, #tpu.memory_space<vmem_shared>>)
        tpu.yield
      }) : () -> ()
      %add3A_137 = arith.constant 3 : i32
      %add3A_138 = arith.addi %add3A_128, %add3A_137 : i32
      %mul3A_139 = arith.constant 80 : i32
      %mul3A_140 = arith.muli %add3A_138, %mul3A_139 : i32
      %dma_start3A_141 = tpu.memref_slice %arg5[%mul3A_140] : memref<10000xi32, #tpu.memory_space<vmem>> -> memref<80xi32, #tpu.memory_space<vmem>>
      %dma_start3A_142 = arith.constant 0 : i32
      %dma_start3A_143 = arith.constant 0 : i32
      %dma_start3A_144 = tpu.memref_slice %arg2[%dma_start3A_142, %dma_start3A_143] : memref<10000x128xf32, #tpu.memory_space<hbm>> -> memref<10000x128xf32, #tpu.memory_space<hbm>>
      tpu.enqueue_indirect_dma source(%dma_start3A_144 : memref<10000x128xf32, #tpu.memory_space<hbm>>) target(%arg7 : memref<80x128xf32, #tpu.memory_space<vmem>>) offsets(%dma_start3A_141 : memref<80xi32, #tpu.memory_space<vmem>>) semaphore(%arg11 : memref<!tpu.dma_semaphore, #tpu.memory_space<semaphore_mem>>)
    }
    %scan3A_46 = arith.constant 40 : i32
    %dma_wait3A_47 = arith.constant 9600 : i32
    %dma_wait3A_48 = tpu.memref_slice %arg5[%dma_wait3A_47] : memref<10000xi32, #tpu.memory_space<vmem>> -> memref<80xi32, #tpu.memory_space<vmem>>
    %dma_wait3A_49 = arith.constant 0 : i32
    %dma_wait3A_50 = arith.constant 0 : i32
    %dma_wait3A_51 = tpu.memref_slice %arg2[%dma_wait3A_49, %dma_wait3A_50] : memref<10000x128xf32, #tpu.memory_space<hbm>> -> memref<10000x128xf32, #tpu.memory_space<hbm>>
    tpu.wait_indirect_dma semaphore(%arg12 : memref<!tpu.dma_semaphore, #tpu.memory_space<semaphore_mem>>) src(%dma_wait3A_51 : memref<10000x128xf32, #tpu.memory_space<hbm>>) dst(%arg8 : memref<80x128xf32, #tpu.memory_space<vmem>>)
    "tpu.region"() ({
      %run_scoped3A = tpu.sem_alloc : memref<!tpu.dma_semaphore, #tpu.memory_space<semaphore_mem>>
      %dma_start3A_88 = arith.constant 9600 : i32
      %dma_start3A_89 = tpu.memref_slice %arg6[%dma_start3A_88] : memref<10000xi32, #tpu.memory_space<vmem>> -> memref<80xi32, #tpu.memory_space<vmem>>
      %dma_start3A_90 = arith.constant 0 : i32
      %dma_start3A_91 = arith.constant 0 : i32
      %dma_start3A_92 = tpu.memref_slice %arg10[%dma_start3A_90, %dma_start3A_91] : memref<10000x128xf32, #tpu.memory_space<vmem_shared>> -> memref<10000x128xf32, #tpu.memory_space<vmem_shared>>
      tpu.enqueue_indirect_dma source(%arg8 : memref<80x128xf32, #tpu.memory_space<vmem>>) target(%dma_start3A_92 : memref<10000x128xf32, #tpu.memory_space<vmem_shared>>) offsets(%dma_start3A_89 : memref<80xi32, #tpu.memory_space<vmem>>) semaphore(%run_scoped3A : memref<!tpu.dma_semaphore, #tpu.memory_space<semaphore_mem>>) {add = true}
      %dma_wait3A_93 = arith.constant 9600 : i32
      %dma_wait3A_94 = tpu.memref_slice %arg6[%dma_wait3A_93] : memref<10000xi32, #tpu.memory_space<vmem>> -> memref<80xi32, #tpu.memory_space<vmem>>
      %dma_wait3A_95 = arith.constant 0 : i32
      %dma_wait3A_96 = arith.constant 0 : i32
      %dma_wait3A_97 = tpu.memref_slice %arg10[%dma_wait3A_95, %dma_wait3A_96] : memref<10000x128xf32, #tpu.memory_space<vmem_shared>> -> memref<10000x128xf32, #tpu.memory_space<vmem_shared>>
      tpu.wait_indirect_dma semaphore(%run_scoped3A : memref<!tpu.dma_semaphore, #tpu.memory_space<semaphore_mem>>) src(%arg8 : memref<80x128xf32, #tpu.memory_space<vmem>>) dst(%dma_wait3A_97 : memref<10000x128xf32, #tpu.memory_space<vmem_shared>>)
      tpu.yield
    }) : () -> ()
    %dma_start3A_52 = arith.constant 9840 : i32
    %dma_start3A_53 = tpu.memref_slice %arg5[%dma_start3A_52] : memref<10000xi32, #tpu.memory_space<vmem>> -> memref<80xi32, #tpu.memory_space<vmem>>
    %dma_start3A_54 = arith.constant 0 : i32
    %dma_start3A_55 = arith.constant 0 : i32
    %dma_start3A_56 = tpu.memref_slice %arg2[%dma_start3A_54, %dma_start3A_55] : memref<10000x128xf32, #tpu.memory_space<hbm>> -> memref<10000x128xf32, #tpu.memory_space<hbm>>
    tpu.enqueue_indirect_dma source(%dma_start3A_56 : memref<10000x128xf32, #tpu.memory_space<hbm>>) target(%arg8 : memref<80x128xf32, #tpu.memory_space<vmem>>) offsets(%dma_start3A_53 : memref<80xi32, #tpu.memory_space<vmem>>) semaphore(%arg12 : memref<!tpu.dma_semaphore, #tpu.memory_space<semaphore_mem>>)
    %dma_wait3A_57 = arith.constant 9680 : i32
    %dma_wait3A_58 = tpu.memref_slice %arg5[%dma_wait3A_57] : memref<10000xi32, #tpu.memory_space<vmem>> -> memref<80xi32, #tpu.memory_space<vmem>>
    %dma_wait3A_59 = arith.constant 0 : i32
    %dma_wait3A_60 = arith.constant 0 : i32
    %dma_wait3A_61 = tpu.memref_slice %arg2[%dma_wait3A_59, %dma_wait3A_60] : memref<10000x128xf32, #tpu.memory_space<hbm>> -> memref<10000x128xf32, #tpu.memory_space<hbm>>
    tpu.wait_indirect_dma semaphore(%arg13 : memref<!tpu.dma_semaphore, #tpu.memory_space<semaphore_mem>>) src(%dma_wait3A_61 : memref<10000x128xf32, #tpu.memory_space<hbm>>) dst(%arg9 : memref<80x128xf32, #tpu.memory_space<vmem>>)
    "tpu.region"() ({
      %run_scoped3A = tpu.sem_alloc : memref<!tpu.dma_semaphore, #tpu.memory_space<semaphore_mem>>
      %dma_start3A_88 = arith.constant 9680 : i32
      %dma_start3A_89 = tpu.memref_slice %arg6[%dma_start3A_88] : memref<10000xi32, #tpu.memory_space<vmem>> -> memref<80xi32, #tpu.memory_space<vmem>>
      %dma_start3A_90 = arith.constant 0 : i32
      %dma_start3A_91 = arith.constant 0 : i32
      %dma_start3A_92 = tpu.memref_slice %arg10[%dma_start3A_90, %dma_start3A_91] : memref<10000x128xf32, #tpu.memory_space<vmem_shared>> -> memref<10000x128xf32, #tpu.memory_space<vmem_shared>>
      tpu.enqueue_indirect_dma source(%arg9 : memref<80x128xf32, #tpu.memory_space<vmem>>) target(%dma_start3A_92 : memref<10000x128xf32, #tpu.memory_space<vmem_shared>>) offsets(%dma_start3A_89 : memref<80xi32, #tpu.memory_space<vmem>>) semaphore(%run_scoped3A : memref<!tpu.dma_semaphore, #tpu.memory_space<semaphore_mem>>) {add = true}
      %dma_wait3A_93 = arith.constant 9680 : i32
      %dma_wait3A_94 = tpu.memref_slice %arg6[%dma_wait3A_93] : memref<10000xi32, #tpu.memory_space<vmem>> -> memref<80xi32, #tpu.memory_space<vmem>>
      %dma_wait3A_95 = arith.constant 0 : i32
      %dma_wait3A_96 = arith.constant 0 : i32
      %dma_wait3A_97 = tpu.memref_slice %arg10[%dma_wait3A_95, %dma_wait3A_96] : memref<10000x128xf32, #tpu.memory_space<vmem_shared>> -> memref<10000x128xf32, #tpu.memory_space<vmem_shared>>
      tpu.wait_indirect_dma semaphore(%run_scoped3A : memref<!tpu.dma_semaphore, #tpu.memory_space<semaphore_mem>>) src(%arg9 : memref<80x128xf32, #tpu.memory_space<vmem>>) dst(%dma_wait3A_97 : memref<10000x128xf32, #tpu.memory_space<vmem_shared>>)
      tpu.yield
    }) : () -> ()
    %dma_start3A_62 = arith.constant 9920 : i32
    %dma_start3A_63 = tpu.memref_slice %arg5[%dma_start3A_62] : memref<10000xi32, #tpu.memory_space<vmem>> -> memref<80xi32, #tpu.memory_space<vmem>>
    %dma_start3A_64 = arith.constant 0 : i32
    %dma_start3A_65 = arith.constant 0 : i32
    %dma_start3A_66 = tpu.memref_slice %arg2[%dma_start3A_64, %dma_start3A_65] : memref<10000x128xf32, #tpu.memory_space<hbm>> -> memref<10000x128xf32, #tpu.memory_space<hbm>>
    tpu.enqueue_indirect_dma source(%dma_start3A_66 : memref<10000x128xf32, #tpu.memory_space<hbm>>) target(%arg9 : memref<80x128xf32, #tpu.memory_space<vmem>>) offsets(%dma_start3A_63 : memref<80xi32, #tpu.memory_space<vmem>>) semaphore(%arg13 : memref<!tpu.dma_semaphore, #tpu.memory_space<semaphore_mem>>)
    %dma_wait3A_67 = arith.constant 9760 : i32
    %dma_wait3A_68 = tpu.memref_slice %arg5[%dma_wait3A_67] : memref<10000xi32, #tpu.memory_space<vmem>> -> memref<80xi32, #tpu.memory_space<vmem>>
    %dma_wait3A_69 = arith.constant 0 : i32
    %dma_wait3A_70 = arith.constant 0 : i32
    %dma_wait3A_71 = tpu.memref_slice %arg2[%dma_wait3A_69, %dma_wait3A_70] : memref<10000x128xf32, #tpu.memory_space<hbm>> -> memref<10000x128xf32, #tpu.memory_space<hbm>>
    tpu.wait_indirect_dma semaphore(%arg11 : memref<!tpu.dma_semaphore, #tpu.memory_space<semaphore_mem>>) src(%dma_wait3A_71 : memref<10000x128xf32, #tpu.memory_space<hbm>>) dst(%arg7 : memref<80x128xf32, #tpu.memory_space<vmem>>)
    "tpu.region"() ({
      %run_scoped3A = tpu.sem_alloc : memref<!tpu.dma_semaphore, #tpu.memory_space<semaphore_mem>>
      %dma_start3A_88 = arith.constant 9760 : i32
      %dma_start3A_89 = tpu.memref_slice %arg6[%dma_start3A_88] : memref<10000xi32, #tpu.memory_space<vmem>> -> memref<80xi32, #tpu.memory_space<vmem>>
      %dma_start3A_90 = arith.constant 0 : i32
      %dma_start3A_91 = arith.constant 0 : i32
      %dma_start3A_92 = tpu.memref_slice %arg10[%dma_start3A_90, %dma_start3A_91] : memref<10000x128xf32, #tpu.memory_space<vmem_shared>> -> memref<10000x128xf32, #tpu.memory_space<vmem_shared>>
      tpu.enqueue_indirect_dma source(%arg7 : memref<80x128xf32, #tpu.memory_space<vmem>>) target(%dma_start3A_92 : memref<10000x128xf32, #tpu.memory_space<vmem_shared>>) offsets(%dma_start3A_89 : memref<80xi32, #tpu.memory_space<vmem>>) semaphore(%run_scoped3A : memref<!tpu.dma_semaphore, #tpu.memory_space<semaphore_mem>>) {add = true}
      %dma_wait3A_93 = arith.constant 9760 : i32
      %dma_wait3A_94 = tpu.memref_slice %arg6[%dma_wait3A_93] : memref<10000xi32, #tpu.memory_space<vmem>> -> memref<80xi32, #tpu.memory_space<vmem>>
      %dma_wait3A_95 = arith.constant 0 : i32
      %dma_wait3A_96 = arith.constant 0 : i32
      %dma_wait3A_97 = tpu.memref_slice %arg10[%dma_wait3A_95, %dma_wait3A_96] : memref<10000x128xf32, #tpu.memory_space<vmem_shared>> -> memref<10000x128xf32, #tpu.memory_space<vmem_shared>>
      tpu.wait_indirect_dma semaphore(%run_scoped3A : memref<!tpu.dma_semaphore, #tpu.memory_space<semaphore_mem>>) src(%arg7 : memref<80x128xf32, #tpu.memory_space<vmem>>) dst(%dma_wait3A_97 : memref<10000x128xf32, #tpu.memory_space<vmem_shared>>)
      tpu.yield
    }) : () -> ()
    %dma_wait3A_72 = arith.constant 9840 : i32
    %dma_wait3A_73 = tpu.memref_slice %arg5[%dma_wait3A_72] : memref<10000xi32, #tpu.memory_space<vmem>> -> memref<80xi32, #tpu.memory_space<vmem>>
    %dma_wait3A_74 = arith.constant 0 : i32
    %dma_wait3A_75 = arith.constant 0 : i32
    %dma_wait3A_76 = tpu.memref_slice %arg2[%dma_wait3A_74, %dma_wait3A_75] : memref<10000x128xf32, #tpu.memory_space<hbm>> -> memref<10000x128xf32, #tpu.memory_space<hbm>>
    tpu.wait_indirect_dma semaphore(%arg12 : memref<!tpu.dma_semaphore, #tpu.memory_space<semaphore_mem>>) src(%dma_wait3A_76 : memref<10000x128xf32, #tpu.memory_space<hbm>>) dst(%arg8 : memref<80x128xf32, #tpu.memory_space<vmem>>)
    "tpu.region"() ({
      %run_scoped3A = tpu.sem_alloc : memref<!tpu.dma_semaphore, #tpu.memory_space<semaphore_mem>>
      %dma_start3A_88 = arith.constant 9840 : i32
      %dma_start3A_89 = tpu.memref_slice %arg6[%dma_start3A_88] : memref<10000xi32, #tpu.memory_space<vmem>> -> memref<80xi32, #tpu.memory_space<vmem>>
      %dma_start3A_90 = arith.constant 0 : i32
      %dma_start3A_91 = arith.constant 0 : i32
      %dma_start3A_92 = tpu.memref_slice %arg10[%dma_start3A_90, %dma_start3A_91] : memref<10000x128xf32, #tpu.memory_space<vmem_shared>> -> memref<10000x128xf32, #tpu.memory_space<vmem_shared>>
      tpu.enqueue_indirect_dma source(%arg8 : memref<80x128xf32, #tpu.memory_space<vmem>>) target(%dma_start3A_92 : memref<10000x128xf32, #tpu.memory_space<vmem_shared>>) offsets(%dma_start3A_89 : memref<80xi32, #tpu.memory_space<vmem>>) semaphore(%run_scoped3A : memref<!tpu.dma_semaphore, #tpu.memory_space<semaphore_mem>>) {add = true}
      %dma_wait3A_93 = arith.constant 9840 : i32
      %dma_wait3A_94 = tpu.memref_slice %arg6[%dma_wait3A_93] : memref<10000xi32, #tpu.memory_space<vmem>> -> memref<80xi32, #tpu.memory_space<vmem>>
      %dma_wait3A_95 = arith.constant 0 : i32
      %dma_wait3A_96 = arith.constant 0 : i32
      %dma_wait3A_97 = tpu.memref_slice %arg10[%dma_wait3A_95, %dma_wait3A_96] : memref<10000x128xf32, #tpu.memory_space<vmem_shared>> -> memref<10000x128xf32, #tpu.memory_space<vmem_shared>>
      tpu.wait_indirect_dma semaphore(%run_scoped3A : memref<!tpu.dma_semaphore, #tpu.memory_space<semaphore_mem>>) src(%arg8 : memref<80x128xf32, #tpu.memory_space<vmem>>) dst(%dma_wait3A_97 : memref<10000x128xf32, #tpu.memory_space<vmem_shared>>)
      tpu.yield
    }) : () -> ()
    %dma_wait3A_77 = arith.constant 9920 : i32
    %dma_wait3A_78 = tpu.memref_slice %arg5[%dma_wait3A_77] : memref<10000xi32, #tpu.memory_space<vmem>> -> memref<80xi32, #tpu.memory_space<vmem>>
    %dma_wait3A_79 = arith.constant 0 : i32
    %dma_wait3A_80 = arith.constant 0 : i32
    %dma_wait3A_81 = tpu.memref_slice %arg2[%dma_wait3A_79, %dma_wait3A_80] : memref<10000x128xf32, #tpu.memory_space<hbm>> -> memref<10000x128xf32, #tpu.memory_space<hbm>>
    tpu.wait_indirect_dma semaphore(%arg13 : memref<!tpu.dma_semaphore, #tpu.memory_space<semaphore_mem>>) src(%dma_wait3A_81 : memref<10000x128xf32, #tpu.memory_space<hbm>>) dst(%arg9 : memref<80x128xf32, #tpu.memory_space<vmem>>)
    "tpu.region"() ({
      %run_scoped3A = tpu.sem_alloc : memref<!tpu.dma_semaphore, #tpu.memory_space<semaphore_mem>>
      %dma_start3A_88 = arith.constant 9920 : i32
      %dma_start3A_89 = tpu.memref_slice %arg6[%dma_start3A_88] : memref<10000xi32, #tpu.memory_space<vmem>> -> memref<80xi32, #tpu.memory_space<vmem>>
      %dma_start3A_90 = arith.constant 0 : i32
      %dma_start3A_91 = arith.constant 0 : i32
      %dma_start3A_92 = tpu.memref_slice %arg10[%dma_start3A_90, %dma_start3A_91] : memref<10000x128xf32, #tpu.memory_space<vmem_shared>> -> memref<10000x128xf32, #tpu.memory_space<vmem_shared>>
      tpu.enqueue_indirect_dma source(%arg9 : memref<80x128xf32, #tpu.memory_space<vmem>>) target(%dma_start3A_92 : memref<10000x128xf32, #tpu.memory_space<vmem_shared>>) offsets(%dma_start3A_89 : memref<80xi32, #tpu.memory_space<vmem>>) semaphore(%run_scoped3A : memref<!tpu.dma_semaphore, #tpu.memory_space<semaphore_mem>>) {add = true}
      %dma_wait3A_93 = arith.constant 9920 : i32
      %dma_wait3A_94 = tpu.memref_slice %arg6[%dma_wait3A_93] : memref<10000xi32, #tpu.memory_space<vmem>> -> memref<80xi32, #tpu.memory_space<vmem>>
      %dma_wait3A_95 = arith.constant 0 : i32
      %dma_wait3A_96 = arith.constant 0 : i32
      %dma_wait3A_97 = tpu.memref_slice %arg10[%dma_wait3A_95, %dma_wait3A_96] : memref<10000x128xf32, #tpu.memory_space<vmem_shared>> -> memref<10000x128xf32, #tpu.memory_space<vmem_shared>>
      tpu.wait_indirect_dma semaphore(%run_scoped3A : memref<!tpu.dma_semaphore, #tpu.memory_space<semaphore_mem>>) src(%arg9 : memref<80x128xf32, #tpu.memory_space<vmem>>) dst(%dma_wait3A_97 : memref<10000x128xf32, #tpu.memory_space<vmem_shared>>)
      tpu.yield
    }) : () -> ()
    %barrier3A_82 = arith.constant 0 : index
    tpu.barrier barrier_id(%barrier3A_82)
    "tpu.region"() ({
      %run_scoped3A = tpu.sem_alloc : memref<!tpu.dma_semaphore, #tpu.memory_space<semaphore_mem>>
      %dma_start3A_88 = arith.constant 0 : i32
      %dma_start3A_89 = tpu.memref_slice %arg4[%arg0, %mul3A_29, %dma_start3A_88] : memref<2x10000x128xf32, #tpu.memory_space<hbm>> -> memref<1x624x128xf32, #tpu.memory_space<hbm>>
      %dma_start3A_90 = tpu.memref_squeeze %dma_start3A_89 : memref<1x624x128xf32, #tpu.memory_space<hbm>> -> memref<624x128xf32, #tpu.memory_space<hbm>>
      %dma_start3A_91 = arith.constant 0 : i32
      %dma_start3A_92 = tpu.memref_slice %arg10[%mul3A_29, %dma_start3A_91] : memref<10000x128xf32, #tpu.memory_space<vmem_shared>> -> memref<624x128xf32, #tpu.memory_space<vmem_shared>>
      tpu.enqueue_dma source(%dma_start3A_92 : memref<624x128xf32, #tpu.memory_space<vmem_shared>>) target(%dma_start3A_90 : memref<624x128xf32, #tpu.memory_space<hbm>>) target_semaphore(%run_scoped3A : memref<!tpu.dma_semaphore, #tpu.memory_space<semaphore_mem>>)
      %dma_wait3A_93 = arith.constant 0 : i32
      %dma_wait3A_94 = tpu.memref_slice %arg4[%arg0, %mul3A_29, %dma_wait3A_93] : memref<2x10000x128xf32, #tpu.memory_space<hbm>> -> memref<1x624x128xf32, #tpu.memory_space<hbm>>
      %dma_wait3A_95 = tpu.memref_squeeze %dma_wait3A_94 : memref<1x624x128xf32, #tpu.memory_space<hbm>> -> memref<624x128xf32, #tpu.memory_space<hbm>>
      %dma_wait3A_96 = arith.constant 0 : i32
      %dma_wait3A_97 = tpu.memref_slice %arg10[%mul3A_29, %dma_wait3A_96] : memref<10000x128xf32, #tpu.memory_space<vmem_shared>> -> memref<624x128xf32, #tpu.memory_space<vmem_shared>>
      tpu.wait_dma2 semaphore(%run_scoped3A : memref<!tpu.dma_semaphore, #tpu.memory_space<semaphore_mem>>) src(%dma_wait3A_97 : memref<624x128xf32, #tpu.memory_space<vmem_shared>>) dst(%dma_wait3A_95 : memref<624x128xf32, #tpu.memory_space<hbm>>)
      tpu.yield
    }) : () -> ()
    %eq3A_83 = arith.constant 0 : i32
    %eq3A_84 = arith.cmpi eq, %arg1, %eq3A_83 : i32
    %convert_element_type3A_85 = arith.extui %eq3A_84 : i1 to i32
    %cond3A_86 = arith.constant 0 : i32
    %cond3A_87 = arith.cmpi ne, %convert_element_type3A_85, %cond3A_86 : i32
    scf.if %cond3A_87 {
      "tpu.region"() ({
        %run_scoped3A = tpu.sem_alloc : memref<!tpu.dma_semaphore, #tpu.memory_space<semaphore_mem>>
        %dma_start3A_88 = arith.constant 9984 : i32
        %dma_start3A_89 = arith.constant 0 : i32
        %dma_start3A_90 = tpu.memref_slice %arg4[%arg0, %dma_start3A_88, %dma_start3A_89] : memref<2x10000x128xf32, #tpu.memory_space<hbm>> -> memref<1x16x128xf32, #tpu.memory_space<hbm>>
        %dma_start3A_91 = tpu.memref_squeeze %dma_start3A_90 : memref<1x16x128xf32, #tpu.memory_space<hbm>> -> memref<16x128xf32, #tpu.memory_space<hbm>>
        %dma_start3A_92 = arith.constant 9984 : i32
        %dma_start3A_93 = arith.constant 0 : i32
        %dma_start3A_94 = tpu.memref_slice %arg10[%dma_start3A_92, %dma_start3A_93] : memref<10000x128xf32, #tpu.memory_space<vmem_shared>> -> memref<16x128xf32, #tpu.memory_space<vmem_shared>>
        tpu.enqueue_dma source(%dma_start3A_94 : memref<16x128xf32, #tpu.memory_space<vmem_shared>>) target(%dma_start3A_91 : memref<16x128xf32, #tpu.memory_space<hbm>>) target_semaphore(%run_scoped3A : memref<!tpu.dma_semaphore, #tpu.memory_space<semaphore_mem>>)
        %dma_wait3A_95 = arith.constant 9984 : i32
        %dma_wait3A_96 = arith.constant 0 : i32
        %dma_wait3A_97 = tpu.memref_slice %arg4[%arg0, %dma_wait3A_95, %dma_wait3A_96] : memref<2x10000x128xf32, #tpu.memory_space<hbm>> -> memref<1x16x128xf32, #tpu.memory_space<hbm>>
        %dma_wait3A_98 = tpu.memref_squeeze %dma_wait3A_97 : memref<1x16x128xf32, #tpu.memory_space<hbm>> -> memref<16x128xf32, #tpu.memory_space<hbm>>
        %dma_wait3A_99 = arith.constant 9984 : i32
        %dma_wait3A_100 = arith.constant 0 : i32
        %dma_wait3A_101 = tpu.memref_slice %arg10[%dma_wait3A_99, %dma_wait3A_100] : memref<10000x128xf32, #tpu.memory_space<vmem_shared>> -> memref<16x128xf32, #tpu.memory_space<vmem_shared>>
        tpu.wait_dma2 semaphore(%run_scoped3A : memref<!tpu.dma_semaphore, #tpu.memory_space<semaphore_mem>>) src(%dma_wait3A_101 : memref<16x128xf32, #tpu.memory_space<vmem_shared>>) dst(%dma_wait3A_98 : memref<16x128xf32, #tpu.memory_space<hbm>>)
        tpu.yield
      }) : () -> ()
    } else {
    }
    return
  }
}

#map = affine_map<(d0, d1) -> (0, 0)>
#map1 = affine_map<(d0, d1) -> (0)>
#map2 = affine_map<(d0, d1) -> (0, 0, 0)>
module attributes {stable_mosaic.version = 14 : i64} {
  func.func @k(%arg0: i32, %arg1: i32, %arg2: memref<10000x128xf32, #tpu.memory_space<hbm>>, %arg3: memref<640000xi32, #tpu.memory_space<hbm>>, %arg4: memref<2x10000x128xf32, #tpu.memory_space<hbm>>, %arg5: memref<10000xi32, #tpu.memory_space<vmem>>, %arg6: memref<10000xi32, #tpu.memory_space<vmem>>, %arg7: memref<80x128xf32, #tpu.memory_space<vmem>>, %arg8: memref<80x128xf32, #tpu.memory_space<vmem>>, %arg9: memref<80x128xf32, #tpu.memory_space<vmem>>, %arg10: memref<10000x128xf32, #tpu.memory_space<vmem_shared>>, %arg11: memref<!tpu.dma_semaphore, #tpu.memory_space<semaphore_mem>>, %arg12: memref<!tpu.dma_semaphore, #tpu.memory_space<semaphore_mem>>, %arg13: memref<!tpu.dma_semaphore, #tpu.memory_space<semaphore_mem>>, %arg14: memref<!tpu.dma_semaphore, #tpu.memory_space<semaphore_mem>>) attributes {dimension_semantics = [#tpu.dimension_semantics<core_parallel>, #tpu.dimension_semantics<subcore_parallel>], iteration_bounds = array<i64: 2, 16>, scalar_prefetch = 0 : i64, scratch_operands = 10 : i64, tpu.core_type = #tpu.core_type<sc_vector_subcore>, window_params = [{transform_indices = #map}, {transform_indices = #map1}, {transform_indices = #map2}]} {
    %mul3A = arith.constant 16 : i32
    %mul3A_0 = arith.muli %arg0, %mul3A : i32
    %add3A = arith.addi %mul3A_0, %arg1 : i32
    %mul3A_1 = arith.constant 10000 : i32
    %mul3A_2 = arith.muli %add3A, %mul3A_1 : i32
    %dma_start3A = tpu.memref_slice %arg3[%mul3A_2] : memref<640000xi32, #tpu.memory_space<hbm>> -> memref<10000xi32, #tpu.memory_space<hbm>>
    %dma_start3A_3 = tpu.memref_slice %arg3[%mul3A_2] : memref<640000xi32, #tpu.memory_space<hbm>> -> memref<10000xi32, #tpu.memory_space<hbm>>
    tpu.enqueue_dma source(%dma_start3A_3 : memref<10000xi32, #tpu.memory_space<hbm>>) target(%arg5 : memref<10000xi32, #tpu.memory_space<vmem>>) target_semaphore(%arg14 : memref<!tpu.dma_semaphore, #tpu.memory_space<semaphore_mem>>)
    %mul3A_4 = arith.constant 10000 : i32
    %mul3A_5 = arith.muli %add3A, %mul3A_4 : i32
    %add3A_6 = arith.constant 320000 : i32
    %add3A_7 = arith.addi %add3A_6, %mul3A_5 : i32
    %dma_start3A_8 = tpu.memref_slice %arg3[%add3A_7] : memref<640000xi32, #tpu.memory_space<hbm>> -> memref<10000xi32, #tpu.memory_space<hbm>>
    %dma_start3A_9 = tpu.memref_slice %arg3[%add3A_7] : memref<640000xi32, #tpu.memory_space<hbm>> -> memref<10000xi32, #tpu.memory_space<hbm>>
    tpu.enqueue_dma source(%dma_start3A_9 : memref<10000xi32, #tpu.memory_space<hbm>>) target(%arg6 : memref<10000xi32, #tpu.memory_space<vmem>>) target_semaphore(%arg14 : memref<!tpu.dma_semaphore, #tpu.memory_space<semaphore_mem>>)
    %broadcast_in_dim3A = arith.constant 0.000000e+00 : f32
    %broadcast_in_dim3A_10 = vector.broadcast %broadcast_in_dim3A : f32 to vector<16xf32>
    %scan3A = arith.constant 0 : i32
    %scan3A_11 = arith.constant 48 : i32
    %scan3A_12 = arith.addi %scan3A, %scan3A_11 : i32
    %scan3A_13 = arith.constant 1 : i32
    scf.for %scan3A_88 = %scan3A to %scan3A_12 step %scan3A_13  : i32 {
      %mul3A_89 = arith.constant 1 : i32
      %mul3A_90 = arith.muli %scan3A_88, %mul3A_89 : i32
      %add3A_91 = arith.constant 0 : i32
      %add3A_92 = arith.addi %add3A_91, %mul3A_90 : i32
      %scan3A_93 = arith.constant 0 : i32
      %scan3A_94 = arith.constant 8 : i32
      %scan3A_95 = arith.addi %scan3A_93, %scan3A_94 : i32
      %scan3A_96 = arith.constant 1 : i32
      scf.for %scan3A_98 = %scan3A_93 to %scan3A_95 step %scan3A_96  : i32 {
        %mul3A_99 = arith.constant 16 : i32
        %mul3A_100 = arith.muli %scan3A_98, %mul3A_99 : i32
        %add3A_101 = arith.constant 0 : i32
        %add3A_102 = arith.addi %add3A_101, %mul3A_100 : i32
        %swap3A = arith.index_cast %add3A_92 : i32 to index
        %swap3A_103 = arith.index_cast %add3A_102 : i32 to index
        %swap3A_104 = tpu.vector_load %arg7[%swap3A, %swap3A_103] {strides = array<i32>} : memref<80x128xf32, #tpu.memory_space<vmem>>, vector<1x16xf32>,
        %swap3A_105 = vector.shape_cast %swap3A_104 : vector<1x16xf32> to vector<16xf32>
        %swap3A_106 = vector.shape_cast %broadcast_in_dim3A_10 : vector<16xf32> to vector<1x16xf32>
        tpu.vector_store %arg7[%swap3A, %swap3A_103], %swap3A_106 {strides = array<i32>} : memref<80x128xf32, #tpu.memory_space<vmem>>, vector<1x16xf32>,
      }
      %scan3A_97 = arith.constant 8 : i32
    }
    %scan3A_14 = arith.constant 48 : i32
    %dma_wait3A = tpu.memref_slice %arg3[%mul3A_2] : memref<640000xi32, #tpu.memory_space<hbm>> -> memref<10000xi32, #tpu.memory_space<hbm>>
    %dma_wait3A_15 = tpu.memref_slice %arg3[%mul3A_2] : memref<640000xi32, #tpu.memory_space<hbm>> -> memref<10000xi32, #tpu.memory_space<hbm>>
    tpu.wait_dma2 semaphore(%arg14 : memref<!tpu.dma_semaphore, #tpu.memory_space<semaphore_mem>>) src(%dma_wait3A_15 : memref<10000xi32, #tpu.memory_space<hbm>>) dst(%arg5 : memref<10000xi32, #tpu.memory_space<vmem>>)
    %dma_wait3A_16 = tpu.memref_slice %arg3[%add3A_7] : memref<640000xi32, #tpu.memory_space<hbm>> -> memref<10000xi32, #tpu.memory_space<hbm>>
    %dma_wait3A_17 = tpu.memref_slice %arg3[%add3A_7] : memref<640000xi32, #tpu.memory_space<hbm>> -> memref<10000xi32, #tpu.memory_space<hbm>>
    tpu.wait_dma2 semaphore(%arg14 : memref<!tpu.dma_semaphore, #tpu.memory_space<semaphore_mem>>) src(%dma_wait3A_17 : memref<10000xi32, #tpu.memory_space<hbm>>) dst(%arg6 : memref<10000xi32, #tpu.memory_space<vmem>>)
    %dma_start3A_18 = arith.constant 0 : i32
    %dma_start3A_19 = tpu.memref_slice %arg5[%dma_start3A_18] : memref<10000xi32, #tpu.memory_space<vmem>> -> memref<80xi32, #tpu.memory_space<vmem>>
    %dma_start3A_20 = arith.constant 0 : i32
    %dma_start3A_21 = arith.constant 0 : i32
    %dma_start3A_22 = tpu.memref_slice %arg2[%dma_start3A_20, %dma_start3A_21] : memref<10000x128xf32, #tpu.memory_space<hbm>> -> memref<10000x128xf32, #tpu.memory_space<hbm>>
    tpu.enqueue_indirect_dma source(%dma_start3A_22 : memref<10000x128xf32, #tpu.memory_space<hbm>>) target(%arg8 : memref<80x128xf32, #tpu.memory_space<vmem>>) offsets(%dma_start3A_19 : memref<80xi32, #tpu.memory_space<vmem>>) semaphore(%arg12 : memref<!tpu.dma_semaphore, #tpu.memory_space<semaphore_mem>>)
    %dma_start3A_23 = arith.constant 80 : i32
    %dma_start3A_24 = tpu.memref_slice %arg5[%dma_start3A_23] : memref<10000xi32, #tpu.memory_space<vmem>> -> memref<80xi32, #tpu.memory_space<vmem>>
    %dma_start3A_25 = arith.constant 0 : i32
    %dma_start3A_26 = arith.constant 0 : i32
    %dma_start3A_27 = tpu.memref_slice %arg2[%dma_start3A_25, %dma_start3A_26] : memref<10000x128xf32, #tpu.memory_space<hbm>> -> memref<10000x128xf32, #tpu.memory_space<hbm>>
    tpu.enqueue_indirect_dma source(%dma_start3A_27 : memref<10000x128xf32, #tpu.memory_space<hbm>>) target(%arg9 : memref<80x128xf32, #tpu.memory_space<vmem>>) offsets(%dma_start3A_24 : memref<80xi32, #tpu.memory_space<vmem>>) semaphore(%arg13 : memref<!tpu.dma_semaphore, #tpu.memory_space<semaphore_mem>>)
    %mul3A_28 = arith.constant 624 : i32
    %mul3A_29 = arith.muli %arg1, %mul3A_28 : i32
    %scan3A_30 = arith.constant 0 : i32
    %scan3A_31 = arith.constant 13 : i32
    %scan3A_32 = arith.addi %scan3A_30, %scan3A_31 : i32
    %scan3A_33 = arith.constant 1 : i32
    scf.for %scan3A_88 = %scan3A_30 to %scan3A_32 step %scan3A_33  : i32 {
      %mul3A_89 = arith.constant 48 : i32
      %mul3A_90 = arith.muli %scan3A_88, %mul3A_89 : i32
      %add3A_91 = arith.constant 0 : i32
      %add3A_92 = arith.addi %add3A_91, %mul3A_90 : i32
      %add3A_93 = arith.addi %mul3A_29, %add3A_92 : i32
      "tpu.region"() ({
        %run_scoped3A = tpu.sem_alloc : memref<!tpu.dma_semaphore, #tpu.memory_space<semaphore_mem>>
        %dma_start3A_94 = arith.constant 0 : i32
        %dma_start3A_95 = arith.constant 0 : i32
        %dma_start3A_96 = tpu.memref_slice %arg7[%dma_start3A_94, %dma_start3A_95] : memref<80x128xf32, #tpu.memory_space<vmem>> -> memref<48x128xf32, #tpu.memory_space<vmem>>
        %dma_start3A_97 = arith.constant 0 : i32
        %dma_start3A_98 = tpu.memref_slice %arg10[%add3A_93, %dma_start3A_97] : memref<10000x128xf32, #tpu.memory_space<vmem_shared>> -> memref<48x128xf32, #tpu.memory_space<vmem_shared>>
        %dma_start3A_99 = arith.constant 0 : i32
        %dma_start3A_100 = tpu.memref_slice %arg10[%add3A_93, %dma_start3A_99] : memref<10000x128xf32, #tpu.memory_space<vmem_shared>> -> memref<48x128xf32, #tpu.memory_space<vmem_shared>>
        %dma_start3A_101 = arith.constant 0 : i32
        %dma_start3A_102 = arith.constant 0 : i32
        %dma_start3A_103 = tpu.memref_slice %arg7[%dma_start3A_101, %dma_start3A_102] : memref<80x128xf32, #tpu.memory_space<vmem>> -> memref<48x128xf32, #tpu.memory_space<vmem>>
        tpu.enqueue_dma source(%dma_start3A_103 : memref<48x128xf32, #tpu.memory_space<vmem>>) target(%dma_start3A_100 : memref<48x128xf32, #tpu.memory_space<vmem_shared>>) target_semaphore(%run_scoped3A : memref<!tpu.dma_semaphore, #tpu.memory_space<semaphore_mem>>)
        %dma_wait3A_104 = arith.constant 0 : i32
        %dma_wait3A_105 = arith.constant 0 : i32
        %dma_wait3A_106 = tpu.memref_slice %arg7[%dma_wait3A_104, %dma_wait3A_105] : memref<80x128xf32, #tpu.memory_space<vmem>> -> memref<48x128xf32, #tpu.memory_space<vmem>>
        %dma_wait3A_107 = arith.constant 0 : i32
        %dma_wait3A_108 = tpu.memref_slice %arg10[%add3A_93, %dma_wait3A_107] : memref<10000x128xf32, #tpu.memory_space<vmem_shared>> -> memref<48x128xf32, #tpu.memory_space<vmem_shared>>
        %dma_wait3A_109 = arith.constant 0 : i32
        %dma_wait3A_110 = tpu.memref_slice %arg10[%add3A_93, %dma_wait3A_109] : memref<10000x128xf32, #tpu.memory_space<vmem_shared>> -> memref<48x128xf32, #tpu.memory_space<vmem_shared>>
        %dma_wait3A_111 = arith.constant 0 : i32
        %dma_wait3A_112 = arith.constant 0 : i32
        %dma_wait3A_113 = tpu.memref_slice %arg7[%dma_wait3A_111, %dma_wait3A_112] : memref<80x128xf32, #tpu.memory_space<vmem>> -> memref<48x128xf32, #tpu.memory_space<vmem>>
        tpu.wait_dma2 semaphore(%run_scoped3A : memref<!tpu.dma_semaphore, #tpu.memory_space<semaphore_mem>>) src(%dma_wait3A_113 : memref<48x128xf32, #tpu.memory_space<vmem>>) dst(%dma_wait3A_110 : memref<48x128xf32, #tpu.memory_space<vmem_shared>>)
        tpu.yield
      }) : () -> ()
    }
    %scan3A_34 = arith.constant 13 : i32
    %eq3A = arith.constant 0 : i32
    %eq3A_35 = arith.cmpi eq, %arg1, %eq3A : i32
    %convert_element_type3A = arith.extui %eq3A_35 : i1 to i32
    %cond3A = arith.constant 0 : i32
    %cond3A_36 = arith.cmpi ne, %convert_element_type3A, %cond3A : i32
    scf.if %cond3A_36 {
      "tpu.region"() ({
        %run_scoped3A = tpu.sem_alloc : memref<!tpu.dma_semaphore, #tpu.memory_space<semaphore_mem>>
        %dma_start3A_88 = arith.constant 0 : i32
        %dma_start3A_89 = arith.constant 0 : i32
        %dma_start3A_90 = tpu.memref_slice %arg7[%dma_start3A_88, %dma_start3A_89] : memref<80x128xf32, #tpu.memory_space<vmem>> -> memref<16x128xf32, #tpu.memory_space<vmem>>
        %dma_start3A_91 = arith.constant 9984 : i32
        %dma_start3A_92 = arith.constant 0 : i32
        %dma_start3A_93 = tpu.memref_slice %arg10[%dma_start3A_91, %dma_start3A_92] : memref<10000x128xf32, #tpu.memory_space<vmem_shared>> -> memref<16x128xf32, #tpu.memory_space<vmem_shared>>
        %dma_start3A_94 = arith.constant 9984 : i32
        %dma_start3A_95 = arith.constant 0 : i32
        %dma_start3A_96 = tpu.memref_slice %arg10[%dma_start3A_94, %dma_start3A_95] : memref<10000x128xf32, #tpu.memory_space<vmem_shared>> -> memref<16x128xf32, #tpu.memory_space<vmem_shared>>
        %dma_start3A_97 = arith.constant 0 : i32
        %dma_start3A_98 = arith.constant 0 : i32
        %dma_start3A_99 = tpu.memref_slice %arg7[%dma_start3A_97, %dma_start3A_98] : memref<80x128xf32, #tpu.memory_space<vmem>> -> memref<16x128xf32, #tpu.memory_space<vmem>>
        tpu.enqueue_dma source(%dma_start3A_99 : memref<16x128xf32, #tpu.memory_space<vmem>>) target(%dma_start3A_96 : memref<16x128xf32, #tpu.memory_space<vmem_shared>>) target_semaphore(%run_scoped3A : memref<!tpu.dma_semaphore, #tpu.memory_space<semaphore_mem>>)
        %dma_wait3A_100 = arith.constant 0 : i32
        %dma_wait3A_101 = arith.constant 0 : i32
        %dma_wait3A_102 = tpu.memref_slice %arg7[%dma_wait3A_100, %dma_wait3A_101] : memref<80x128xf32, #tpu.memory_space<vmem>> -> memref<16x128xf32, #tpu.memory_space<vmem>>
        %dma_wait3A_103 = arith.constant 9984 : i32
        %dma_wait3A_104 = arith.constant 0 : i32
        %dma_wait3A_105 = tpu.memref_slice %arg10[%dma_wait3A_103, %dma_wait3A_104] : memref<10000x128xf32, #tpu.memory_space<vmem_shared>> -> memref<16x128xf32, #tpu.memory_space<vmem_shared>>
        %dma_wait3A_106 = arith.constant 9984 : i32
        %dma_wait3A_107 = arith.constant 0 : i32
        %dma_wait3A_108 = tpu.memref_slice %arg10[%dma_wait3A_106, %dma_wait3A_107] : memref<10000x128xf32, #tpu.memory_space<vmem_shared>> -> memref<16x128xf32, #tpu.memory_space<vmem_shared>>
        %dma_wait3A_109 = arith.constant 0 : i32
        %dma_wait3A_110 = arith.constant 0 : i32
        %dma_wait3A_111 = tpu.memref_slice %arg7[%dma_wait3A_109, %dma_wait3A_110] : memref<80x128xf32, #tpu.memory_space<vmem>> -> memref<16x128xf32, #tpu.memory_space<vmem>>
        tpu.wait_dma2 semaphore(%run_scoped3A : memref<!tpu.dma_semaphore, #tpu.memory_space<semaphore_mem>>) src(%dma_wait3A_111 : memref<16x128xf32, #tpu.memory_space<vmem>>) dst(%dma_wait3A_108 : memref<16x128xf32, #tpu.memory_space<vmem_shared>>)
        tpu.yield
      }) : () -> ()
    } else {
    }
    %dma_start3A_37 = arith.constant 160 : i32
    %dma_start3A_38 = tpu.memref_slice %arg5[%dma_start3A_37] : memref<10000xi32, #tpu.memory_space<vmem>> -> memref<80xi32, #tpu.memory_space<vmem>>
    %dma_start3A_39 = arith.constant 0 : i32
    %dma_start3A_40 = arith.constant 0 : i32
    %dma_start3A_41 = tpu.memref_slice %arg2[%dma_start3A_39, %dma_start3A_40] : memref<10000x128xf32, #tpu.memory_space<hbm>> -> memref<10000x128xf32, #tpu.memory_space<hbm>>
    tpu.enqueue_indirect_dma source(%dma_start3A_41 : memref<10000x128xf32, #tpu.memory_space<hbm>>) target(%arg7 : memref<80x128xf32, #tpu.memory_space<vmem>>) offsets(%dma_start3A_38 : memref<80xi32, #tpu.memory_space<vmem>>) semaphore(%arg11 : memref<!tpu.dma_semaphore, #tpu.memory_space<semaphore_mem>>)
    %barrier3A = arith.constant 0 : index
    tpu.barrier barrier_id(%barrier3A)
    %scan3A_42 = arith.constant 0 : i32
    %scan3A_43 = arith.constant 40 : i32
    %scan3A_44 = arith.addi %scan3A_42, %scan3A_43 : i32
    %scan3A_45 = arith.constant 1 : i32
    scf.for %scan3A_88 = %scan3A_42 to %scan3A_44 step %scan3A_45  : i32 {
      %mul3A_89 = arith.constant 3 : i32
      %mul3A_90 = arith.muli %scan3A_88, %mul3A_89 : i32
      %add3A_91 = arith.constant 0 : i32
      %add3A_92 = arith.addi %add3A_91, %mul3A_90 : i32
      %mul3A_93 = arith.constant 80 : i32
      %mul3A_94 = arith.muli %add3A_92, %mul3A_93 : i32
      %dma_wait3A_95 = tpu.memref_slice %arg5[%mul3A_94] : memref<10000xi32, #tpu.memory_space<vmem>> -> memref<80xi32, #tpu.memory_space<vmem>>
      %dma_wait3A_96 = arith.constant 0 : i32
      %dma_wait3A_97 = arith.constant 0 : i32
      %dma_wait3A_98 = tpu.memref_slice %arg2[%dma_wait3A_96, %dma_wait3A_97] : memref<10000x128xf32, #tpu.memory_space<hbm>> -> memref<10000x128xf32, #tpu.memory_space<hbm>>
      tpu.wait_indirect_dma semaphore(%arg12 : memref<!tpu.dma_semaphore, #tpu.memory_space<semaphore_mem>>) src(%dma_wait3A_98 : memref<10000x128xf32, #tpu.memory_space<hbm>>) dst(%arg8 : memref<80x128xf32, #tpu.memory_space<vmem>>)
      %mul3A_99 = arith.constant 80 : i32
      %mul3A_100 = arith.muli %add3A_92, %mul3A_99 : i32
      "tpu.region"() ({
        %run_scoped3A = tpu.sem_alloc : memref<!tpu.dma_semaphore, #tpu.memory_space<semaphore_mem>>
        %dma_start3A_145 = tpu.memref_slice %arg6[%mul3A_100] : memref<10000xi32, #tpu.memory_space<vmem>> -> memref<80xi32, #tpu.memory_space<vmem>>
        %dma_start3A_146 = arith.constant 0 : i32
        %dma_start3A_147 = arith.constant 0 : i32
        %dma_start3A_148 = tpu.memref_slice %arg10[%dma_start3A_146, %dma_start3A_147] : memref<10000x128xf32, #tpu.memory_space<vmem_shared>> -> memref<10000x128xf32, #tpu.memory_space<vmem_shared>>
        tpu.enqueue_indirect_dma source(%arg8 : memref<80x128xf32, #tpu.memory_space<vmem>>) target(%dma_start3A_148 : memref<10000x128xf32, #tpu.memory_space<vmem_shared>>) offsets(%dma_start3A_145 : memref<80xi32, #tpu.memory_space<vmem>>) semaphore(%run_scoped3A : memref<!tpu.dma_semaphore, #tpu.memory_space<semaphore_mem>>) {add = true}
        %dma_wait3A_149 = tpu.memref_slice %arg6[%mul3A_100] : memref<10000xi32, #tpu.memory_space<vmem>> -> memref<80xi32, #tpu.memory_space<vmem>>
        %dma_wait3A_150 = arith.constant 0 : i32
        %dma_wait3A_151 = arith.constant 0 : i32
        %dma_wait3A_152 = tpu.memref_slice %arg10[%dma_wait3A_150, %dma_wait3A_151] : memref<10000x128xf32, #tpu.memory_space<vmem_shared>> -> memref<10000x128xf32, #tpu.memory_space<vmem_shared>>
        tpu.wait_indirect_dma semaphore(%run_scoped3A : memref<!tpu.dma_semaphore, #tpu.memory_space<semaphore_mem>>) src(%arg8 : memref<80x128xf32, #tpu.memory_space<vmem>>) dst(%dma_wait3A_152 : memref<10000x128xf32, #tpu.memory_space<vmem_shared>>)
        tpu.yield
      }) : () -> ()
      %add3A_101 = arith.constant 3 : i32
      %add3A_102 = arith.addi %add3A_92, %add3A_101 : i32
      %mul3A_103 = arith.constant 80 : i32
      %mul3A_104 = arith.muli %add3A_102, %mul3A_103 : i32
      %dma_start3A_105 = tpu.memref_slice %arg5[%mul3A_104] : memref<10000xi32, #tpu.memory_space<vmem>> -> memref<80xi32, #tpu.memory_space<vmem>>
      %dma_start3A_106 = arith.constant 0 : i32
      %dma_start3A_107 = arith.constant 0 : i32
      %dma_start3A_108 = tpu.memref_slice %arg2[%dma_start3A_106, %dma_start3A_107] : memref<10000x128xf32, #tpu.memory_space<hbm>> -> memref<10000x128xf32, #tpu.memory_space<hbm>>
      tpu.enqueue_indirect_dma source(%dma_start3A_108 : memref<10000x128xf32, #tpu.memory_space<hbm>>) target(%arg8 : memref<80x128xf32, #tpu.memory_space<vmem>>) offsets(%dma_start3A_105 : memref<80xi32, #tpu.memory_space<vmem>>) semaphore(%arg12 : memref<!tpu.dma_semaphore, #tpu.memory_space<semaphore_mem>>)
      %add3A_109 = arith.constant 1 : i32
      %add3A_110 = arith.addi %add3A_92, %add3A_109 : i32
      %mul3A_111 = arith.constant 80 : i32
      %mul3A_112 = arith.muli %add3A_110, %mul3A_111 : i32
      %dma_wait3A_113 = tpu.memref_slice %arg5[%mul3A_112] : memref<10000xi32, #tpu.memory_space<vmem>> -> memref<80xi32, #tpu.memory_space<vmem>>
      %dma_wait3A_114 = arith.constant 0 : i32
      %dma_wait3A_115 = arith.constant 0 : i32
      %dma_wait3A_116 = tpu.memref_slice %arg2[%dma_wait3A_114, %dma_wait3A_115] : memref<10000x128xf32, #tpu.memory_space<hbm>> -> memref<10000x128xf32, #tpu.memory_space<hbm>>
      tpu.wait_indirect_dma semaphore(%arg13 : memref<!tpu.dma_semaphore, #tpu.memory_space<semaphore_mem>>) src(%dma_wait3A_116 : memref<10000x128xf32, #tpu.memory_space<hbm>>) dst(%arg9 : memref<80x128xf32, #tpu.memory_space<vmem>>)
      %mul3A_117 = arith.constant 80 : i32
      %mul3A_118 = arith.muli %add3A_110, %mul3A_117 : i32
      "tpu.region"() ({
        %run_scoped3A = tpu.sem_alloc : memref<!tpu.dma_semaphore, #tpu.memory_space<semaphore_mem>>
        %dma_start3A_145 = tpu.memref_slice %arg6[%mul3A_118] : memref<10000xi32, #tpu.memory_space<vmem>> -> memref<80xi32, #tpu.memory_space<vmem>>
        %dma_start3A_146 = arith.constant 0 : i32
        %dma_start3A_147 = arith.constant 0 : i32
        %dma_start3A_148 = tpu.memref_slice %arg10[%dma_start3A_146, %dma_start3A_147] : memref<10000x128xf32, #tpu.memory_space<vmem_shared>> -> memref<10000x128xf32, #tpu.memory_space<vmem_shared>>
        tpu.enqueue_indirect_dma source(%arg9 : memref<80x128xf32, #tpu.memory_space<vmem>>) target(%dma_start3A_148 : memref<10000x128xf32, #tpu.memory_space<vmem_shared>>) offsets(%dma_start3A_145 : memref<80xi32, #tpu.memory_space<vmem>>) semaphore(%run_scoped3A : memref<!tpu.dma_semaphore, #tpu.memory_space<semaphore_mem>>) {add = true}
        %dma_wait3A_149 = tpu.memref_slice %arg6[%mul3A_118] : memref<10000xi32, #tpu.memory_space<vmem>> -> memref<80xi32, #tpu.memory_space<vmem>>
        %dma_wait3A_150 = arith.constant 0 : i32
        %dma_wait3A_151 = arith.constant 0 : i32
        %dma_wait3A_152 = tpu.memref_slice %arg10[%dma_wait3A_150, %dma_wait3A_151] : memref<10000x128xf32, #tpu.memory_space<vmem_shared>> -> memref<10000x128xf32, #tpu.memory_space<vmem_shared>>
        tpu.wait_indirect_dma semaphore(%run_scoped3A : memref<!tpu.dma_semaphore, #tpu.memory_space<semaphore_mem>>) src(%arg9 : memref<80x128xf32, #tpu.memory_space<vmem>>) dst(%dma_wait3A_152 : memref<10000x128xf32, #tpu.memory_space<vmem_shared>>)
        tpu.yield
      }) : () -> ()
      %add3A_119 = arith.constant 3 : i32
      %add3A_120 = arith.addi %add3A_110, %add3A_119 : i32
      %mul3A_121 = arith.constant 80 : i32
      %mul3A_122 = arith.muli %add3A_120, %mul3A_121 : i32
      %dma_start3A_123 = tpu.memref_slice %arg5[%mul3A_122] : memref<10000xi32, #tpu.memory_space<vmem>> -> memref<80xi32, #tpu.memory_space<vmem>>
      %dma_start3A_124 = arith.constant 0 : i32
      %dma_start3A_125 = arith.constant 0 : i32
      %dma_start3A_126 = tpu.memref_slice %arg2[%dma_start3A_124, %dma_start3A_125] : memref<10000x128xf32, #tpu.memory_space<hbm>> -> memref<10000x128xf32, #tpu.memory_space<hbm>>
      tpu.enqueue_indirect_dma source(%dma_start3A_126 : memref<10000x128xf32, #tpu.memory_space<hbm>>) target(%arg9 : memref<80x128xf32, #tpu.memory_space<vmem>>) offsets(%dma_start3A_123 : memref<80xi32, #tpu.memory_space<vmem>>) semaphore(%arg13 : memref<!tpu.dma_semaphore, #tpu.memory_space<semaphore_mem>>)
      %add3A_127 = arith.constant 2 : i32
      %add3A_128 = arith.addi %add3A_92, %add3A_127 : i32
      %mul3A_129 = arith.constant 80 : i32
      %mul3A_130 = arith.muli %add3A_128, %mul3A_129 : i32
      %dma_wait3A_131 = tpu.memref_slice %arg5[%mul3A_130] : memref<10000xi32, #tpu.memory_space<vmem>> -> memref<80xi32, #tpu.memory_space<vmem>>
      %dma_wait3A_132 = arith.constant 0 : i32
      %dma_wait3A_133 = arith.constant 0 : i32
      %dma_wait3A_134 = tpu.memref_slice %arg2[%dma_wait3A_132, %dma_wait3A_133] : memref<10000x128xf32, #tpu.memory_space<hbm>> -> memref<10000x128xf32, #tpu.memory_space<hbm>>
      tpu.wait_indirect_dma semaphore(%arg11 : memref<!tpu.dma_semaphore, #tpu.memory_space<semaphore_mem>>) src(%dma_wait3A_134 : memref<10000x128xf32, #tpu.memory_space<hbm>>) dst(%arg7 : memref<80x128xf32, #tpu.memory_space<vmem>>)
      %mul3A_135 = arith.constant 80 : i32
      %mul3A_136 = arith.muli %add3A_128, %mul3A_135 : i32
      "tpu.region"() ({
        %run_scoped3A = tpu.sem_alloc : memref<!tpu.dma_semaphore, #tpu.memory_space<semaphore_mem>>
        %dma_start3A_145 = tpu.memref_slice %arg6[%mul3A_136] : memref<10000xi32, #tpu.memory_space<vmem>> -> memref<80xi32, #tpu.memory_space<vmem>>
        %dma_start3A_146 = arith.constant 0 : i32
        %dma_start3A_147 = arith.constant 0 : i32
        %dma_start3A_148 = tpu.memref_slice %arg10[%dma_start3A_146, %dma_start3A_147] : memref<10000x128xf32, #tpu.memory_space<vmem_shared>> -> memref<10000x128xf32, #tpu.memory_space<vmem_shared>>
        tpu.enqueue_indirect_dma source(%arg7 : memref<80x128xf32, #tpu.memory_space<vmem>>) target(%dma_start3A_148 : memref<10000x128xf32, #tpu.memory_space<vmem_shared>>) offsets(%dma_start3A_145 : memref<80xi32, #tpu.memory_space<vmem>>) semaphore(%run_scoped3A : memref<!tpu.dma_semaphore, #tpu.memory_space<semaphore_mem>>) {add = true}
        %dma_wait3A_149 = tpu.memref_slice %arg6[%mul3A_136] : memref<10000xi32, #tpu.memory_space<vmem>> -> memref<80xi32, #tpu.memory_space<vmem>>
        %dma_wait3A_150 = arith.constant 0 : i32
        %dma_wait3A_151 = arith.constant 0 : i32
        %dma_wait3A_152 = tpu.memref_slice %arg10[%dma_wait3A_150, %dma_wait3A_151] : memref<10000x128xf32, #tpu.memory_space<vmem_shared>> -> memref<10000x128xf32, #tpu.memory_space<vmem_shared>>
        tpu.wait_indirect_dma semaphore(%run_scoped3A : memref<!tpu.dma_semaphore, #tpu.memory_space<semaphore_mem>>) src(%arg7 : memref<80x128xf32, #tpu.memory_space<vmem>>) dst(%dma_wait3A_152 : memref<10000x128xf32, #tpu.memory_space<vmem_shared>>)
        tpu.yield
      }) : () -> ()
      %add3A_137 = arith.constant 3 : i32
      %add3A_138 = arith.addi %add3A_128, %add3A_137 : i32
      %mul3A_139 = arith.constant 80 : i32
      %mul3A_140 = arith.muli %add3A_138, %mul3A_139 : i32
      %dma_start3A_141 = tpu.memref_slice %arg5[%mul3A_140] : memref<10000xi32, #tpu.memory_space<vmem>> -> memref<80xi32, #tpu.memory_space<vmem>>
      %dma_start3A_142 = arith.constant 0 : i32
      %dma_start3A_143 = arith.constant 0 : i32
      %dma_start3A_144 = tpu.memref_slice %arg2[%dma_start3A_142, %dma_start3A_143] : memref<10000x128xf32, #tpu.memory_space<hbm>> -> memref<10000x128xf32, #tpu.memory_space<hbm>>
      tpu.enqueue_indirect_dma source(%dma_start3A_144 : memref<10000x128xf32, #tpu.memory_space<hbm>>) target(%arg7 : memref<80x128xf32, #tpu.memory_space<vmem>>) offsets(%dma_start3A_141 : memref<80xi32, #tpu.memory_space<vmem>>) semaphore(%arg11 : memref<!tpu.dma_semaphore, #tpu.memory_space<semaphore_mem>>)
    }
    %scan3A_46 = arith.constant 40 : i32
    %dma_wait3A_47 = arith.constant 9600 : i32
    %dma_wait3A_48 = tpu.memref_slice %arg5[%dma_wait3A_47] : memref<10000xi32, #tpu.memory_space<vmem>> -> memref<80xi32, #tpu.memory_space<vmem>>
    %dma_wait3A_49 = arith.constant 0 : i32
    %dma_wait3A_50 = arith.constant 0 : i32
    %dma_wait3A_51 = tpu.memref_slice %arg2[%dma_wait3A_49, %dma_wait3A_50] : memref<10000x128xf32, #tpu.memory_space<hbm>> -> memref<10000x128xf32, #tpu.memory_space<hbm>>
    tpu.wait_indirect_dma semaphore(%arg12 : memref<!tpu.dma_semaphore, #tpu.memory_space<semaphore_mem>>) src(%dma_wait3A_51 : memref<10000x128xf32, #tpu.memory_space<hbm>>) dst(%arg8 : memref<80x128xf32, #tpu.memory_space<vmem>>)
    "tpu.region"() ({
      %run_scoped3A = tpu.sem_alloc : memref<!tpu.dma_semaphore, #tpu.memory_space<semaphore_mem>>
      %dma_start3A_88 = arith.constant 9600 : i32
      %dma_start3A_89 = tpu.memref_slice %arg6[%dma_start3A_88] : memref<10000xi32, #tpu.memory_space<vmem>> -> memref<80xi32, #tpu.memory_space<vmem>>
      %dma_start3A_90 = arith.constant 0 : i32
      %dma_start3A_91 = arith.constant 0 : i32
      %dma_start3A_92 = tpu.memref_slice %arg10[%dma_start3A_90, %dma_start3A_91] : memref<10000x128xf32, #tpu.memory_space<vmem_shared>> -> memref<10000x128xf32, #tpu.memory_space<vmem_shared>>
      tpu.enqueue_indirect_dma source(%arg8 : memref<80x128xf32, #tpu.memory_space<vmem>>) target(%dma_start3A_92 : memref<10000x128xf32, #tpu.memory_space<vmem_shared>>) offsets(%dma_start3A_89 : memref<80xi32, #tpu.memory_space<vmem>>) semaphore(%run_scoped3A : memref<!tpu.dma_semaphore, #tpu.memory_space<semaphore_mem>>) {add = true}
      %dma_wait3A_93 = arith.constant 9600 : i32
      %dma_wait3A_94 = tpu.memref_slice %arg6[%dma_wait3A_93] : memref<10000xi32, #tpu.memory_space<vmem>> -> memref<80xi32, #tpu.memory_space<vmem>>
      %dma_wait3A_95 = arith.constant 0 : i32
      %dma_wait3A_96 = arith.constant 0 : i32
      %dma_wait3A_97 = tpu.memref_slice %arg10[%dma_wait3A_95, %dma_wait3A_96] : memref<10000x128xf32, #tpu.memory_space<vmem_shared>> -> memref<10000x128xf32, #tpu.memory_space<vmem_shared>>
      tpu.wait_indirect_dma semaphore(%run_scoped3A : memref<!tpu.dma_semaphore, #tpu.memory_space<semaphore_mem>>) src(%arg8 : memref<80x128xf32, #tpu.memory_space<vmem>>) dst(%dma_wait3A_97 : memref<10000x128xf32, #tpu.memory_space<vmem_shared>>)
      tpu.yield
    }) : () -> ()
    %dma_start3A_52 = arith.constant 9840 : i32
    %dma_start3A_53 = tpu.memref_slice %arg5[%dma_start3A_52] : memref<10000xi32, #tpu.memory_space<vmem>> -> memref<80xi32, #tpu.memory_space<vmem>>
    %dma_start3A_54 = arith.constant 0 : i32
    %dma_start3A_55 = arith.constant 0 : i32
    %dma_start3A_56 = tpu.memref_slice %arg2[%dma_start3A_54, %dma_start3A_55] : memref<10000x128xf32, #tpu.memory_space<hbm>> -> memref<10000x128xf32, #tpu.memory_space<hbm>>
    tpu.enqueue_indirect_dma source(%dma_start3A_56 : memref<10000x128xf32, #tpu.memory_space<hbm>>) target(%arg8 : memref<80x128xf32, #tpu.memory_space<vmem>>) offsets(%dma_start3A_53 : memref<80xi32, #tpu.memory_space<vmem>>) semaphore(%arg12 : memref<!tpu.dma_semaphore, #tpu.memory_space<semaphore_mem>>)
    %dma_wait3A_57 = arith.constant 9680 : i32
    %dma_wait3A_58 = tpu.memref_slice %arg5[%dma_wait3A_57] : memref<10000xi32, #tpu.memory_space<vmem>> -> memref<80xi32, #tpu.memory_space<vmem>>
    %dma_wait3A_59 = arith.constant 0 : i32
    %dma_wait3A_60 = arith.constant 0 : i32
    %dma_wait3A_61 = tpu.memref_slice %arg2[%dma_wait3A_59, %dma_wait3A_60] : memref<10000x128xf32, #tpu.memory_space<hbm>> -> memref<10000x128xf32, #tpu.memory_space<hbm>>
    tpu.wait_indirect_dma semaphore(%arg13 : memref<!tpu.dma_semaphore, #tpu.memory_space<semaphore_mem>>) src(%dma_wait3A_61 : memref<10000x128xf32, #tpu.memory_space<hbm>>) dst(%arg9 : memref<80x128xf32, #tpu.memory_space<vmem>>)
    "tpu.region"() ({
      %run_scoped3A = tpu.sem_alloc : memref<!tpu.dma_semaphore, #tpu.memory_space<semaphore_mem>>
      %dma_start3A_88 = arith.constant 9680 : i32
      %dma_start3A_89 = tpu.memref_slice %arg6[%dma_start3A_88] : memref<10000xi32, #tpu.memory_space<vmem>> -> memref<80xi32, #tpu.memory_space<vmem>>
      %dma_start3A_90 = arith.constant 0 : i32
      %dma_start3A_91 = arith.constant 0 : i32
      %dma_start3A_92 = tpu.memref_slice %arg10[%dma_start3A_90, %dma_start3A_91] : memref<10000x128xf32, #tpu.memory_space<vmem_shared>> -> memref<10000x128xf32, #tpu.memory_space<vmem_shared>>
      tpu.enqueue_indirect_dma source(%arg9 : memref<80x128xf32, #tpu.memory_space<vmem>>) target(%dma_start3A_92 : memref<10000x128xf32, #tpu.memory_space<vmem_shared>>) offsets(%dma_start3A_89 : memref<80xi32, #tpu.memory_space<vmem>>) semaphore(%run_scoped3A : memref<!tpu.dma_semaphore, #tpu.memory_space<semaphore_mem>>) {add = true}
      %dma_wait3A_93 = arith.constant 9680 : i32
      %dma_wait3A_94 = tpu.memref_slice %arg6[%dma_wait3A_93] : memref<10000xi32, #tpu.memory_space<vmem>> -> memref<80xi32, #tpu.memory_space<vmem>>
      %dma_wait3A_95 = arith.constant 0 : i32
      %dma_wait3A_96 = arith.constant 0 : i32
      %dma_wait3A_97 = tpu.memref_slice %arg10[%dma_wait3A_95, %dma_wait3A_96] : memref<10000x128xf32, #tpu.memory_space<vmem_shared>> -> memref<10000x128xf32, #tpu.memory_space<vmem_shared>>
      tpu.wait_indirect_dma semaphore(%run_scoped3A : memref<!tpu.dma_semaphore, #tpu.memory_space<semaphore_mem>>) src(%arg9 : memref<80x128xf32, #tpu.memory_space<vmem>>) dst(%dma_wait3A_97 : memref<10000x128xf32, #tpu.memory_space<vmem_shared>>)
      tpu.yield
    }) : () -> ()
    %dma_start3A_62 = arith.constant 9920 : i32
    %dma_start3A_63 = tpu.memref_slice %arg5[%dma_start3A_62] : memref<10000xi32, #tpu.memory_space<vmem>> -> memref<80xi32, #tpu.memory_space<vmem>>
    %dma_start3A_64 = arith.constant 0 : i32
    %dma_start3A_65 = arith.constant 0 : i32
    %dma_start3A_66 = tpu.memref_slice %arg2[%dma_start3A_64, %dma_start3A_65] : memref<10000x128xf32, #tpu.memory_space<hbm>> -> memref<10000x128xf32, #tpu.memory_space<hbm>>
    tpu.enqueue_indirect_dma source(%dma_start3A_66 : memref<10000x128xf32, #tpu.memory_space<hbm>>) target(%arg9 : memref<80x128xf32, #tpu.memory_space<vmem>>) offsets(%dma_start3A_63 : memref<80xi32, #tpu.memory_space<vmem>>) semaphore(%arg13 : memref<!tpu.dma_semaphore, #tpu.memory_space<semaphore_mem>>)
    %dma_wait3A_67 = arith.constant 9760 : i32
    %dma_wait3A_68 = tpu.memref_slice %arg5[%dma_wait3A_67] : memref<10000xi32, #tpu.memory_space<vmem>> -> memref<80xi32, #tpu.memory_space<vmem>>
    %dma_wait3A_69 = arith.constant 0 : i32
    %dma_wait3A_70 = arith.constant 0 : i32
    %dma_wait3A_71 = tpu.memref_slice %arg2[%dma_wait3A_69, %dma_wait3A_70] : memref<10000x128xf32, #tpu.memory_space<hbm>> -> memref<10000x128xf32, #tpu.memory_space<hbm>>
    tpu.wait_indirect_dma semaphore(%arg11 : memref<!tpu.dma_semaphore, #tpu.memory_space<semaphore_mem>>) src(%dma_wait3A_71 : memref<10000x128xf32, #tpu.memory_space<hbm>>) dst(%arg7 : memref<80x128xf32, #tpu.memory_space<vmem>>)
    "tpu.region"() ({
      %run_scoped3A = tpu.sem_alloc : memref<!tpu.dma_semaphore, #tpu.memory_space<semaphore_mem>>
      %dma_start3A_88 = arith.constant 9760 : i32
      %dma_start3A_89 = tpu.memref_slice %arg6[%dma_start3A_88] : memref<10000xi32, #tpu.memory_space<vmem>> -> memref<80xi32, #tpu.memory_space<vmem>>
      %dma_start3A_90 = arith.constant 0 : i32
      %dma_start3A_91 = arith.constant 0 : i32
      %dma_start3A_92 = tpu.memref_slice %arg10[%dma_start3A_90, %dma_start3A_91] : memref<10000x128xf32, #tpu.memory_space<vmem_shared>> -> memref<10000x128xf32, #tpu.memory_space<vmem_shared>>
      tpu.enqueue_indirect_dma source(%arg7 : memref<80x128xf32, #tpu.memory_space<vmem>>) target(%dma_start3A_92 : memref<10000x128xf32, #tpu.memory_space<vmem_shared>>) offsets(%dma_start3A_89 : memref<80xi32, #tpu.memory_space<vmem>>) semaphore(%run_scoped3A : memref<!tpu.dma_semaphore, #tpu.memory_space<semaphore_mem>>) {add = true}
      %dma_wait3A_93 = arith.constant 9760 : i32
      %dma_wait3A_94 = tpu.memref_slice %arg6[%dma_wait3A_93] : memref<10000xi32, #tpu.memory_space<vmem>> -> memref<80xi32, #tpu.memory_space<vmem>>
      %dma_wait3A_95 = arith.constant 0 : i32
      %dma_wait3A_96 = arith.constant 0 : i32
      %dma_wait3A_97 = tpu.memref_slice %arg10[%dma_wait3A_95, %dma_wait3A_96] : memref<10000x128xf32, #tpu.memory_space<vmem_shared>> -> memref<10000x128xf32, #tpu.memory_space<vmem_shared>>
      tpu.wait_indirect_dma semaphore(%run_scoped3A : memref<!tpu.dma_semaphore, #tpu.memory_space<semaphore_mem>>) src(%arg7 : memref<80x128xf32, #tpu.memory_space<vmem>>) dst(%dma_wait3A_97 : memref<10000x128xf32, #tpu.memory_space<vmem_shared>>)
      tpu.yield
    }) : () -> ()
    %dma_wait3A_72 = arith.constant 9840 : i32
    %dma_wait3A_73 = tpu.memref_slice %arg5[%dma_wait3A_72] : memref<10000xi32, #tpu.memory_space<vmem>> -> memref<80xi32, #tpu.memory_space<vmem>>
    %dma_wait3A_74 = arith.constant 0 : i32
    %dma_wait3A_75 = arith.constant 0 : i32
    %dma_wait3A_76 = tpu.memref_slice %arg2[%dma_wait3A_74, %dma_wait3A_75] : memref<10000x128xf32, #tpu.memory_space<hbm>> -> memref<10000x128xf32, #tpu.memory_space<hbm>>
    tpu.wait_indirect_dma semaphore(%arg12 : memref<!tpu.dma_semaphore, #tpu.memory_space<semaphore_mem>>) src(%dma_wait3A_76 : memref<10000x128xf32, #tpu.memory_space<hbm>>) dst(%arg8 : memref<80x128xf32, #tpu.memory_space<vmem>>)
    "tpu.region"() ({
      %run_scoped3A = tpu.sem_alloc : memref<!tpu.dma_semaphore, #tpu.memory_space<semaphore_mem>>
      %dma_start3A_88 = arith.constant 9840 : i32
      %dma_start3A_89 = tpu.memref_slice %arg6[%dma_start3A_88] : memref<10000xi32, #tpu.memory_space<vmem>> -> memref<80xi32, #tpu.memory_space<vmem>>
      %dma_start3A_90 = arith.constant 0 : i32
      %dma_start3A_91 = arith.constant 0 : i32
      %dma_start3A_92 = tpu.memref_slice %arg10[%dma_start3A_90, %dma_start3A_91] : memref<10000x128xf32, #tpu.memory_space<vmem_shared>> -> memref<10000x128xf32, #tpu.memory_space<vmem_shared>>
      tpu.enqueue_indirect_dma source(%arg8 : memref<80x128xf32, #tpu.memory_space<vmem>>) target(%dma_start3A_92 : memref<10000x128xf32, #tpu.memory_space<vmem_shared>>) offsets(%dma_start3A_89 : memref<80xi32, #tpu.memory_space<vmem>>) semaphore(%run_scoped3A : memref<!tpu.dma_semaphore, #tpu.memory_space<semaphore_mem>>) {add = true}
      %dma_wait3A_93 = arith.constant 9840 : i32
      %dma_wait3A_94 = tpu.memref_slice %arg6[%dma_wait3A_93] : memref<10000xi32, #tpu.memory_space<vmem>> -> memref<80xi32, #tpu.memory_space<vmem>>
      %dma_wait3A_95 = arith.constant 0 : i32
      %dma_wait3A_96 = arith.constant 0 : i32
      %dma_wait3A_97 = tpu.memref_slice %arg10[%dma_wait3A_95, %dma_wait3A_96] : memref<10000x128xf32, #tpu.memory_space<vmem_shared>> -> memref<10000x128xf32, #tpu.memory_space<vmem_shared>>
      tpu.wait_indirect_dma semaphore(%run_scoped3A : memref<!tpu.dma_semaphore, #tpu.memory_space<semaphore_mem>>) src(%arg8 : memref<80x128xf32, #tpu.memory_space<vmem>>) dst(%dma_wait3A_97 : memref<10000x128xf32, #tpu.memory_space<vmem_shared>>)
      tpu.yield
    }) : () -> ()
    %dma_wait3A_77 = arith.constant 9920 : i32
    %dma_wait3A_78 = tpu.memref_slice %arg5[%dma_wait3A_77] : memref<10000xi32, #tpu.memory_space<vmem>> -> memref<80xi32, #tpu.memory_space<vmem>>
    %dma_wait3A_79 = arith.constant 0 : i32
    %dma_wait3A_80 = arith.constant 0 : i32
    %dma_wait3A_81 = tpu.memref_slice %arg2[%dma_wait3A_79, %dma_wait3A_80] : memref<10000x128xf32, #tpu.memory_space<hbm>> -> memref<10000x128xf32, #tpu.memory_space<hbm>>
    tpu.wait_indirect_dma semaphore(%arg13 : memref<!tpu.dma_semaphore, #tpu.memory_space<semaphore_mem>>) src(%dma_wait3A_81 : memref<10000x128xf32, #tpu.memory_space<hbm>>) dst(%arg9 : memref<80x128xf32, #tpu.memory_space<vmem>>)
    "tpu.region"() ({
      %run_scoped3A = tpu.sem_alloc : memref<!tpu.dma_semaphore, #tpu.memory_space<semaphore_mem>>
      %dma_start3A_88 = arith.constant 9920 : i32
      %dma_start3A_89 = tpu.memref_slice %arg6[%dma_start3A_88] : memref<10000xi32, #tpu.memory_space<vmem>> -> memref<80xi32, #tpu.memory_space<vmem>>
      %dma_start3A_90 = arith.constant 0 : i32
      %dma_start3A_91 = arith.constant 0 : i32
      %dma_start3A_92 = tpu.memref_slice %arg10[%dma_start3A_90, %dma_start3A_91] : memref<10000x128xf32, #tpu.memory_space<vmem_shared>> -> memref<10000x128xf32, #tpu.memory_space<vmem_shared>>
      tpu.enqueue_indirect_dma source(%arg9 : memref<80x128xf32, #tpu.memory_space<vmem>>) target(%dma_start3A_92 : memref<10000x128xf32, #tpu.memory_space<vmem_shared>>) offsets(%dma_start3A_89 : memref<80xi32, #tpu.memory_space<vmem>>) semaphore(%run_scoped3A : memref<!tpu.dma_semaphore, #tpu.memory_space<semaphore_mem>>) {add = true}
      %dma_wait3A_93 = arith.constant 9920 : i32
      %dma_wait3A_94 = tpu.memref_slice %arg6[%dma_wait3A_93] : memref<10000xi32, #tpu.memory_space<vmem>> -> memref<80xi32, #tpu.memory_space<vmem>>
      %dma_wait3A_95 = arith.constant 0 : i32
      %dma_wait3A_96 = arith.constant 0 : i32
      %dma_wait3A_97 = tpu.memref_slice %arg10[%dma_wait3A_95, %dma_wait3A_96] : memref<10000x128xf32, #tpu.memory_space<vmem_shared>> -> memref<10000x128xf32, #tpu.memory_space<vmem_shared>>
      tpu.wait_indirect_dma semaphore(%run_scoped3A : memref<!tpu.dma_semaphore, #tpu.memory_space<semaphore_mem>>) src(%arg9 : memref<80x128xf32, #tpu.memory_space<vmem>>) dst(%dma_wait3A_97 : memref<10000x128xf32, #tpu.memory_space<vmem_shared>>)
      tpu.yield
    }) : () -> ()
    %barrier3A_82 = arith.constant 0 : index
    tpu.barrier barrier_id(%barrier3A_82)
    "tpu.region"() ({
      %run_scoped3A = tpu.sem_alloc : memref<!tpu.dma_semaphore, #tpu.memory_space<semaphore_mem>>
      %dma_start3A_88 = arith.constant 0 : i32
      %dma_start3A_89 = tpu.memref_slice %arg4[%arg0, %mul3A_29, %dma_start3A_88] : memref<2x10000x128xf32, #tpu.memory_space<hbm>> -> memref<1x624x128xf32, #tpu.memory_space<hbm>>
      %dma_start3A_90 = tpu.memref_squeeze %dma_start3A_89 : memref<1x624x128xf32, #tpu.memory_space<hbm>> -> memref<624x128xf32, #tpu.memory_space<hbm>>
      %dma_start3A_91 = arith.constant 0 : i32
      %dma_start3A_92 = tpu.memref_slice %arg10[%mul3A_29, %dma_start3A_91] : memref<10000x128xf32, #tpu.memory_space<vmem_shared>> -> memref<624x128xf32, #tpu.memory_space<vmem_shared>>
      tpu.enqueue_dma source(%dma_start3A_92 : memref<624x128xf32, #tpu.memory_space<vmem_shared>>) target(%dma_start3A_90 : memref<624x128xf32, #tpu.memory_space<hbm>>) target_semaphore(%run_scoped3A : memref<!tpu.dma_semaphore, #tpu.memory_space<semaphore_mem>>)
      %dma_wait3A_93 = arith.constant 0 : i32
      %dma_wait3A_94 = tpu.memref_slice %arg4[%arg0, %mul3A_29, %dma_wait3A_93] : memref<2x10000x128xf32, #tpu.memory_space<hbm>> -> memref<1x624x128xf32, #tpu.memory_space<hbm>>
      %dma_wait3A_95 = tpu.memref_squeeze %dma_wait3A_94 : memref<1x624x128xf32, #tpu.memory_space<hbm>> -> memref<624x128xf32, #tpu.memory_space<hbm>>
      %dma_wait3A_96 = arith.constant 0 : i32
      %dma_wait3A_97 = tpu.memref_slice %arg10[%mul3A_29, %dma_wait3A_96] : memref<10000x128xf32, #tpu.memory_space<vmem_shared>> -> memref<624x128xf32, #tpu.memory_space<vmem_shared>>
      tpu.wait_dma2 semaphore(%run_scoped3A : memref<!tpu.dma_semaphore, #tpu.memory_space<semaphore_mem>>) src(%dma_wait3A_97 : memref<624x128xf32, #tpu.memory_space<vmem_shared>>) dst(%dma_wait3A_95 : memref<624x128xf32, #tpu.memory_space<hbm>>)
      tpu.yield
    }) : () -> ()
    %eq3A_83 = arith.constant 0 : i32
    %eq3A_84 = arith.cmpi eq, %arg1, %eq3A_83 : i32
    %convert_element_type3A_85 = arith.extui %eq3A_84 : i1 to i32
    %cond3A_86 = arith.constant 0 : i32
    %cond3A_87 = arith.cmpi ne, %convert_element_type3A_85, %cond3A_86 : i32
    scf.if %cond3A_87 {
      "tpu.region"() ({
        %run_scoped3A = tpu.sem_alloc : memref<!tpu.dma_semaphore, #tpu.memory_space<semaphore_mem>>
        %dma_start3A_88 = arith.constant 9984 : i32
        %dma_start3A_89 = arith.constant 0 : i32
        %dma_start3A_90 = tpu.memref_slice %arg4[%arg0, %dma_start3A_88, %dma_start3A_89] : memref<2x10000x128xf32, #tpu.memory_space<hbm>> -> memref<1x16x128xf32, #tpu.memory_space<hbm>>
        %dma_start3A_91 = tpu.memref_squeeze %dma_start3A_90 : memref<1x16x128xf32, #tpu.memory_space<hbm>> -> memref<16x128xf32, #tpu.memory_space<hbm>>
        %dma_start3A_92 = arith.constant 9984 : i32
        %dma_start3A_93 = arith.constant 0 : i32
        %dma_start3A_94 = tpu.memref_slice %arg10[%dma_start3A_92, %dma_start3A_93] : memref<10000x128xf32, #tpu.memory_space<vmem_shared>> -> memref<16x128xf32, #tpu.memory_space<vmem_shared>>
        tpu.enqueue_dma source(%dma_start3A_94 : memref<16x128xf32, #tpu.memory_space<vmem_shared>>) target(%dma_start3A_91 : memref<16x128xf32, #tpu.memory_space<hbm>>) target_semaphore(%run_scoped3A : memref<!tpu.dma_semaphore, #tpu.memory_space<semaphore_mem>>)
        %dma_wait3A_95 = arith.constant 9984 : i32
        %dma_wait3A_96 = arith.constant 0 : i32
        %dma_wait3A_97 = tpu.memref_slice %arg4[%arg0, %dma_wait3A_95, %dma_wait3A_96] : memref<2x10000x128xf32, #tpu.memory_space<hbm>> -> memref<1x16x128xf32, #tpu.memory_space<hbm>>
        %dma_wait3A_98 = tpu.memref_squeeze %dma_wait3A_97 : memref<1x16x128xf32, #tpu.memory_space<hbm>> -> memref<16x128xf32, #tpu.memory_space<hbm>>
        %dma_wait3A_99 = arith.constant 9984 : i32
        %dma_wait3A_100 = arith.constant 0 : i32
        %dma_wait3A_101 = tpu.memref_slice %arg10[%dma_wait3A_99, %dma_wait3A_100] : memref<10000x128xf32, #tpu.memory_space<vmem_shared>> -> memref<16x128xf32, #tpu.memory_space<vmem_shared>>
        tpu.wait_dma2 semaphore(%run_scoped3A : memref<!tpu.dma_semaphore, #tpu.memory_space<semaphore_mem>>) src(%dma_wait3A_101 : memref<16x128xf32, #tpu.memory_space<vmem_shared>>) dst(%dma_wait3A_98 : memref<16x128xf32, #tpu.memory_space<hbm>>)
        tpu.yield
      }) : () -> ()
    } else {
    }
    return
  }
}

module attributes {stable_mosaic.version = 14 : i64} {
  func.func @_tc_final_body(%arg0: memref<1xf32, #tpu.memory_space<smem>>, %arg1: memref<10000x128xf32, #tpu.memory_space<vmem>>, %arg2: memref<2x10000x128xf32, #tpu.memory_space<vmem>>, %arg3: memref<128x128xf32, #tpu.memory_space<vmem>>, %arg4: memref<1x128xf32, #tpu.memory_space<vmem>>, %arg5: memref<10000x1xi32, #tpu.memory_space<vmem>>, %arg6: memref<128x128xf32, #tpu.memory_space<vmem>>, %arg7: memref<1x128xf32, #tpu.memory_space<vmem>>, %arg8: memref<128x128xf32, #tpu.memory_space<vmem>>) attributes {dimension_semantics = [], scalar_prefetch = 0 : i64, scratch_operands = 0 : i64, tpu.core_type = #tpu.core_type<tc>} {
    %get3A = arith.constant 0 : index
    %get3A_0 = arith.constant 0 : index
    %get3A_1 = vector.load %arg1[%get3A, %get3A_0] : memref<10000x128xf32, #tpu.memory_space<vmem>>, vector<10000x128xf32>
    %get3A_2 = arith.constant 0 : index
    %get3A_3 = memref.load %arg0[%get3A_2] : memref<1xf32, #tpu.memory_space<smem>>
    %add3A = arith.constant 1.000000e+00 : f32
    %add3A_4 = arith.addf %get3A_3, %add3A : f32
    %mul3A = vector.broadcast %add3A_4 : f32 to vector<10000x128xf32>
    %mul3A_5 = arith.mulf %get3A_1, %mul3A : vector<10000x128xf32>
    %get3A_6 = arith.constant 0 : index
    %get3A_7 = arith.constant 0 : index
    %get3A_8 = arith.constant 0 : index
    %get3A_9 = vector.load %arg2[%get3A_6, %get3A_7, %get3A_8] : memref<2x10000x128xf32, #tpu.memory_space<vmem>>, vector<1x10000x128xf32>
    %get3A_10 = vector.shape_cast %get3A_9 : vector<1x10000x128xf32> to vector<10000x128xf32>
    %add3A_11 = arith.addf %mul3A_5, %get3A_10 : vector<10000x128xf32>
    %get3A_12 = arith.constant 1 : index
    %get3A_13 = arith.constant 0 : index
    %get3A_14 = arith.constant 0 : index
    %get3A_15 = vector.load %arg2[%get3A_12, %get3A_13, %get3A_14] : memref<2x10000x128xf32, #tpu.memory_space<vmem>>, vector<1x10000x128xf32>
    %get3A_16 = vector.shape_cast %get3A_15 : vector<1x10000x128xf32> to vector<10000x128xf32>
    %add3A_17 = arith.addf %add3A_11, %get3A_16 : vector<10000x128xf32>
    %get3A_18 = arith.constant 0 : index
    %get3A_19 = arith.constant 0 : index
    %get3A_20 = vector.load %arg3[%get3A_18, %get3A_19] : memref<128x128xf32, #tpu.memory_space<vmem>>, vector<128x128xf32>
    %dot_general3A = arith.constant dense<0.000000e+00> : vector<10000x128xf32>
    %dot_general3A_21 = tpu.matmul %add3A_17, %get3A_20, %dot_general3A {dimension_numbers = #tpu.dot_dimension_numbers<[1], [1], [0], [0], [0, 0, 1, 0], [], []>, transpose_lhs_hint = false} : vector<10000x128xf32>, vector<128x128xf32>, vector<10000x128xf32> -> vector<10000x128xf32>
    %get3A_22 = arith.constant 0 : index
    %get3A_23 = arith.constant 0 : index
    %get3A_24 = vector.load %arg4[%get3A_22, %get3A_23] : memref<1x128xf32, #tpu.memory_space<vmem>>, vector<1x128xf32>
    %add3A_25 = vector.broadcast %get3A_24 : vector<1x128xf32> to vector<10000x128xf32>
    %add3A_26 = arith.addf %dot_general3A_21, %add3A_25 : vector<10000x128xf32>
    %get3A_27 = arith.constant 0 : index
    %get3A_28 = arith.constant 0 : index
    %get3A_29 = vector.load %arg5[%get3A_27, %get3A_28] : memref<10000x1xi32, #tpu.memory_space<vmem>>, vector<10000x1xi32>
    %iota3A = tpu.iota {dimensions = array<i32: 1>} : vector<1x128xi32>
    %eq3A = vector.broadcast %get3A_29 : vector<10000x1xi32> to vector<10000x128xi32>
    %eq3A_30 = vector.broadcast %iota3A : vector<1x128xi32> to vector<10000x128xi32>
    %eq3A_31 = arith.cmpi eq, %eq3A, %eq3A_30 : vector<10000x128xi32>
    %convert_element_type3A = arith.extui %eq3A_31 : vector<10000x128xi1> to vector<10000x128xi32>
    %convert_element_type3A_32 = arith.sitofp %convert_element_type3A : vector<10000x128xi32> to vector<10000x128xf32>
    %dot_general3A_33 = arith.constant dense<0.000000e+00> : vector<128x128xf32>
    %dot_general3A_34 = tpu.matmul %convert_element_type3A_32, %add3A_26, %dot_general3A_33 {dimension_numbers = #tpu.dot_dimension_numbers<[0], [0], [1], [1], [0, 1, 1, 1], [], []>, transpose_lhs_hint = false} : vector<10000x128xf32>, vector<10000x128xf32>, vector<128x128xf32> -> vector<128x128xf32>
    %broadcast_in_dim3A = arith.constant 1.000000e+00 : f32
    %broadcast_in_dim3A_35 = vector.broadcast %broadcast_in_dim3A : f32 to vector<10000x1xf32>
    %dot_general3A_36 = arith.constant dense<0.000000e+00> : vector<128x1xf32>
    %dot_general3A_37 = tpu.matmul %convert_element_type3A_32, %broadcast_in_dim3A_35, %dot_general3A_36 {dimension_numbers = #tpu.dot_dimension_numbers<[0], [0], [1], [1], [0, 1, 1, 1], [], []>, transpose_lhs_hint = false} : vector<10000x128xf32>, vector<10000x1xf32>, vector<128x1xf32> -> vector<128x1xf32>
    %max3A = arith.constant 1.000000e+00 : f32
    %max3A_38 = vector.broadcast %max3A : f32 to vector<128x1xf32>
    %max3A_39 = arith.maximumf %dot_general3A_37, %max3A_38 : vector<128x1xf32>
    %div3A = vector.broadcast %max3A_39 : vector<128x1xf32> to vector<128x128xf32>
    %div3A_40 = arith.divf %dot_general3A_34, %div3A : vector<128x128xf32>
    %get3A_41 = arith.constant 0 : index
    %get3A_42 = arith.constant 0 : index
    %get3A_43 = vector.load %arg6[%get3A_41, %get3A_42] : memref<128x128xf32, #tpu.memory_space<vmem>>, vector<128x128xf32>
    %dot_general3A_44 = arith.constant dense<0.000000e+00> : vector<128x128xf32>
    %dot_general3A_45 = tpu.matmul %div3A_40, %get3A_43, %dot_general3A_44 {dimension_numbers = #tpu.dot_dimension_numbers<[1], [1], [0], [0], [0, 0, 1, 0], [], []>, transpose_lhs_hint = false} : vector<128x128xf32>, vector<128x128xf32>, vector<128x128xf32> -> vector<128x128xf32>
    %get3A_46 = arith.constant 0 : index
    %get3A_47 = arith.constant 0 : index
    %get3A_48 = vector.load %arg7[%get3A_46, %get3A_47] : memref<1x128xf32, #tpu.memory_space<vmem>>, vector<1x128xf32>
    %add3A_49 = vector.broadcast %get3A_48 : vector<1x128xf32> to vector<128x128xf32>
    %add3A_50 = arith.addf %dot_general3A_45, %add3A_49 : vector<128x128xf32>
    %swap3A = arith.constant 0 : index
    %swap3A_51 = arith.constant 0 : index
    %swap3A_52 = vector.load %arg8[%swap3A, %swap3A_51] : memref<128x128xf32, #tpu.memory_space<vmem>>, vector<128x128xf32>
    tpu.vector_store %arg8[%swap3A, %swap3A_51], %add3A_50 {strides = array<i32>} : memref<128x128xf32, #tpu.memory_space<vmem>>, vector<128x128xf32>,
    return
  }
}

module attributes {stable_mosaic.version = 14 : i64} {
  func.func @_tc_layer_body(%arg0: memref<1xf32, #tpu.memory_space<smem>>, %arg1: memref<10000x128xf32, #tpu.memory_space<vmem>>, %arg2: memref<2x10000x128xf32, #tpu.memory_space<vmem>>, %arg3: memref<128x128xf32, #tpu.memory_space<vmem>>, %arg4: memref<1x128xf32, #tpu.memory_space<vmem>>, %arg5: memref<1x128xf32, #tpu.memory_space<vmem>>, %arg6: memref<1x128xf32, #tpu.memory_space<vmem>>, %arg7: memref<10000x128xf32, #tpu.memory_space<vmem>>) attributes {dimension_semantics = [], scalar_prefetch = 0 : i64, scratch_operands = 0 : i64, tpu.core_type = #tpu.core_type<tc>} {
    %get3A = arith.constant 0 : index
    %get3A_0 = arith.constant 0 : index
    %get3A_1 = vector.load %arg1[%get3A, %get3A_0] : memref<10000x128xf32, #tpu.memory_space<vmem>>, vector<10000x128xf32>
    %get3A_2 = arith.constant 0 : index
    %get3A_3 = memref.load %arg0[%get3A_2] : memref<1xf32, #tpu.memory_space<smem>>
    %add3A = arith.constant 1.000000e+00 : f32
    %add3A_4 = arith.addf %get3A_3, %add3A : f32
    %mul3A = vector.broadcast %add3A_4 : f32 to vector<10000x128xf32>
    %mul3A_5 = arith.mulf %get3A_1, %mul3A : vector<10000x128xf32>
    %get3A_6 = arith.constant 0 : index
    %get3A_7 = arith.constant 0 : index
    %get3A_8 = arith.constant 0 : index
    %get3A_9 = vector.load %arg2[%get3A_6, %get3A_7, %get3A_8] : memref<2x10000x128xf32, #tpu.memory_space<vmem>>, vector<1x10000x128xf32>
    %get3A_10 = vector.shape_cast %get3A_9 : vector<1x10000x128xf32> to vector<10000x128xf32>
    %add3A_11 = arith.addf %mul3A_5, %get3A_10 : vector<10000x128xf32>
    %get3A_12 = arith.constant 1 : index
    %get3A_13 = arith.constant 0 : index
    %get3A_14 = arith.constant 0 : index
    %get3A_15 = vector.load %arg2[%get3A_12, %get3A_13, %get3A_14] : memref<2x10000x128xf32, #tpu.memory_space<vmem>>, vector<1x10000x128xf32>
    %get3A_16 = vector.shape_cast %get3A_15 : vector<1x10000x128xf32> to vector<10000x128xf32>
    %add3A_17 = arith.addf %add3A_11, %get3A_16 : vector<10000x128xf32>
    %get3A_18 = arith.constant 0 : index
    %get3A_19 = arith.constant 0 : index
    %get3A_20 = vector.load %arg3[%get3A_18, %get3A_19] : memref<128x128xf32, #tpu.memory_space<vmem>>, vector<128x128xf32>
    %dot_general3A = arith.constant dense<0.000000e+00> : vector<10000x128xf32>
    %dot_general3A_21 = tpu.matmul %add3A_17, %get3A_20, %dot_general3A {dimension_numbers = #tpu.dot_dimension_numbers<[1], [1], [0], [0], [0, 0, 1, 0], [], []>, transpose_lhs_hint = false} : vector<10000x128xf32>, vector<128x128xf32>, vector<10000x128xf32> -> vector<10000x128xf32>
    %get3A_22 = arith.constant 0 : index
    %get3A_23 = arith.constant 0 : index
    %get3A_24 = vector.load %arg4[%get3A_22, %get3A_23] : memref<1x128xf32, #tpu.memory_space<vmem>>, vector<1x128xf32>
    %add3A_25 = vector.broadcast %get3A_24 : vector<1x128xf32> to vector<10000x128xf32>
    %add3A_26 = arith.addf %dot_general3A_21, %add3A_25 : vector<10000x128xf32>
    %reduce_sum3A = arith.constant dense<0.000000e+00> : vector<128xf32>
    %reduce_sum3A_27 = vector.multi_reduction <add>, %add3A_26, %reduce_sum3A [0] : vector<10000x128xf32> to vector<128xf32>
    %broadcast_in_dim3A = vector.shape_cast %reduce_sum3A_27 : vector<128xf32> to vector<1x128xf32>
    %div3A = arith.constant 1.000000e+04 : f32
    %div3A_28 = vector.broadcast %div3A : f32 to vector<1x128xf32>
    %div3A_29 = arith.divf %broadcast_in_dim3A, %div3A_28 : vector<1x128xf32>
    %sub3A = vector.broadcast %div3A_29 : vector<1x128xf32> to vector<10000x128xf32>
    %sub3A_30 = arith.subf %add3A_26, %sub3A : vector<10000x128xf32>
    %integer_pow3A = arith.mulf %sub3A_30, %sub3A_30 : vector<10000x128xf32>
    %reduce_sum3A_31 = arith.constant dense<0.000000e+00> : vector<128xf32>
    %reduce_sum3A_32 = vector.multi_reduction <add>, %integer_pow3A, %reduce_sum3A_31 [0] : vector<10000x128xf32> to vector<128xf32>
    %broadcast_in_dim3A_33 = vector.shape_cast %reduce_sum3A_32 : vector<128xf32> to vector<1x128xf32>
    %div3A_34 = arith.constant 1.000000e+04 : f32
    %div3A_35 = vector.broadcast %div3A_34 : f32 to vector<1x128xf32>
    %div3A_36 = arith.divf %broadcast_in_dim3A_33, %div3A_35 : vector<1x128xf32>
    %sub3A_37 = vector.broadcast %div3A_29 : vector<1x128xf32> to vector<10000x128xf32>
    %sub3A_38 = arith.subf %add3A_26, %sub3A_37 : vector<10000x128xf32>
    %add3A_39 = arith.constant 9.99999974E-6 : f32
    %add3A_40 = vector.broadcast %add3A_39 : f32 to vector<1x128xf32>
    %add3A_41 = arith.addf %div3A_36, %add3A_40 : vector<1x128xf32>
    %rsqrt3A = math.rsqrt %add3A_41 : vector<1x128xf32>
    %mul3A_42 = vector.broadcast %rsqrt3A : vector<1x128xf32> to vector<10000x128xf32>
    %mul3A_43 = arith.mulf %sub3A_38, %mul3A_42 : vector<10000x128xf32>
    %get3A_44 = arith.constant 0 : index
    %get3A_45 = arith.constant 0 : index
    %get3A_46 = vector.load %arg5[%get3A_44, %get3A_45] : memref<1x128xf32, #tpu.memory_space<vmem>>, vector<1x128xf32>
    %mul3A_47 = vector.broadcast %get3A_46 : vector<1x128xf32> to vector<10000x128xf32>
    %mul3A_48 = arith.mulf %mul3A_43, %mul3A_47 : vector<10000x128xf32>
    %get3A_49 = arith.constant 0 : index
    %get3A_50 = arith.constant 0 : index
    %get3A_51 = vector.load %arg6[%get3A_49, %get3A_50] : memref<1x128xf32, #tpu.memory_space<vmem>>, vector<1x128xf32>
    %add3A_52 = vector.broadcast %get3A_51 : vector<1x128xf32> to vector<10000x128xf32>
    %add3A_53 = arith.addf %mul3A_48, %add3A_52 : vector<10000x128xf32>
    %max3A = arith.constant 0.000000e+00 : f32
    %max3A_54 = vector.broadcast %max3A : f32 to vector<10000x128xf32>
    %max3A_55 = arith.maximumf %add3A_53, %max3A_54 : vector<10000x128xf32>
    %swap3A = arith.constant 0 : index
    %swap3A_56 = arith.constant 0 : index
    %swap3A_57 = vector.load %arg7[%swap3A, %swap3A_56] : memref<10000x128xf32, #tpu.memory_space<vmem>>, vector<10000x128xf32>
    tpu.vector_store %arg7[%swap3A, %swap3A_56], %max3A_55 {strides = array<i32>} : memref<10000x128xf32, #tpu.memory_space<vmem>>, vector<10000x128xf32>,
    return
  }
}

</mosaic_0001>

<sc_bundles>
// kernel: kernel.11.cloned.1.call-start
scs
__scs_entry_jumppad:
0x0: {  	(pc) =	sbr.rel $0x88, $3  }
0x1: {  	(tag) =	ssettag $0x0;
	lr =	simm.s32 $0x1  }
0x2: {  	[smem:$0x3F8F] =	sst lr;
	_ =	strace $0xD0000000  }
0x3: {  	_ = 	snop  }
0x4: {  	_ = 	snop  }
0x5: {  	_ = 	snop  }
0x6: {  	_ = 	snop  }
0x7: {  	_ = 	snop  }
__scs_overlays_trampoline_lowered:
0x8: {  	[smem:$0x3F9E] =	sst s0  }
0x9: {  	[smem:$0x3F9F] =	sst s1  }
0xa: {  	[smem:$0x3FA0] =	sst s2  }
0xb: {  	[smem:$0x3FA1] =	sst s3  }
0xc: {  	[smem:$0x3FA2] =	sst s4  }
0xd: {  	[smem:$0x3FA3] =	sst s5  }
0xe: {  	[smem:$0x3FA4] =	sst s6  }
0xf: {  	[smem:$0x3FA5] =	sst s7  }
0x10: {  	[smem:$0x3FA6] =	sst s8  }
0x11: {  	[smem:$0x3FA7] =	sst s9;
	s0 =	simm.s32 @!p0 $0x0  }
0x12: {  	s1 =	sld [smem:$0x3F8D];
	s0 =	simm.s32 @p0 $0x1  }
0x13: {  	[smem:$0x3FA8] =	sst s0;
	s0 =	simm.s32 @!p1 $0x0  }
0x14: {  	s2 =	sld [smem:$0x3F8C];
	s0 =	simm.s32 @p1 $0x1  }
0x15: {  	[smem:$0x3FA9] =	sst s0;
	s0 =	simm.s32 @!p2 $0x0  }
0x16: {  	s3 =	sld [smem:$0x3FDB];
	s0 =	simm.s32 @p2 $0x1  }
0x17: {  	s4 =	simm.s32 $0x1BF5;
	[smem:$0x3FAB] =	sst s0  }
0x18: {  	s0 =	sld [smem:$0x3F8E];
	_ =	swait.ge [sflag:s4], $0x0  }
0x19: {  	s7 =	sld [smem:$0x3F8F]  }
0x1a: {  	s8 =	sadd.s32 $0xFFFFE003, lr  }
0x1b: {  	s9 =	sadd.s32 $0xFFFFFEF7, lr;
	s5 =	simm.s32 $0xFFFFFFFF;
	p2 =	slt.u32 s8, $0xFFFFF086  }
0x1c: {  	p1 =	slt.u32 s9, $0xF7A;
	s5 =	simm.s32 @!p2 $0x0  }
0x1d: {  	s5 =	simm.s32 @p1 $0x1;
	p0 =	seq.s32 s7, s2  }
0x1e: {  	s7 =	smul.u32 @!p0 $0xF7A, s2;
	p2 =	seq.s32 @!p0 s5, $0x0  }
0x1f: {  	s9 =	smul.u32 $0xF7A, s1;
	s8 =	simm.s32 @!p0 $0x1BF5;
	p2 =	por !p2, p0  }
0x20: {  	[sflag:s8] =	ssyncset.s32 @!p0 $0xFFFFF086;
	s6 =	sadd.s32 @!p0 s3, s7;
	s7 =	simm.s32 @!p0 $0x108  }
0x21: {  	s3 =	sadd.s32 s3, s9;
	s6 =	sadd.s32 @!p0 $0x88, s6;
	s7 =	simm.s32 @p2 $0x1082  }
0x22: {  	[simem:s7], [sflag:s8] =	dma.local @!p0 [hbm:s6], $0xF7A  }
0x23: {  	s9 =	sor.u32 $0xD0000000, s2;
	s6 =	simm.s32 $0x108;
	_ =	swait.ge @!p0 [sflag:s8], $0x0  }
0x24: {  	s3 =	sadd.s32 $0x88, s3;
	s6 =	simm.s32 @!p1 $0x1082;
	[sflag:s4] =	ssyncset.s32 $0xFFFFF086  }
0x25: {  	[simem:s6], [sflag:s4] =	dma.local [hbm:s3], $0xF7A  }
0x26: {  	[smem:$0x3F8F] =	sst s1;
	(tag) =	ssettag s2;
	_ =	strace s9  }
0x27: {  	s1 =	sld [smem:$0x3F9F]  }
0x28: {  	s2 =	sld [smem:$0x3FA0]  }
0x29: {  	s4 =	sld [smem:$0x3FA2]  }
0x2a: {  	p0 =	seq.s32 s5, $0x0;
	s5 =	sld [smem:$0x3FA3]  }
0x2b: {  	s6 =	sld [smem:$0x3FA4]  }
0x2c: {  	s7 =	sld [smem:$0x3FA5]  }
0x2d: {  	s3 =	simm.s32 $0x108;
	s8 =	sld [smem:$0x3FA6]  }
0x2e: {  	s3 =	simm.s32 @!p0 $0x1082;
	s9 =	sld [smem:$0x3FA7]  }
0x2f: {  	lr =	sadd.s32 s0, s3;
	s0 =	sld [smem:$0x3F9E]  }
0x30: {  	s3 =	sld [smem:$0x3FA1]  }
0x31: {  	[smem:$0x3FAA] =	sst s10  }
0x32: {  	s10 =	sld [smem:$0x3FA8];
	_ =	sdelay $0x3  }
0x33: {  	p0 =	seq.s32 s10, $0x1;
	s10 =	sld [smem:$0x3FAA];
	_ =	sdelay $0x3  }
0x34: {  	[smem:$0x3FAA] =	sst s10  }
0x35: {  	s10 =	sld [smem:$0x3FA9];
	_ =	sdelay $0x3  }
0x36: {  	p1 =	seq.s32 s10, $0x1;
	s10 =	sld [smem:$0x3FAA];
	_ =	sdelay $0x3  }
0x37: {  	[smem:$0x3FAA] =	sst s10  }
0x38: {  	s10 =	sld [smem:$0x3FAB]  }
0x39: {  	_ = 	snop;
	(pc) =	sbr.ind lr, $3  }
0x3a: {  	_ = 	snop  }
0x3b: {  	_ = 	snop  }
0x3c: {  	p2 =	seq.s32 s10, $0x1;
	s10 =	sld [smem:$0x3FAA]  }
0x3d: {  	_ =	shalt  }
0x3e: {  	_ =	shalt  }
0x3f: {  	_ =	shalt  }
0x40: {  	_ =	shalt  }
0x41: {  	_ =	shalt  }
0x42: {  	_ =	shalt  }
0x43: {  	_ =	shalt  }
0x44: {  	_ =	shalt  }
0x45: {  	_ =	shalt  }
0x46: {  	_ =	shalt  }
0x47: {  	_ =	shalt  }
0x48: {  	_ =	shalt  }
0x49: {  	_ =	shalt  }
0x4a: {  	_ =	shalt  }
0x4b: {  	_ =	shalt  }
0x4c: {  	_ =	shalt  }
0x4d: {  	_ =	shalt  }
0x4e: {  	_ =	shalt  }
0x4f: {  	_ =	shalt  }
0x50: {  	_ =	shalt  }
0x51: {  	_ =	shalt  }
0x52: {  	_ =	shalt  }
0x53: {  	_ =	shalt  }
0x54: {  	_ =	shalt  }
0x55: {  	_ =	shalt  }
0x56: {  	_ =	shalt  }
0x57: {  	_ =	shalt  }
0x58: {  	_ =	shalt  }
0x59: {  	_ =	shalt  }
0x5a: {  	_ =	shalt  }
0x5b: {  	_ =	shalt  }
0x5c: {  	_ =	shalt  }
0x5d: {  	_ =	shalt  }
0x5e: {  	_ =	shalt  }
0x5f: {  	_ =	shalt  }
0x60: {  	_ =	shalt  }
0x61: {  	_ =	shalt  }
0x62: {  	_ =	shalt  }
0x63: {  	_ =	shalt  }
0x64: {  	_ =	shalt  }
0x65: {  	_ =	shalt  }
0x66: {  	_ =	shalt  }
0x67: {  	_ =	shalt  }
0x68: {  	_ =	shalt  }
0x69: {  	_ =	shalt  }
0x6a: {  	_ =	shalt  }
0x6b: {  	_ =	shalt  }
0x6c: {  	_ =	shalt  }
0x6d: {  	_ =	shalt  }
0x6e: {  	_ =	shalt  }
0x6f: {  	_ =	shalt  }
0x70: {  	_ =	shalt  }
0x71: {  	_ =	shalt  }
0x72: {  	_ =	shalt  }
0x73: {  	_ =	shalt  }
0x74: {  	_ =	shalt  }
0x75: {  	_ =	shalt  }
0x76: {  	_ =	shalt  }
0x77: {  	_ =	shalt  }
0x78: {  	_ =	shalt  }
0x79: {  	_ =	shalt  }
0x7a: {  	_ =	shalt  }
0x7b: {  	_ =	shalt  }
0x7c: {  	_ =	shalt  }
0x7d: {  	_ =	shalt  }
0x7e: {  	_ =	shalt  }
0x7f: {  	_ =	shalt  }
0x80: {  	_ =	shalt  }
0x81: {  	_ =	shalt  }
0x82: {  	_ =	shalt  }
0x83: {  	_ =	shalt  }
0x84: {  	_ =	shalt  }
0x85: {  	_ =	shalt  }
0x86: {  	_ =	shalt  }
0x87: {  	_ =	shalt  }
.Lfunc_end0:
.L_simem_size_0:
called_computation.1_lowered:
.L_overlay_start_0:
0x88: {  	s2 =	sld [smem:$0x3FD9]  }
0x89: {  	s3 =	sld [smem:$0x3FFE];
	_ =	sdelay $0x1  }
0x8a: {  	s1 =	srdreg.scid  }
0x8b: {  	s0 =	sand.u32 $0x1, s1  }
0x8c: {  	s16 =	sshll.u32 s0, $0xA;
	s2 =	sadd.s32 s3, s2  }
0x8d: {  	s2 =	sadd.s32 s2, s16  }
0x8e: {  	[smem:$0x3FB6] =	sst s2  }
0x8f: {  	_ = 	snop  }
0x90: {  	(tm) =	ssettm $0x1  }
0x91: {  	s17 =	sld [smem:$0x3FFB];
	_ =	sdelay $0x3  }
0x92: {  	_ =	strace s17  }
0x93: {  	s2 =	sld [smem:$0x3FFC];
	_ =	sdelay $0x3  }
0x94: {  	_ =	strace s2  }
0x95: {  	s2 =	sld [smem:$0x3FFD];
	_ =	sdelay $0x3  }
0x96: {  	_ =	strace s2  }
0x97: {  	_ =	strace $0x8FFFFFFF  }
0x98: {  	s18 =	sld [smem:$0x3FDB];
	_ =	sdelay $0x1  }
0x99: {  	s19 =	simm.s32 $_scs_section_size  }
0x9a: {  	s4 =	simm.s32 $_size__tile_overlayer_lowered;
	s5 =	simm.s32 $_tile_overlayer_lowered  }
0x9b: {  	s22 =	simm.s32 $0x1BFF;
	s21 =	sshll.u32 s5, $0x1;
	s2 =	sadd.s32 s19, s18  }
0x9c: {  	s6 =	simm.s32 $0x0;
	s20 =	sshll.u32 s4, $0x1;
	s4 =	sadd.s32 s21, s2  }
0x9d: {  	[timem:s6], [sflag:s22] =	dma.local [hbm:s4], s20  }
0x9e: {  	_ =	swait.ge [sflag:s22], s20  }
0x9f: {  	s3 =	ssub.s32 $0x0, s20;
	[sflag:s22] =	ssyncset.done $0x0  }
0xa0: {  	[sflag:s22] =	ssyncadd.s32 s3;
	_ =	sdelay $0x1  }
0xa1: {  	s23 =	simm.s32 $0x1B8B  }
0xa2: {  	_ =	swait.ge [sflag:s23], $0x1  }
0xa3: {  	[sflag:s23] =	ssyncset.done $0x0  }
0xa4: {  	s25 =	simm.s32 $0x1B8E;
	s24 =	sld [smem:$0x3FFE];
	[sflag:s23] =	ssyncadd.s32 $0xFFFFFFFF  }
0xa5: {  	s26 =	simm.s32 $execute0_lowered;
	[smem:$0x3FD2] =	sst s25  }
0xa6: {  	s4 =	sshll.u32 s26, $0x1;
	_ =	strace $0x80000049;
	[dreg:$0x1] =	wrdreg $0xFFFFFFFF  }
0xa7: {  	s28 =	simm.s32 $_size_execute0_lowered;
	s2 =	sadd.s32 s2, s4;
	[dreg:$0x0] =	wrdreg $0x0  }
0xa8: {  	s4 =	sshll.u32 s28, $0x1;
	[dreg:$0x2] =	wrdreg s2  }
0xa9: {  	[dreg:$0x3] =	wrdreg s4  }
0xaa: {  	[dreg:$0x4] =	wrdreg $0xC0  }
0xab: {  	_ =	task [dreg:s6], $0x5FFFF  }
0xac: {  	[dreg:$0x1] =	wrdreg $0xFFFFFFFF  }
0xad: {  	[dreg:$0x0] =	wrdreg $0x60  }
0xae: {  	[dreg:$0x2] =	wrdreg s24  }
0xaf: {  	[dreg:$0x3] =	wrdreg $0xC7000  }
0xb0: {  	[dreg:$0x4] =	wrdreg $0x9  }
0xb1: {  	_ =	task.clear_ibuf [dreg:s6], $0x5FFFF;
	_ =	strace $0x90000049  }
0xb2: {  	s29 =	simm.s32 $0x9;
	_ =	strace $0x8000004B  }
0xb3: {  	_ =	swait.ge [sflag:s29], $0x1  }
0xb4: {  	[sflag:s29] =	ssyncadd.s32 $0xFFFFFFFF  }
0xb5: {  	_ =	strace $0x9000004B  }
0xb6: {  	_ =	sfence  }
0xb7: {  	s30 =	sld [smem:$0x0];
	_ =	sdelay $0x2  }
0xb8: {  	s31 =	sshll.u32 s1, $0xD;
	s1 =	sshrl.u32 s1, $0x2  }
0xb9: {  	s3 =	sand.u32 $0x4000, s31;
	s1 =	sadd.s32 s1, s30  }
0xba: {  	s0 =	sor.u32 s3, s0;
	s1 =	sshll.u32 s1, $0x11  }
0xbb: {  	s0 =	sor.u32 s1, s0  }
0xbc: {  	s0 =	sadd.s32 $0x8F2B, s0  }
0xbd: {  	[sflag:s0] =	ssyncadd.remote.s32 $0x1  }
0xbe: {  	_ =	sfence.sel $0xFFFF  }
0xbf: {  	[dreg:$0x0] =	wrdreg $0xFFFFFFFF;
	(pc) =	sbr.abs _section_cstart, $3  }
0xc0: {  	[dreg:$0x1] =	wrdreg $0xFFFFFFFF  }
0xc1: {  	_ =	task.clear_ibuf [dreg:s6], $0x2FFFF;
	_ =	strace $0x9FFFFFFF  }
0xc2: {  	(tm) =	ssettm $0x7FFFFFFF  }
0xc3: {  	_ =	shalt  }
tec
execute0_lowered:
.L_overlay_start_1:
0x0: {  	(tag) =	ssettag $0x1  }
0x1: {  	s2 =	rddreg [dreg:$0x0]  }
0x2: {  	s0 =	srdreg.scid;
	s1 =	rddreg [dreg:$0x1]  }
0x3: {  	s10 =	stileid.u32;
	s3 =	simm.s32 $0x0;
	s28 =	simm.s32 $0x7700  }
0x4: {  	s29 =	simm.s32 $0x9F00;
	s30 =	simm.s32 $0x4F00;
	s31 =	simm.s32 $0x5  }
0x5: {  	s24 =	simm.s32 $0x3;
	s0 =	sand.u32 $0x1, s0;
	s8 =	smul.u32 $0x13800, s10  }
0x6: {  	[smem:$0x7FF] =	sst s3;
	s26 =	smul.u32 $0x4E000, s10;
	s4 =	sshll.u32 s0, $0x4  }
0x7: {  	s6 =	ssub.s32 $0x2, s0;
	s0 =	smul.u32 $0x138800, s0;
	s4 =	sor.u32 s10, s4  }
0x8: {  	p0 =	sne.s32 s10, $0x0;
	s7 =	sshrl.u32 s6, $0x1;
	s5 =	smul.u32 $0x2710, s4  }
0x9: {  	_ =	strace $0x8000004A;
	s4 =	sadd.s32 $0x17600, s2;
	s6 =	ssub.s32 s6, s7  }
0xa: {  	s7 =	sadd.s32 $0x138000, s1;
	s8 =	sadd.s32 s8, s0;
	s5 =	sshrl.u32 s5, $0x3  }
0xb: {  	s0 =	sshrl.u32 s0, $0x3;
	s8 =	sshrl.u32 s8, $0x3;
	s5 =	sadd.s32 s5, s2  }
0xc: {  	s11 =	smax.u32 s6, $0x1;
	s2 =	sadd.s32 $0x3E800, s2;
	s25 =	sadd.s32 $0x3C00, s5  }
0xd: {  	s5 =	sadd.s32 $0xD840, s5;
	s0 =	sadd.s32 s2, s0;
	[dreg:$0x3] =	wrdreg s25  }
0xe: {  	s2 =	sadd.s32 s2, s8;
	[dreg:$0x4] =	wrdreg s5;
	s5 =	sshrl.u32 s26, $0x2  }
0xf: {  	[dreg:$0x5] =	wrdreg s2;
	s0 =	sadd.s32 $0x27000, s0;
	s25 =	simm.s32 $0x4  }
0x10: {  	s26 =	simm.s32 $0x50;
	s2 =	simm.s32 $0x2;
	s9 =	sadd.s32 s5, s1  }
0x11: {  	[dreg:$0x6] =	wrdreg s0;
	s0 =	simm.s32 $0x1;
	s5 =	simm.s32 $0x0  }
0x12: {  	s12 =	sadd.s32 $0x1800, s9;
	s13 =	sadd.s32 $0x3000, s9;
	s14 =	sadd.s32 $0x4800, s9  }
0x13: {  	s15 =	sadd.s32 $0x6000, s9;
	s16 =	sadd.s32 $0x7800, s9;
	s17 =	sadd.s32 $0x9000, s9  }
0x14: {  	s18 =	sadd.s32 $0xA800, s9;
	s19 =	sadd.s32 $0xC000, s9;
	s20 =	sadd.s32 $0xD800, s9  }
0x15: {  	v0 =	vimm.f32 $0.0e+00;
	s21 =	sadd.s32 $0xF000, s9;
	s22 =	sadd.s32 $0x10800, s9;
	s23 =	sadd.s32 $0x12000, s9  }
.LBB2_1:
0x16: {  	s6 =	rddreg [dreg:$0x3]  }
0x17: {  	[tilespmem:s3], [sflag:$0x4] =	stream.linear.gather [hbm4b:s6+s3], $0x2710, $0x38;
	[tilespmem:$0x1FF80] =	vst v63  }
0x18: {  	s10 =	rddreg [dreg:$0x4];
	s8 =	simm.s32 $0x2780  }
0x19: {  	[tilespmem:s8], [sflag:$0x4] =	stream.linear.gather [hbm4b:s10+s3], $0x2710, $0x38;
	[tilespmem:$0x1FF80] =	vst v63  }
0x1a: {  	s6 =	simm.s32 $0x70;
	s8 =	simm.s32 $0x3C0  }
.LBB2_2:
0x1b: {  	p1 =	sne.s32 s8, $0x5FC0;
	[tilespmem:s6+$0x4F00] =	vst v0  }
0x1c: {  	[tilespmem:s6+$0x4E90] =	vst v0  }
0x1d: {  	[tilespmem:s6+$0x4EA0] =	vst v0  }
.Ltmp0:
0x1e: {  	[tilespmem:s6+$0x4EB0] =	vst v0;
	(pc) =	sbr.rel @p1 .LBB2_2-.Ltmp0, $4  }
0x1f: {  	[tilespmem:s6+$0x4EC0] =	vst v0  }
0x20: {  	[tilespmem:s6+$0x4ED0] =	vst v0  }
0x21: {  	[tilespmem:s6+$0x4EE0] =	vst v0  }
0x22: {  	[tilespmem:s6+$0x4EF0] =	vst v0;
	s6 =	sshra.s32 s8, $0x2;
	s8 =	sadd.s32 $0x200, s8  }
0x23: {  	[tilespmem:s6+$0x4F00] =	vst v0  }
0x24: {  	[tilespmem:s6+$0x4E90] =	vst v0  }
0x25: {  	[tilespmem:s6+$0x4EA0] =	vst v0  }
0x26: {  	[tilespmem:s6+$0x4EB0] =	vst v0  }
0x27: {  	[tilespmem:s6+$0x4EC0] =	vst v0  }
0x28: {  	[tilespmem:s6+$0x4ED0] =	vst v0  }
0x29: {  	[tilespmem:s6+$0x4EE0] =	vst v0  }
0x2a: {  	[tilespmem:s6+$0x4EF0] =	vst v0  }
0x2b: {  	_ =	swait.ge [sflag:s25], $0x2710  }
0x2c: {  	[sflag:s25] =	ssyncset.done $0x0  }
0x2d: {  	[sflag:s25] =	ssyncadd.s32 $0xFFFFD8F0  }
0x2e: {  	_ =	swait.ge [sflag:s25], $0x2710  }
0x2f: {  	[sflag:s25] =	ssyncset.done $0x0  }
0x30: {  	[sflag:s25] =	ssyncadd.s32 $0xFFFFD8F0  }
0x31: {  	[tilespmem:s28], [sflag:$0x2] =	stream.indirect.gather [hbm4b:s4+s26], $0x80, s3, s26, $0xb8;
	[tilespmem:$0x1FF80] =	vst v63  }
0x32: {  	_ = 	snop  }
0x33: {  	[tilespmem:s29], [sflag:$0x3] =	stream.indirect.gather [hbm4b:s4+s26], $0x80, s26, s26, $0xb8;
	[tilespmem:$0x1FF80] =	vst v63  }
0x34: {  	_ = 	snop  }
0x35: {  	[spmem:s9] =	stream.linear.scatter [tilespmem:s30], [sflag:$0x5], $0x1800, $0x38;
	[tilespmem:$0x1FF80] =	vst v63  }
0x36: {  	_ =	swait.ge [sflag:s31], $0x1800  }
0x37: {  	[sflag:s31] =	ssyncset.done $0x0  }
0x38: {  	[sflag:s31] =	ssyncadd.s32 $0xFFFFE800  }
0x39: {  	[spmem:s12] =	stream.linear.scatter [tilespmem:s30], [sflag:$0x5], $0x1800, $0x38;
	[tilespmem:$0x1FF80] =	vst v63  }
0x3a: {  	_ =	swait.ge [sflag:s31], $0x1800  }
0x3b: {  	[sflag:s31] =	ssyncset.done $0x0  }
0x3c: {  	[sflag:s31] =	ssyncadd.s32 $0xFFFFE800  }
0x3d: {  	[spmem:s13] =	stream.linear.scatter [tilespmem:s30], [sflag:$0x5], $0x1800, $0x38;
	[tilespmem:$0x1FF80] =	vst v63  }
0x3e: {  	_ =	swait.ge [sflag:s31], $0x1800  }
0x3f: {  	[sflag:s31] =	ssyncset.done $0x0  }
0x40: {  	[sflag:s31] =	ssyncadd.s32 $0xFFFFE800  }
0x41: {  	[spmem:s14] =	stream.linear.scatter [tilespmem:s30], [sflag:$0x5], $0x1800, $0x38;
	[tilespmem:$0x1FF80] =	vst v63  }
0x42: {  	_ =	swait.ge [sflag:s31], $0x1800  }
0x43: {  	[sflag:s31] =	ssyncset.done $0x0  }
0x44: {  	[sflag:s31] =	ssyncadd.s32 $0xFFFFE800  }
0x45: {  	[spmem:s15] =	stream.linear.scatter [tilespmem:s30], [sflag:$0x5], $0x1800, $0x38;
	[tilespmem:$0x1FF80] =	vst v63  }
0x46: {  	_ =	swait.ge [sflag:s31], $0x1800  }
0x47: {  	[sflag:s31] =	ssyncset.done $0x0  }
0x48: {  	[sflag:s31] =	ssyncadd.s32 $0xFFFFE800  }
0x49: {  	[spmem:s16] =	stream.linear.scatter [tilespmem:s30], [sflag:$0x5], $0x1800, $0x38;
	[tilespmem:$0x1FF80] =	vst v63  }
0x4a: {  	_ =	swait.ge [sflag:s31], $0x1800  }
0x4b: {  	[sflag:s31] =	ssyncset.done $0x0  }
0x4c: {  	[sflag:s31] =	ssyncadd.s32 $0xFFFFE800  }
0x4d: {  	[spmem:s17] =	stream.linear.scatter [tilespmem:s30], [sflag:$0x5], $0x1800, $0x38;
	[tilespmem:$0x1FF80] =	vst v63  }
0x4e: {  	_ =	swait.ge [sflag:s31], $0x1800  }
0x4f: {  	[sflag:s31] =	ssyncset.done $0x0  }
0x50: {  	[sflag:s31] =	ssyncadd.s32 $0xFFFFE800  }
0x51: {  	[spmem:s18] =	stream.linear.scatter [tilespmem:s30], [sflag:$0x5], $0x1800, $0x38;
	[tilespmem:$0x1FF80] =	vst v63  }
0x52: {  	_ =	swait.ge [sflag:s31], $0x1800  }
0x53: {  	[sflag:s31] =	ssyncset.done $0x0  }
0x54: {  	[sflag:s31] =	ssyncadd.s32 $0xFFFFE800  }
0x55: {  	[spmem:s19] =	stream.linear.scatter [tilespmem:s30], [sflag:$0x5], $0x1800, $0x38;
	[tilespmem:$0x1FF80] =	vst v63  }
0x56: {  	_ =	swait.ge [sflag:s31], $0x1800  }
0x57: {  	[sflag:s31] =	ssyncset.done $0x0  }
0x58: {  	[sflag:s31] =	ssyncadd.s32 $0xFFFFE800  }
0x59: {  	[spmem:s20] =	stream.linear.scatter [tilespmem:s30], [sflag:$0x5], $0x1800, $0x38;
	[tilespmem:$0x1FF80] =	vst v63  }
0x5a: {  	_ =	swait.ge [sflag:s31], $0x1800  }
0x5b: {  	[sflag:s31] =	ssyncset.done $0x0  }
0x5c: {  	[sflag:s31] =	ssyncadd.s32 $0xFFFFE800  }
0x5d: {  	[spmem:s21] =	stream.linear.scatter [tilespmem:s30], [sflag:$0x5], $0x1800, $0x38;
	[tilespmem:$0x1FF80] =	vst v63  }
0x5e: {  	_ =	swait.ge [sflag:s31], $0x1800  }
0x5f: {  	[sflag:s31] =	ssyncset.done $0x0  }
0x60: {  	[sflag:s31] =	ssyncadd.s32 $0xFFFFE800  }
0x61: {  	[spmem:s22] =	stream.linear.scatter [tilespmem:s30], [sflag:$0x5], $0x1800, $0x38;
	[tilespmem:$0x1FF80] =	vst v63  }
0x62: {  	_ =	swait.ge [sflag:s31], $0x1800  }
0x63: {  	[sflag:s31] =	ssyncset.done $0x0  }
0x64: {  	[sflag:s31] =	ssyncadd.s32 $0xFFFFE800  }
0x65: {  	[spmem:s23] =	stream.linear.scatter [tilespmem:s30], [sflag:$0x5], $0x1800, $0x38;
	[tilespmem:$0x1FF80] =	vst v63  }
0x66: {  	_ =	swait.ge [sflag:s31], $0x1800  }
0x67: {  	[sflag:s31] =	ssyncset.done $0x0  }
0x68: {  	s6 =	simm.s32 @!p0 $0x4F00;
	[sflag:s31] =	ssyncadd.s32 $0xFFFFE800  }
0x69: {  	[spmem:s7] =	stream.linear.scatter @!p0 [tilespmem:s6], [sflag:$0x5], $0x800, $0x38;
	[tilespmem:$0x1FF80] =	vst v63  }
0x6a: {  	s6 =	simm.s32 @!p0 $0x5  }
0x6b: {  	_ =	swait.ge @!p0 [sflag:s6], $0x800  }
0x6c: {  	[sflag:s6] =	ssyncset.done @!p0 $0x0  }
0x6d: {  	s8 =	simm.s32 $0xA0;
	[sflag:s6] =	ssyncadd.s32 @!p0 $0xFFFFF800  }
0x6e: {  	[tilespmem:s30], [sflag:$0x1] =	stream.indirect.gather [hbm4b:s4+s26], $0x80, s8, s26, $0xb8;
	[tilespmem:$0x1FF80] =	vst v63  }
0x6f: {  	[bflag:$0x0] =	sbarrier.arrive $0xFFFF  }
0x70: {  	_ =	swait.ge [sflag:s2], $0x2800  }
0x71: {  	[sflag:s2] =	ssyncset.done $0x0  }
0x72: {  	s10 =	simm.s32 $0x2780;
	[sflag:s2] =	ssyncadd.s32 $0xFFFFD800  }
0x73: {  	[spmem:s1] =	stream.indirect.scatter.add.f32 [tilespmem:s28], [sflag:$0x5], $0x80, s10, s26, $0xb8;
	[tilespmem:$0x1FF80] =	vst v63  }
0x74: {  	_ =	swait.ge [sflag:s31], $0x2800  }
0x75: {  	[sflag:s31] =	ssyncset.done $0x0  }
0x76: {  	s8 =	simm.s32 $0xF0;
	[sflag:s31] =	ssyncadd.s32 $0xFFFFD800  }
0x77: {  	[tilespmem:s28], [sflag:$0x2] =	stream.indirect.gather [hbm4b:s4+s26], $0x80, s8, s26, $0xb8;
	[tilespmem:$0x1FF80] =	vst v63  }
0x78: {  	_ =	swait.ge [sflag:s24], $0x2800  }
0x79: {  	[sflag:s24] =	ssyncset.done $0x0  }
0x7a: {  	s10 =	simm.s32 $0x27D0;
	[sflag:s24] =	ssyncadd.s32 $0xFFFFD800  }
0x7b: {  	[spmem:s1] =	stream.indirect.scatter.add.f32 [tilespmem:s29], [sflag:$0x5], $0x80, s10, s26, $0xb8;
	[tilespmem:$0x1FF80] =	vst v63  }
0x7c: {  	_ =	swait.ge [sflag:s31], $0x2800  }
0x7d: {  	[sflag:s31] =	ssyncset.done $0x0  }
0x7e: {  	s8 =	simm.s32 $0x140;
	[sflag:s31] =	ssyncadd.s32 $0xFFFFD800  }
0x7f: {  	[tilespmem:s29], [sflag:$0x3] =	stream.indirect.gather [hbm4b:s4+s26], $0x80, s8, s26, $0xb8;
	[tilespmem:$0x1FF80] =	vst v63  }
0x80: {  	_ =	swait.ge [sflag:s0], $0x2800  }
0x81: {  	[sflag:s0] =	ssyncset.done $0x0  }
0x82: {  	s10 =	simm.s32 $0x2820;
	[sflag:s0] =	ssyncadd.s32 $0xFFFFD800  }
0x83: {  	[spmem:s1] =	stream.indirect.scatter.add.f32 [tilespmem:s30], [sflag:$0x5], $0x80, s10, s26, $0xb8;
	[tilespmem:$0x1FF80] =	vst v63  }
0x84: {  	_ =	swait.ge [sflag:s31], $0x2800  }
0x85: {  	[sflag:s31] =	ssyncset.done $0x0  }
0x86: {  	s6 =	simm.s32 $0x3C0;
	s8 =	simm.s32 $0x190;
	[sflag:s31] =	ssyncadd.s32 $0xFFFFD800  }
.LBB2_4:
0x87: {  	[tilespmem:s30], [sflag:$0x1] =	stream.indirect.gather [hbm4b:s4+s26], $0x80, s8, s26, $0xb8;
	[tilespmem:$0x1FF80] =	vst v63  }
0x88: {  	s8 =	smov.u32 s6  }
0x89: {  	p1 =	sne.s32 s6, $0x9240;
	s6 =	sadd.s32 $0x3C0, s6;
	_ =	swait.ge [sflag:s2], $0x2800  }
0x8a: {  	s8 =	sshra.s32 s8, $0x2;
	[sflag:s2] =	ssyncset.done $0x0  }
0x8b: {  	s10 =	sadd.s32 $0x2780, s8;
	[sflag:s2] =	ssyncadd.s32 $0xFFFFD800  }
0x8c: {  	[spmem:s1] =	stream.indirect.scatter.add.f32 [tilespmem:s28], [sflag:$0x5], $0x80, s10, s26, $0xb8;
	[tilespmem:$0x1FF80] =	vst v63  }
0x8d: {  	_ =	swait.ge [sflag:s31], $0x2800  }
0x8e: {  	[sflag:s31] =	ssyncset.done $0x0  }
0x8f: {  	s10 =	sadd.s32 $0xF0, s8;
	[sflag:s31] =	ssyncadd.s32 $0xFFFFD800  }
0x90: {  	[tilespmem:s28], [sflag:$0x2] =	stream.indirect.gather [hbm4b:s4+s26], $0x80, s10, s26, $0xb8;
	[tilespmem:$0x1FF80] =	vst v63  }
0x91: {  	_ =	swait.ge [sflag:s24], $0x2800  }
0x92: {  	[sflag:s24] =	ssyncset.done $0x0  }
0x93: {  	s10 =	sadd.s32 $0x27D0, s8;
	[sflag:s24] =	ssyncadd.s32 $0xFFFFD800  }
0x94: {  	[spmem:s1] =	stream.indirect.scatter.add.f32 [tilespmem:s29], [sflag:$0x5], $0x80, s10, s26, $0xb8;
	[tilespmem:$0x1FF80] =	vst v63  }
0x95: {  	_ =	swait.ge [sflag:s31], $0x2800  }
0x96: {  	[sflag:s31] =	ssyncset.done $0x0  }
0x97: {  	s10 =	sadd.s32 $0x140, s8;
	[sflag:s31] =	ssyncadd.s32 $0xFFFFD800  }
0x98: {  	[tilespmem:s29], [sflag:$0x3] =	stream.indirect.gather [hbm4b:s4+s26], $0x80, s10, s26, $0xb8;
	[tilespmem:$0x1FF80] =	vst v63  }
0x99: {  	_ =	swait.ge [sflag:s0], $0x2800  }
0x9a: {  	[sflag:s0] =	ssyncset.done $0x0  }
.Ltmp1:
0x9b: {  	s10 =	sadd.s32 $0x2820, s8;
	[sflag:s0] =	ssyncadd.s32 $0xFFFFD800;
	(pc) =	sbr.rel @p1 .LBB2_4-.Ltmp1, $4  }
0x9c: {  	[spmem:s1] =	stream.indirect.scatter.add.f32 [tilespmem:s30], [sflag:$0x5], $0x80, s10, s26, $0xb8;
	[tilespmem:$0x1FF80] =	vst v63  }
0x9d: {  	_ =	swait.ge [sflag:s31], $0x2800  }
0x9e: {  	[sflag:s31] =	ssyncset.done $0x0  }
0x9f: {  	s8 =	sadd.s32 $0x190, s8;
	[sflag:s31] =	ssyncadd.s32 $0xFFFFD800  }
0xa0: {  	[tilespmem:s30], [sflag:$0x1] =	stream.indirect.gather [hbm4b:s4+s26], $0x80, s8, s26, $0xb8;
	[tilespmem:$0x1FF80] =	vst v63  }
0xa1: {  	_ =	swait.ge [sflag:s2], $0x2800  }
0xa2: {  	[sflag:s2] =	ssyncset.done $0x0  }
0xa3: {  	s6 =	simm.s32 $0x4D00;
	[sflag:s2] =	ssyncadd.s32 $0xFFFFD800  }
0xa4: {  	[spmem:s1] =	stream.indirect.scatter.add.f32 [tilespmem:s28], [sflag:$0x5], $0x80, s6, s26, $0xb8;
	[tilespmem:$0x1FF80] =	vst v63  }
0xa5: {  	_ =	swait.ge [sflag:s31], $0x2800  }
0xa6: {  	[sflag:s31] =	ssyncset.done $0x0  }
0xa7: {  	s10 =	simm.s32 $0x2670;
	[sflag:s31] =	ssyncadd.s32 $0xFFFFD800  }
0xa8: {  	[tilespmem:s28], [sflag:$0x2] =	stream.indirect.gather [hbm4b:s4+s26], $0x80, s10, s26, $0xb8;
	[tilespmem:$0x1FF80] =	vst v63  }
0xa9: {  	_ =	swait.ge [sflag:s24], $0x2800  }
0xaa: {  	[sflag:s24] =	ssyncset.done $0x0  }
0xab: {  	s8 =	simm.s32 $0x4D50;
	[sflag:s24] =	ssyncadd.s32 $0xFFFFD800  }
0xac: {  	[spmem:s1] =	stream.indirect.scatter.add.f32 [tilespmem:s29], [sflag:$0x5], $0x80, s8, s26, $0xb8;
	[tilespmem:$0x1FF80] =	vst v63  }
0xad: {  	_ =	swait.ge [sflag:s31], $0x2800  }
0xae: {  	[sflag:s31] =	ssyncset.done $0x0  }
0xaf: {  	s10 =	simm.s32 $0x26C0;
	[sflag:s31] =	ssyncadd.s32 $0xFFFFD800  }
0xb0: {  	[tilespmem:s29], [sflag:$0x3] =	stream.indirect.gather [hbm4b:s4+s26], $0x80, s10, s26, $0xb8;
	[tilespmem:$0x1FF80] =	vst v63  }
0xb1: {  	_ =	swait.ge [sflag:s0], $0x2800  }
0xb2: {  	[sflag:s0] =	ssyncset.done $0x0  }
0xb3: {  	s8 =	simm.s32 $0x4DA0;
	[sflag:s0] =	ssyncadd.s32 $0xFFFFD800  }
0xb4: {  	[spmem:s1] =	stream.indirect.scatter.add.f32 [tilespmem:s30], [sflag:$0x5], $0x80, s8, s26, $0xb8;
	[tilespmem:$0x1FF80] =	vst v63  }
0xb5: {  	_ =	swait.ge [sflag:s31], $0x2800  }
0xb6: {  	[sflag:s31] =	ssyncset.done $0x0  }
0xb7: {  	[sflag:s31] =	ssyncadd.s32 $0xFFFFD800  }
0xb8: {  	_ =	swait.ge [sflag:s2], $0x2800  }
0xb9: {  	[sflag:s2] =	ssyncset.done $0x0  }
0xba: {  	s10 =	simm.s32 $0x4DF0;
	[sflag:s2] =	ssyncadd.s32 $0xFFFFD800  }
0xbb: {  	[spmem:s1] =	stream.indirect.scatter.add.f32 [tilespmem:s28], [sflag:$0x5], $0x80, s10, s26, $0xb8;
	[tilespmem:$0x1FF80] =	vst v63  }
0xbc: {  	_ =	swait.ge [sflag:s31], $0x2800  }
0xbd: {  	[sflag:s31] =	ssyncset.done $0x0  }
0xbe: {  	[sflag:s31] =	ssyncadd.s32 $0xFFFFD800  }
0xbf: {  	_ =	swait.ge [sflag:s24], $0x2800  }
0xc0: {  	[sflag:s24] =	ssyncset.done $0x0  }
0xc1: {  	s8 =	simm.s32 $0x4E40;
	[sflag:s24] =	ssyncadd.s32 $0xFFFFD800  }
0xc2: {  	[spmem:s1] =	stream.indirect.scatter.add.f32 [tilespmem:s29], [sflag:$0x5], $0x80, s8, s26, $0xb8;
	[tilespmem:$0x1FF80] =	vst v63  }
0xc3: {  	_ =	swait.ge [sflag:s31], $0x2800  }
0xc4: {  	[sflag:s31] =	ssyncset.done $0x0  }
0xc5: {  	s10 =	stileid.u32;
	[sflag:s31] =	ssyncadd.s32 $0xFFFFD800  }
0xc6: {  	s6 =	sshll.u32 s10, $0x6;
	[bflag:$0x0] =	sbarrier.arrive $0xFFFF  }
0xc7: {  	s6 =	sor.u32 $0x1C05, s6;
	s8 =	sshrl.u32 s9, $0x3;
	s10 =	rddreg [dreg:$0x5]  }
0xc8: {  	[hbm:s10], [sflag:s6] =	dma.local [spmem:s8], $0x2700  }
0xc9: {  	s5 =	sadd.s32 $0x1, s5;
	_ =	swait.ge [sflag:s31], $0x2700  }
0xca: {  	p1 =	sne.s32 s5, s11;
	[sflag:s31] =	ssyncset.done $0x0  }
0xcb: {  	s8 =	sshrl.u32 @!p0 s7, $0x3;
	s10 =	rddreg [dreg:$0x6];
	[sflag:s31] =	ssyncadd.s32 $0xFFFFD900  }
0xcc: {  	[hbm:s10], [sflag:s6] =	dma.local @!p0 [spmem:s8], $0x100  }
.Ltmp2:
0xcd: {  	_ = 	snop;
	(pc) =	sbr.rel @p1 .LBB2_1-.Ltmp2, $4  }
0xce: {  	s6 =	simm.s32 @!p0 $0x5  }
0xcf: {  	_ =	swait.ge @!p0 [sflag:s6], $0x100  }
0xd0: {  	[sflag:s6] =	ssyncset.done @!p0 $0x0  }
0xd1: {  	[sflag:s6] =	ssyncadd.s32 @!p0 $0xFFFFFF00  }
0xd2: {  	_ =	sfence.sel $0x180000  }
0xd3: {  	[bflag:$0x0] =	sbarrier.arrive $0xFFFF  }
0xd4: {  	_ =	strace $0x9000004A  }
0xd5: {  	[bflag:$0x2] =	sbarrier.arrive $0xFFFF  }
0xd6: {  	s0 =	rddreg [dreg:$0x2]  }
0xd7: {  	s0 =	sadd.s32 @!p0 $0x100000, s0  }
0xd8: {  	[sflag:s0] =	ssyncadd.tile.s32 @!p0 $0x1;
	_ =	shalt  }
.Lfunc_end2:
_tile_overlayer_lowered:
.L_overlay_start_2:
0xd9: {  	(tag) =	ssettag $0x2  }
0xda: {  	s0 =	rddreg [dreg:$0x0];
	s2 =	stileid.u32  }
0xdb: {  	s1 =	rddreg [dreg:$0x1];
	p0 =	sne.s32 s2, $0x0  }
0xdc: {  	s3 =	rddreg [dreg:$0x2];
	[bflag:$0x3] =	sbarrier.arrive $0xFFFF;
	s2 =	simm.s32 @!p0 $0x1C05  }
0xdd: {  	[timem:s3], [sflag:s2] =	dma.local @!p0 [hbm:s0], s1  }
0xde: {  	s0 =	simm.s32 @!p0 $0x5  }
0xdf: {  	_ =	swait.ge @!p0 [sflag:s0], s1  }
0xe0: {  	s1 =	ssub.s32 @!p0 $0x0, s1;
	[sflag:s0] =	ssyncset.done @!p0 $0x0  }
0xe1: {  	[sflag:s0] =	ssyncadd.s32 @!p0 s1  }
0xe2: {  	[bflag:$0x3] =	sbarrier.arrive $0xFFFF  }
0xe3: {  	_ =	shalt  }

// kernel: kernel.14.cloned.1.call-start
scs
__scs_entry_jumppad:
0x0: {  	(pc) =	sbr.rel $0x88, $3  }
0x1: {  	(tag) =	ssettag $0x0;
	lr =	simm.s32 $0x1  }
0x2: {  	[smem:$0x3F8F] =	sst lr;
	_ =	strace $0xD0000000  }
0x3: {  	_ = 	snop  }
0x4: {  	_ = 	snop  }
0x5: {  	_ = 	snop  }
0x6: {  	_ = 	snop  }
0x7: {  	_ = 	snop  }
__scs_overlays_trampoline_lowered:
0x8: {  	[smem:$0x3F9E] =	sst s0  }
0x9: {  	[smem:$0x3F9F] =	sst s1  }
0xa: {  	[smem:$0x3FA0] =	sst s2  }
0xb: {  	[smem:$0x3FA1] =	sst s3  }
0xc: {  	[smem:$0x3FA2] =	sst s4  }
0xd: {  	[smem:$0x3FA3] =	sst s5  }
0xe: {  	[smem:$0x3FA4] =	sst s6  }
0xf: {  	[smem:$0x3FA5] =	sst s7  }
0x10: {  	[smem:$0x3FA6] =	sst s8  }
0x11: {  	[smem:$0x3FA7] =	sst s9;
	s0 =	simm.s32 @!p0 $0x0  }
0x12: {  	s1 =	sld [smem:$0x3F8D];
	s0 =	simm.s32 @p0 $0x1  }
0x13: {  	[smem:$0x3FA8] =	sst s0;
	s0 =	simm.s32 @!p1 $0x0  }
0x14: {  	s2 =	sld [smem:$0x3F8C];
	s0 =	simm.s32 @p1 $0x1  }
0x15: {  	[smem:$0x3FA9] =	sst s0;
	s0 =	simm.s32 @!p2 $0x0  }
0x16: {  	s3 =	sld [smem:$0x3FDB];
	s0 =	simm.s32 @p2 $0x1  }
0x17: {  	s4 =	simm.s32 $0x1BF5;
	[smem:$0x3FAB] =	sst s0  }
0x18: {  	s0 =	sld [smem:$0x3F8E];
	_ =	swait.ge [sflag:s4], $0x0  }
0x19: {  	s7 =	sld [smem:$0x3F8F]  }
0x1a: {  	s8 =	sadd.s32 $0xFFFFE003, lr  }
0x1b: {  	s9 =	sadd.s32 $0xFFFFFEF7, lr;
	s5 =	simm.s32 $0xFFFFFFFF;
	p2 =	slt.u32 s8, $0xFFFFF086  }
0x1c: {  	p1 =	slt.u32 s9, $0xF7A;
	s5 =	simm.s32 @!p2 $0x0  }
0x1d: {  	s5 =	simm.s32 @p1 $0x1;
	p0 =	seq.s32 s7, s2  }
0x1e: {  	s7 =	smul.u32 @!p0 $0xF7A, s2;
	p2 =	seq.s32 @!p0 s5, $0x0  }
0x1f: {  	s9 =	smul.u32 $0xF7A, s1;
	s8 =	simm.s32 @!p0 $0x1BF5;
	p2 =	por !p2, p0  }
0x20: {  	[sflag:s8] =	ssyncset.s32 @!p0 $0xFFFFF086;
	s6 =	sadd.s32 @!p0 s3, s7;
	s7 =	simm.s32 @!p0 $0x108  }
0x21: {  	s3 =	sadd.s32 s3, s9;
	s6 =	sadd.s32 @!p0 $0x88, s6;
	s7 =	simm.s32 @p2 $0x1082  }
0x22: {  	[simem:s7], [sflag:s8] =	dma.local @!p0 [hbm:s6], $0xF7A  }
0x23: {  	s9 =	sor.u32 $0xD0000000, s2;
	s6 =	simm.s32 $0x108;
	_ =	swait.ge @!p0 [sflag:s8], $0x0  }
0x24: {  	s3 =	sadd.s32 $0x88, s3;
	s6 =	simm.s32 @!p1 $0x1082;
	[sflag:s4] =	ssyncset.s32 $0xFFFFF086  }
0x25: {  	[simem:s6], [sflag:s4] =	dma.local [hbm:s3], $0xF7A  }
0x26: {  	[smem:$0x3F8F] =	sst s1;
	(tag) =	ssettag s2;
	_ =	strace s9  }
0x27: {  	s1 =	sld [smem:$0x3F9F]  }
0x28: {  	s2 =	sld [smem:$0x3FA0]  }
0x29: {  	s4 =	sld [smem:$0x3FA2]  }
0x2a: {  	p0 =	seq.s32 s5, $0x0;
	s5 =	sld [smem:$0x3FA3]  }
0x2b: {  	s6 =	sld [smem:$0x3FA4]  }
0x2c: {  	s7 =	sld [smem:$0x3FA5]  }
0x2d: {  	s3 =	simm.s32 $0x108;
	s8 =	sld [smem:$0x3FA6]  }
0x2e: {  	s3 =	simm.s32 @!p0 $0x1082;
	s9 =	sld [smem:$0x3FA7]  }
0x2f: {  	lr =	sadd.s32 s0, s3;
	s0 =	sld [smem:$0x3F9E]  }
0x30: {  	s3 =	sld [smem:$0x3FA1]  }
0x31: {  	[smem:$0x3FAA] =	sst s10  }
0x32: {  	s10 =	sld [smem:$0x3FA8];
	_ =	sdelay $0x3  }
0x33: {  	p0 =	seq.s32 s10, $0x1;
	s10 =	sld [smem:$0x3FAA];
	_ =	sdelay $0x3  }
0x34: {  	[smem:$0x3FAA] =	sst s10  }
0x35: {  	s10 =	sld [smem:$0x3FA9];
	_ =	sdelay $0x3  }
0x36: {  	p1 =	seq.s32 s10, $0x1;
	s10 =	sld [smem:$0x3FAA];
	_ =	sdelay $0x3  }
0x37: {  	[smem:$0x3FAA] =	sst s10  }
0x38: {  	s10 =	sld [smem:$0x3FAB]  }
0x39: {  	_ = 	snop;
	(pc) =	sbr.ind lr, $3  }
0x3a: {  	_ = 	snop  }
0x3b: {  	_ = 	snop  }
0x3c: {  	p2 =	seq.s32 s10, $0x1;
	s10 =	sld [smem:$0x3FAA]  }
0x3d: {  	_ =	shalt  }
0x3e: {  	_ =	shalt  }
0x3f: {  	_ =	shalt  }
0x40: {  	_ =	shalt  }
0x41: {  	_ =	shalt  }
0x42: {  	_ =	shalt  }
0x43: {  	_ =	shalt  }
0x44: {  	_ =	shalt  }
0x45: {  	_ =	shalt  }
0x46: {  	_ =	shalt  }
0x47: {  	_ =	shalt  }
0x48: {  	_ =	shalt  }
0x49: {  	_ =	shalt  }
0x4a: {  	_ =	shalt  }
0x4b: {  	_ =	shalt  }
0x4c: {  	_ =	shalt  }
0x4d: {  	_ =	shalt  }
0x4e: {  	_ =	shalt  }
0x4f: {  	_ =	shalt  }
0x50: {  	_ =	shalt  }
0x51: {  	_ =	shalt  }
0x52: {  	_ =	shalt  }
0x53: {  	_ =	shalt  }
0x54: {  	_ =	shalt  }
0x55: {  	_ =	shalt  }
0x56: {  	_ =	shalt  }
0x57: {  	_ =	shalt  }
0x58: {  	_ =	shalt  }
0x59: {  	_ =	shalt  }
0x5a: {  	_ =	shalt  }
0x5b: {  	_ =	shalt  }
0x5c: {  	_ =	shalt  }
0x5d: {  	_ =	shalt  }
0x5e: {  	_ =	shalt  }
0x5f: {  	_ =	shalt  }
0x60: {  	_ =	shalt  }
0x61: {  	_ =	shalt  }
0x62: {  	_ =	shalt  }
0x63: {  	_ =	shalt  }
0x64: {  	_ =	shalt  }
0x65: {  	_ =	shalt  }
0x66: {  	_ =	shalt  }
0x67: {  	_ =	shalt  }
0x68: {  	_ =	shalt  }
0x69: {  	_ =	shalt  }
0x6a: {  	_ =	shalt  }
0x6b: {  	_ =	shalt  }
0x6c: {  	_ =	shalt  }
0x6d: {  	_ =	shalt  }
0x6e: {  	_ =	shalt  }
0x6f: {  	_ =	shalt  }
0x70: {  	_ =	shalt  }
0x71: {  	_ =	shalt  }
0x72: {  	_ =	shalt  }
0x73: {  	_ =	shalt  }
0x74: {  	_ =	shalt  }
0x75: {  	_ =	shalt  }
0x76: {  	_ =	shalt  }
0x77: {  	_ =	shalt  }
0x78: {  	_ =	shalt  }
0x79: {  	_ =	shalt  }
0x7a: {  	_ =	shalt  }
0x7b: {  	_ =	shalt  }
0x7c: {  	_ =	shalt  }
0x7d: {  	_ =	shalt  }
0x7e: {  	_ =	shalt  }
0x7f: {  	_ =	shalt  }
0x80: {  	_ =	shalt  }
0x81: {  	_ =	shalt  }
0x82: {  	_ =	shalt  }
0x83: {  	_ =	shalt  }
0x84: {  	_ =	shalt  }
0x85: {  	_ =	shalt  }
0x86: {  	_ =	shalt  }
0x87: {  	_ =	shalt  }
.Lfunc_end0:
.L_simem_size_0:
called_computation.2_lowered:
.L_overlay_start_0:
0x88: {  	s2 =	sld [smem:$0x3FD9]  }
0x89: {  	s3 =	sld [smem:$0x3FFE];
	_ =	sdelay $0x1  }
0x8a: {  	s1 =	srdreg.scid  }
0x8b: {  	s0 =	sand.u32 $0x1, s1  }
0x8c: {  	s16 =	sshll.u32 s0, $0xA;
	s2 =	sadd.s32 s3, s2  }
0x8d: {  	s2 =	sadd.s32 s2, s16  }
0x8e: {  	[smem:$0x3FB6] =	sst s2  }
0x8f: {  	_ = 	snop  }
0x90: {  	(tm) =	ssettm $0x1  }
0x91: {  	s17 =	sld [smem:$0x3FFB];
	_ =	sdelay $0x3  }
0x92: {  	_ =	strace s17  }
0x93: {  	s2 =	sld [smem:$0x3FFC];
	_ =	sdelay $0x3  }
0x94: {  	_ =	strace s2  }
0x95: {  	s2 =	sld [smem:$0x3FFD];
	_ =	sdelay $0x3  }
0x96: {  	_ =	strace s2  }
0x97: {  	_ =	strace $0x8FFFFFFF  }
0x98: {  	s18 =	sld [smem:$0x3FDB];
	_ =	sdelay $0x1  }
0x99: {  	s19 =	simm.s32 $_scs_section_size  }
0x9a: {  	s4 =	simm.s32 $_size__tile_overlayer_lowered;
	s5 =	simm.s32 $_tile_overlayer_lowered  }
0x9b: {  	s22 =	simm.s32 $0x1BFF;
	s21 =	sshll.u32 s5, $0x1;
	s2 =	sadd.s32 s19, s18  }
0x9c: {  	s6 =	simm.s32 $0x0;
	s20 =	sshll.u32 s4, $0x1;
	s4 =	sadd.s32 s21, s2  }
0x9d: {  	[timem:s6], [sflag:s22] =	dma.local [hbm:s4], s20  }
0x9e: {  	_ =	swait.ge [sflag:s22], s20  }
0x9f: {  	s3 =	ssub.s32 $0x0, s20;
	[sflag:s22] =	ssyncset.done $0x0  }
0xa0: {  	[sflag:s22] =	ssyncadd.s32 s3;
	_ =	sdelay $0x1  }
0xa1: {  	s23 =	simm.s32 $0x1B8B  }
0xa2: {  	_ =	swait.ge [sflag:s23], $0x1  }
0xa3: {  	[sflag:s23] =	ssyncset.done $0x0  }
0xa4: {  	s25 =	simm.s32 $0x1B8E;
	s24 =	sld [smem:$0x3FFE];
	[sflag:s23] =	ssyncadd.s32 $0xFFFFFFFF  }
0xa5: {  	s26 =	simm.s32 $execute0_lowered;
	[smem:$0x3FD2] =	sst s25  }
0xa6: {  	s4 =	sshll.u32 s26, $0x1;
	_ =	strace $0x8000004C;
	[dreg:$0x1] =	wrdreg $0xFFFFFFFF  }
0xa7: {  	s28 =	simm.s32 $_size_execute0_lowered;
	s2 =	sadd.s32 s2, s4;
	[dreg:$0x0] =	wrdreg $0x0  }
0xa8: {  	s4 =	sshll.u32 s28, $0x1;
	[dreg:$0x2] =	wrdreg s2  }
0xa9: {  	[dreg:$0x3] =	wrdreg s4  }
0xaa: {  	[dreg:$0x4] =	wrdreg $0xC0  }
0xab: {  	_ =	task [dreg:s6], $0x5FFFF  }
0xac: {  	[dreg:$0x1] =	wrdreg $0xFFFFFFFF  }
0xad: {  	[dreg:$0x0] =	wrdreg $0x60  }
0xae: {  	[dreg:$0x2] =	wrdreg s24  }
0xaf: {  	[dreg:$0x3] =	wrdreg $0xC7000  }
0xb0: {  	[dreg:$0x4] =	wrdreg $0x9  }
0xb1: {  	_ =	task.clear_ibuf [dreg:s6], $0x5FFFF;
	_ =	strace $0x9000004C  }
0xb2: {  	s29 =	simm.s32 $0x9;
	_ =	strace $0x8000004E  }
0xb3: {  	_ =	swait.ge [sflag:s29], $0x1  }
0xb4: {  	[sflag:s29] =	ssyncadd.s32 $0xFFFFFFFF  }
0xb5: {  	_ =	strace $0x9000004E  }
0xb6: {  	_ =	sfence  }
0xb7: {  	s30 =	sld [smem:$0x0];
	_ =	sdelay $0x2  }
0xb8: {  	s31 =	sshll.u32 s1, $0xD;
	s1 =	sshrl.u32 s1, $0x2  }
0xb9: {  	s3 =	sand.u32 $0x4000, s31;
	s1 =	sadd.s32 s1, s30  }
0xba: {  	s0 =	sor.u32 s3, s0;
	s1 =	sshll.u32 s1, $0x11  }
0xbb: {  	s0 =	sor.u32 s1, s0  }
0xbc: {  	s0 =	sadd.s32 $0x8F2B, s0  }
0xbd: {  	[sflag:s0] =	ssyncadd.remote.s32 $0x1  }
0xbe: {  	_ =	sfence.sel $0xFFFF  }
0xbf: {  	[dreg:$0x0] =	wrdreg $0xFFFFFFFF;
	(pc) =	sbr.abs _section_cstart, $3  }
0xc0: {  	[dreg:$0x1] =	wrdreg $0xFFFFFFFF  }
0xc1: {  	_ =	task.clear_ibuf [dreg:s6], $0x2FFFF;
	_ =	strace $0x9FFFFFFF  }
0xc2: {  	(tm) =	ssettm $0x7FFFFFFF  }
0xc3: {  	_ =	shalt  }
tec
execute0_lowered:
.L_overlay_start_1:
0x0: {  	(tag) =	ssettag $0x1  }
0x1: {  	s2 =	rddreg [dreg:$0x0]  }
0x2: {  	s0 =	srdreg.scid;
	s1 =	rddreg [dreg:$0x1]  }
0x3: {  	s10 =	stileid.u32;
	s3 =	simm.s32 $0x0;
	s28 =	simm.s32 $0x7700  }
0x4: {  	s29 =	simm.s32 $0x9F00;
	s30 =	simm.s32 $0x4F00;
	s31 =	simm.s32 $0x5  }
0x5: {  	s24 =	simm.s32 $0x3;
	s0 =	sand.u32 $0x1, s0;
	s8 =	smul.u32 $0x13800, s10  }
0x6: {  	[smem:$0x7FF] =	sst s3;
	s26 =	smul.u32 $0x4E000, s10;
	s4 =	sshll.u32 s0, $0x4  }
0x7: {  	s6 =	ssub.s32 $0x2, s0;
	s0 =	smul.u32 $0x138800, s0;
	s4 =	sor.u32 s10, s4  }
0x8: {  	p0 =	sne.s32 s10, $0x0;
	s7 =	sshrl.u32 s6, $0x1;
	s5 =	smul.u32 $0x2710, s4  }
0x9: {  	_ =	strace $0x8000004D;
	s4 =	sadd.s32 $0x17600, s2;
	s6 =	ssub.s32 s6, s7  }
0xa: {  	s7 =	sadd.s32 $0x138000, s1;
	s8 =	sadd.s32 s8, s0;
	s5 =	sshrl.u32 s5, $0x3  }
0xb: {  	s0 =	sshrl.u32 s0, $0x3;
	s8 =	sshrl.u32 s8, $0x3;
	s5 =	sadd.s32 s5, s2  }
0xc: {  	s11 =	smax.u32 s6, $0x1;
	s2 =	sadd.s32 $0x3E800, s2;
	s25 =	sadd.s32 $0x3C00, s5  }
0xd: {  	s5 =	sadd.s32 $0xD840, s5;
	s0 =	sadd.s32 s2, s0;
	[dreg:$0x3] =	wrdreg s25  }
0xe: {  	s2 =	sadd.s32 s2, s8;
	[dreg:$0x4] =	wrdreg s5;
	s5 =	sshrl.u32 s26, $0x2  }
0xf: {  	[dreg:$0x5] =	wrdreg s2;
	s0 =	sadd.s32 $0x27000, s0;
	s25 =	simm.s32 $0x4  }
0x10: {  	s26 =	simm.s32 $0x50;
	s2 =	simm.s32 $0x2;
	s9 =	sadd.s32 s5, s1  }
0x11: {  	[dreg:$0x6] =	wrdreg s0;
	s0 =	simm.s32 $0x1;
	s5 =	simm.s32 $0x0  }
0x12: {  	s12 =	sadd.s32 $0x1800, s9;
	s13 =	sadd.s32 $0x3000, s9;
	s14 =	sadd.s32 $0x4800, s9  }
0x13: {  	s15 =	sadd.s32 $0x6000, s9;
	s16 =	sadd.s32 $0x7800, s9;
	s17 =	sadd.s32 $0x9000, s9  }
0x14: {  	s18 =	sadd.s32 $0xA800, s9;
	s19 =	sadd.s32 $0xC000, s9;
	s20 =	sadd.s32 $0xD800, s9  }
0x15: {  	v0 =	vimm.f32 $0.0e+00;
	s21 =	sadd.s32 $0xF000, s9;
	s22 =	sadd.s32 $0x10800, s9;
	s23 =	sadd.s32 $0x12000, s9  }
.LBB2_1:
0x16: {  	s6 =	rddreg [dreg:$0x3]  }
0x17: {  	[tilespmem:s3], [sflag:$0x4] =	stream.linear.gather [hbm4b:s6+s3], $0x2710, $0x38;
	[tilespmem:$0x1FF80] =	vst v63  }
0x18: {  	s10 =	rddreg [dreg:$0x4];
	s8 =	simm.s32 $0x2780  }
0x19: {  	[tilespmem:s8], [sflag:$0x4] =	stream.linear.gather [hbm4b:s10+s3], $0x2710, $0x38;
	[tilespmem:$0x1FF80] =	vst v63  }
0x1a: {  	s6 =	simm.s32 $0x70;
	s8 =	simm.s32 $0x3C0  }
.LBB2_2:
0x1b: {  	p1 =	sne.s32 s8, $0x5FC0;
	[tilespmem:s6+$0x4F00] =	vst v0  }
0x1c: {  	[tilespmem:s6+$0x4E90] =	vst v0  }
0x1d: {  	[tilespmem:s6+$0x4EA0] =	vst v0  }
.Ltmp0:
0x1e: {  	[tilespmem:s6+$0x4EB0] =	vst v0;
	(pc) =	sbr.rel @p1 .LBB2_2-.Ltmp0, $4  }
0x1f: {  	[tilespmem:s6+$0x4EC0] =	vst v0  }
0x20: {  	[tilespmem:s6+$0x4ED0] =	vst v0  }
0x21: {  	[tilespmem:s6+$0x4EE0] =	vst v0  }
0x22: {  	[tilespmem:s6+$0x4EF0] =	vst v0;
	s6 =	sshra.s32 s8, $0x2;
	s8 =	sadd.s32 $0x200, s8  }
0x23: {  	[tilespmem:s6+$0x4F00] =	vst v0  }
0x24: {  	[tilespmem:s6+$0x4E90] =	vst v0  }
0x25: {  	[tilespmem:s6+$0x4EA0] =	vst v0  }
0x26: {  	[tilespmem:s6+$0x4EB0] =	vst v0  }
0x27: {  	[tilespmem:s6+$0x4EC0] =	vst v0  }
0x28: {  	[tilespmem:s6+$0x4ED0] =	vst v0  }
0x29: {  	[tilespmem:s6+$0x4EE0] =	vst v0  }
0x2a: {  	[tilespmem:s6+$0x4EF0] =	vst v0  }
0x2b: {  	_ =	swait.ge [sflag:s25], $0x2710  }
0x2c: {  	[sflag:s25] =	ssyncset.done $0x0  }
0x2d: {  	[sflag:s25] =	ssyncadd.s32 $0xFFFFD8F0  }
0x2e: {  	_ =	swait.ge [sflag:s25], $0x2710  }
0x2f: {  	[sflag:s25] =	ssyncset.done $0x0  }
0x30: {  	[sflag:s25] =	ssyncadd.s32 $0xFFFFD8F0  }
0x31: {  	[tilespmem:s28], [sflag:$0x2] =	stream.indirect.gather [hbm4b:s4+s26], $0x80, s3, s26, $0xb8;
	[tilespmem:$0x1FF80] =	vst v63  }
0x32: {  	_ = 	snop  }
0x33: {  	[tilespmem:s29], [sflag:$0x3] =	stream.indirect.gather [hbm4b:s4+s26], $0x80, s26, s26, $0xb8;
	[tilespmem:$0x1FF80] =	vst v63  }
0x34: {  	_ = 	snop  }
0x35: {  	[spmem:s9] =	stream.linear.scatter [tilespmem:s30], [sflag:$0x5], $0x1800, $0x38;
	[tilespmem:$0x1FF80] =	vst v63  }
0x36: {  	_ =	swait.ge [sflag:s31], $0x1800  }
0x37: {  	[sflag:s31] =	ssyncset.done $0x0  }
0x38: {  	[sflag:s31] =	ssyncadd.s32 $0xFFFFE800  }
0x39: {  	[spmem:s12] =	stream.linear.scatter [tilespmem:s30], [sflag:$0x5], $0x1800, $0x38;
	[tilespmem:$0x1FF80] =	vst v63  }
0x3a: {  	_ =	swait.ge [sflag:s31], $0x1800  }
0x3b: {  	[sflag:s31] =	ssyncset.done $0x0  }
0x3c: {  	[sflag:s31] =	ssyncadd.s32 $0xFFFFE800  }
0x3d: {  	[spmem:s13] =	stream.linear.scatter [tilespmem:s30], [sflag:$0x5], $0x1800, $0x38;
	[tilespmem:$0x1FF80] =	vst v63  }
0x3e: {  	_ =	swait.ge [sflag:s31], $0x1800  }
0x3f: {  	[sflag:s31] =	ssyncset.done $0x0  }
0x40: {  	[sflag:s31] =	ssyncadd.s32 $0xFFFFE800  }
0x41: {  	[spmem:s14] =	stream.linear.scatter [tilespmem:s30], [sflag:$0x5], $0x1800, $0x38;
	[tilespmem:$0x1FF80] =	vst v63  }
0x42: {  	_ =	swait.ge [sflag:s31], $0x1800  }
0x43: {  	[sflag:s31] =	ssyncset.done $0x0  }
0x44: {  	[sflag:s31] =	ssyncadd.s32 $0xFFFFE800  }
0x45: {  	[spmem:s15] =	stream.linear.scatter [tilespmem:s30], [sflag:$0x5], $0x1800, $0x38;
	[tilespmem:$0x1FF80] =	vst v63  }
0x46: {  	_ =	swait.ge [sflag:s31], $0x1800  }
0x47: {  	[sflag:s31] =	ssyncset.done $0x0  }
0x48: {  	[sflag:s31] =	ssyncadd.s32 $0xFFFFE800  }
0x49: {  	[spmem:s16] =	stream.linear.scatter [tilespmem:s30], [sflag:$0x5], $0x1800, $0x38;
	[tilespmem:$0x1FF80] =	vst v63  }
0x4a: {  	_ =	swait.ge [sflag:s31], $0x1800  }
0x4b: {  	[sflag:s31] =	ssyncset.done $0x0  }
0x4c: {  	[sflag:s31] =	ssyncadd.s32 $0xFFFFE800  }
0x4d: {  	[spmem:s17] =	stream.linear.scatter [tilespmem:s30], [sflag:$0x5], $0x1800, $0x38;
	[tilespmem:$0x1FF80] =	vst v63  }
0x4e: {  	_ =	swait.ge [sflag:s31], $0x1800  }
0x4f: {  	[sflag:s31] =	ssyncset.done $0x0  }
0x50: {  	[sflag:s31] =	ssyncadd.s32 $0xFFFFE800  }
0x51: {  	[spmem:s18] =	stream.linear.scatter [tilespmem:s30], [sflag:$0x5], $0x1800, $0x38;
	[tilespmem:$0x1FF80] =	vst v63  }
0x52: {  	_ =	swait.ge [sflag:s31], $0x1800  }
0x53: {  	[sflag:s31] =	ssyncset.done $0x0  }
0x54: {  	[sflag:s31] =	ssyncadd.s32 $0xFFFFE800  }
0x55: {  	[spmem:s19] =	stream.linear.scatter [tilespmem:s30], [sflag:$0x5], $0x1800, $0x38;
	[tilespmem:$0x1FF80] =	vst v63  }
0x56: {  	_ =	swait.ge [sflag:s31], $0x1800  }
0x57: {  	[sflag:s31] =	ssyncset.done $0x0  }
0x58: {  	[sflag:s31] =	ssyncadd.s32 $0xFFFFE800  }
0x59: {  	[spmem:s20] =	stream.linear.scatter [tilespmem:s30], [sflag:$0x5], $0x1800, $0x38;
	[tilespmem:$0x1FF80] =	vst v63  }
0x5a: {  	_ =	swait.ge [sflag:s31], $0x1800  }
0x5b: {  	[sflag:s31] =	ssyncset.done $0x0  }
0x5c: {  	[sflag:s31] =	ssyncadd.s32 $0xFFFFE800  }
0x5d: {  	[spmem:s21] =	stream.linear.scatter [tilespmem:s30], [sflag:$0x5], $0x1800, $0x38;
	[tilespmem:$0x1FF80] =	vst v63  }
0x5e: {  	_ =	swait.ge [sflag:s31], $0x1800  }
0x5f: {  	[sflag:s31] =	ssyncset.done $0x0  }
0x60: {  	[sflag:s31] =	ssyncadd.s32 $0xFFFFE800  }
0x61: {  	[spmem:s22] =	stream.linear.scatter [tilespmem:s30], [sflag:$0x5], $0x1800, $0x38;
	[tilespmem:$0x1FF80] =	vst v63  }
0x62: {  	_ =	swait.ge [sflag:s31], $0x1800  }
0x63: {  	[sflag:s31] =	ssyncset.done $0x0  }
0x64: {  	[sflag:s31] =	ssyncadd.s32 $0xFFFFE800  }
0x65: {  	[spmem:s23] =	stream.linear.scatter [tilespmem:s30], [sflag:$0x5], $0x1800, $0x38;
	[tilespmem:$0x1FF80] =	vst v63  }
0x66: {  	_ =	swait.ge [sflag:s31], $0x1800  }
0x67: {  	[sflag:s31] =	ssyncset.done $0x0  }
0x68: {  	s6 =	simm.s32 @!p0 $0x4F00;
	[sflag:s31] =	ssyncadd.s32 $0xFFFFE800  }
0x69: {  	[spmem:s7] =	stream.linear.scatter @!p0 [tilespmem:s6], [sflag:$0x5], $0x800, $0x38;
	[tilespmem:$0x1FF80] =	vst v63  }
0x6a: {  	s6 =	simm.s32 @!p0 $0x5  }
0x6b: {  	_ =	swait.ge @!p0 [sflag:s6], $0x800  }
0x6c: {  	[sflag:s6] =	ssyncset.done @!p0 $0x0  }
0x6d: {  	s8 =	simm.s32 $0xA0;
	[sflag:s6] =	ssyncadd.s32 @!p0 $0xFFFFF800  }
0x6e: {  	[tilespmem:s30], [sflag:$0x1] =	stream.indirect.gather [hbm4b:s4+s26], $0x80, s8, s26, $0xb8;
	[tilespmem:$0x1FF80] =	vst v63  }
0x6f: {  	[bflag:$0x0] =	sbarrier.arrive $0xFFFF  }
0x70: {  	_ =	swait.ge [sflag:s2], $0x2800  }
0x71: {  	[sflag:s2] =	ssyncset.done $0x0  }
0x72: {  	s10 =	simm.s32 $0x2780;
	[sflag:s2] =	ssyncadd.s32 $0xFFFFD800  }
0x73: {  	[spmem:s1] =	stream.indirect.scatter.add.f32 [tilespmem:s28], [sflag:$0x5], $0x80, s10, s26, $0xb8;
	[tilespmem:$0x1FF80] =	vst v63  }
0x74: {  	_ =	swait.ge [sflag:s31], $0x2800  }
0x75: {  	[sflag:s31] =	ssyncset.done $0x0  }
0x76: {  	s8 =	simm.s32 $0xF0;
	[sflag:s31] =	ssyncadd.s32 $0xFFFFD800  }
0x77: {  	[tilespmem:s28], [sflag:$0x2] =	stream.indirect.gather [hbm4b:s4+s26], $0x80, s8, s26, $0xb8;
	[tilespmem:$0x1FF80] =	vst v63  }
0x78: {  	_ =	swait.ge [sflag:s24], $0x2800  }
0x79: {  	[sflag:s24] =	ssyncset.done $0x0  }
0x7a: {  	s10 =	simm.s32 $0x27D0;
	[sflag:s24] =	ssyncadd.s32 $0xFFFFD800  }
0x7b: {  	[spmem:s1] =	stream.indirect.scatter.add.f32 [tilespmem:s29], [sflag:$0x5], $0x80, s10, s26, $0xb8;
	[tilespmem:$0x1FF80] =	vst v63  }
0x7c: {  	_ =	swait.ge [sflag:s31], $0x2800  }
0x7d: {  	[sflag:s31] =	ssyncset.done $0x0  }
0x7e: {  	s8 =	simm.s32 $0x140;
	[sflag:s31] =	ssyncadd.s32 $0xFFFFD800  }
0x7f: {  	[tilespmem:s29], [sflag:$0x3] =	stream.indirect.gather [hbm4b:s4+s26], $0x80, s8, s26, $0xb8;
	[tilespmem:$0x1FF80] =	vst v63  }
0x80: {  	_ =	swait.ge [sflag:s0], $0x2800  }
0x81: {  	[sflag:s0] =	ssyncset.done $0x0  }
0x82: {  	s10 =	simm.s32 $0x2820;
	[sflag:s0] =	ssyncadd.s32 $0xFFFFD800  }
0x83: {  	[spmem:s1] =	stream.indirect.scatter.add.f32 [tilespmem:s30], [sflag:$0x5], $0x80, s10, s26, $0xb8;
	[tilespmem:$0x1FF80] =	vst v63  }
0x84: {  	_ =	swait.ge [sflag:s31], $0x2800  }
0x85: {  	[sflag:s31] =	ssyncset.done $0x0  }
0x86: {  	s6 =	simm.s32 $0x3C0;
	s8 =	simm.s32 $0x190;
	[sflag:s31] =	ssyncadd.s32 $0xFFFFD800  }
.LBB2_4:
0x87: {  	[tilespmem:s30], [sflag:$0x1] =	stream.indirect.gather [hbm4b:s4+s26], $0x80, s8, s26, $0xb8;
	[tilespmem:$0x1FF80] =	vst v63  }
0x88: {  	s8 =	smov.u32 s6  }
0x89: {  	p1 =	sne.s32 s6, $0x9240;
	s6 =	sadd.s32 $0x3C0, s6;
	_ =	swait.ge [sflag:s2], $0x2800  }
0x8a: {  	s8 =	sshra.s32 s8, $0x2;
	[sflag:s2] =	ssyncset.done $0x0  }
0x8b: {  	s10 =	sadd.s32 $0x2780, s8;
	[sflag:s2] =	ssyncadd.s32 $0xFFFFD800  }
0x8c: {  	[spmem:s1] =	stream.indirect.scatter.add.f32 [tilespmem:s28], [sflag:$0x5], $0x80, s10, s26, $0xb8;
	[tilespmem:$0x1FF80] =	vst v63  }
0x8d: {  	_ =	swait.ge [sflag:s31], $0x2800  }
0x8e: {  	[sflag:s31] =	ssyncset.done $0x0  }
0x8f: {  	s10 =	sadd.s32 $0xF0, s8;
	[sflag:s31] =	ssyncadd.s32 $0xFFFFD800  }
0x90: {  	[tilespmem:s28], [sflag:$0x2] =	stream.indirect.gather [hbm4b:s4+s26], $0x80, s10, s26, $0xb8;
	[tilespmem:$0x1FF80] =	vst v63  }
0x91: {  	_ =	swait.ge [sflag:s24], $0x2800  }
0x92: {  	[sflag:s24] =	ssyncset.done $0x0  }
0x93: {  	s10 =	sadd.s32 $0x27D0, s8;
	[sflag:s24] =	ssyncadd.s32 $0xFFFFD800  }
0x94: {  	[spmem:s1] =	stream.indirect.scatter.add.f32 [tilespmem:s29], [sflag:$0x5], $0x80, s10, s26, $0xb8;
	[tilespmem:$0x1FF80] =	vst v63  }
0x95: {  	_ =	swait.ge [sflag:s31], $0x2800  }
0x96: {  	[sflag:s31] =	ssyncset.done $0x0  }
0x97: {  	s10 =	sadd.s32 $0x140, s8;
	[sflag:s31] =	ssyncadd.s32 $0xFFFFD800  }
0x98: {  	[tilespmem:s29], [sflag:$0x3] =	stream.indirect.gather [hbm4b:s4+s26], $0x80, s10, s26, $0xb8;
	[tilespmem:$0x1FF80] =	vst v63  }
0x99: {  	_ =	swait.ge [sflag:s0], $0x2800  }
0x9a: {  	[sflag:s0] =	ssyncset.done $0x0  }
.Ltmp1:
0x9b: {  	s10 =	sadd.s32 $0x2820, s8;
	[sflag:s0] =	ssyncadd.s32 $0xFFFFD800;
	(pc) =	sbr.rel @p1 .LBB2_4-.Ltmp1, $4  }
0x9c: {  	[spmem:s1] =	stream.indirect.scatter.add.f32 [tilespmem:s30], [sflag:$0x5], $0x80, s10, s26, $0xb8;
	[tilespmem:$0x1FF80] =	vst v63  }
0x9d: {  	_ =	swait.ge [sflag:s31], $0x2800  }
0x9e: {  	[sflag:s31] =	ssyncset.done $0x0  }
0x9f: {  	s8 =	sadd.s32 $0x190, s8;
	[sflag:s31] =	ssyncadd.s32 $0xFFFFD800  }
0xa0: {  	[tilespmem:s30], [sflag:$0x1] =	stream.indirect.gather [hbm4b:s4+s26], $0x80, s8, s26, $0xb8;
	[tilespmem:$0x1FF80] =	vst v63  }
0xa1: {  	_ =	swait.ge [sflag:s2], $0x2800  }
0xa2: {  	[sflag:s2] =	ssyncset.done $0x0  }
0xa3: {  	s6 =	simm.s32 $0x4D00;
	[sflag:s2] =	ssyncadd.s32 $0xFFFFD800  }
0xa4: {  	[spmem:s1] =	stream.indirect.scatter.add.f32 [tilespmem:s28], [sflag:$0x5], $0x80, s6, s26, $0xb8;
	[tilespmem:$0x1FF80] =	vst v63  }
0xa5: {  	_ =	swait.ge [sflag:s31], $0x2800  }
0xa6: {  	[sflag:s31] =	ssyncset.done $0x0  }
0xa7: {  	s10 =	simm.s32 $0x2670;
	[sflag:s31] =	ssyncadd.s32 $0xFFFFD800  }
0xa8: {  	[tilespmem:s28], [sflag:$0x2] =	stream.indirect.gather [hbm4b:s4+s26], $0x80, s10, s26, $0xb8;
	[tilespmem:$0x1FF80] =	vst v63  }
0xa9: {  	_ =	swait.ge [sflag:s24], $0x2800  }
0xaa: {  	[sflag:s24] =	ssyncset.done $0x0  }
0xab: {  	s8 =	simm.s32 $0x4D50;
	[sflag:s24] =	ssyncadd.s32 $0xFFFFD800  }
0xac: {  	[spmem:s1] =	stream.indirect.scatter.add.f32 [tilespmem:s29], [sflag:$0x5], $0x80, s8, s26, $0xb8;
	[tilespmem:$0x1FF80] =	vst v63  }
0xad: {  	_ =	swait.ge [sflag:s31], $0x2800  }
0xae: {  	[sflag:s31] =	ssyncset.done $0x0  }
0xaf: {  	s10 =	simm.s32 $0x26C0;
	[sflag:s31] =	ssyncadd.s32 $0xFFFFD800  }
0xb0: {  	[tilespmem:s29], [sflag:$0x3] =	stream.indirect.gather [hbm4b:s4+s26], $0x80, s10, s26, $0xb8;
	[tilespmem:$0x1FF80] =	vst v63  }
0xb1: {  	_ =	swait.ge [sflag:s0], $0x2800  }
0xb2: {  	[sflag:s0] =	ssyncset.done $0x0  }
0xb3: {  	s8 =	simm.s32 $0x4DA0;
	[sflag:s0] =	ssyncadd.s32 $0xFFFFD800  }
0xb4: {  	[spmem:s1] =	stream.indirect.scatter.add.f32 [tilespmem:s30], [sflag:$0x5], $0x80, s8, s26, $0xb8;
	[tilespmem:$0x1FF80] =	vst v63  }
0xb5: {  	_ =	swait.ge [sflag:s31], $0x2800  }
0xb6: {  	[sflag:s31] =	ssyncset.done $0x0  }
0xb7: {  	[sflag:s31] =	ssyncadd.s32 $0xFFFFD800  }
0xb8: {  	_ =	swait.ge [sflag:s2], $0x2800  }
0xb9: {  	[sflag:s2] =	ssyncset.done $0x0  }
0xba: {  	s10 =	simm.s32 $0x4DF0;
	[sflag:s2] =	ssyncadd.s32 $0xFFFFD800  }
0xbb: {  	[spmem:s1] =	stream.indirect.scatter.add.f32 [tilespmem:s28], [sflag:$0x5], $0x80, s10, s26, $0xb8;
	[tilespmem:$0x1FF80] =	vst v63  }
0xbc: {  	_ =	swait.ge [sflag:s31], $0x2800  }
0xbd: {  	[sflag:s31] =	ssyncset.done $0x0  }
0xbe: {  	[sflag:s31] =	ssyncadd.s32 $0xFFFFD800  }
0xbf: {  	_ =	swait.ge [sflag:s24], $0x2800  }
0xc0: {  	[sflag:s24] =	ssyncset.done $0x0  }
0xc1: {  	s8 =	simm.s32 $0x4E40;
	[sflag:s24] =	ssyncadd.s32 $0xFFFFD800  }
0xc2: {  	[spmem:s1] =	stream.indirect.scatter.add.f32 [tilespmem:s29], [sflag:$0x5], $0x80, s8, s26, $0xb8;
	[tilespmem:$0x1FF80] =	vst v63  }
0xc3: {  	_ =	swait.ge [sflag:s31], $0x2800  }
0xc4: {  	[sflag:s31] =	ssyncset.done $0x0  }
0xc5: {  	s10 =	stileid.u32;
	[sflag:s31] =	ssyncadd.s32 $0xFFFFD800  }
0xc6: {  	s6 =	sshll.u32 s10, $0x6;
	[bflag:$0x0] =	sbarrier.arrive $0xFFFF  }
0xc7: {  	s6 =	sor.u32 $0x1C05, s6;
	s8 =	sshrl.u32 s9, $0x3;
	s10 =	rddreg [dreg:$0x5]  }
0xc8: {  	[hbm:s10], [sflag:s6] =	dma.local [spmem:s8], $0x2700  }
0xc9: {  	s5 =	sadd.s32 $0x1, s5;
	_ =	swait.ge [sflag:s31], $0x2700  }
0xca: {  	p1 =	sne.s32 s5, s11;
	[sflag:s31] =	ssyncset.done $0x0  }
0xcb: {  	s8 =	sshrl.u32 @!p0 s7, $0x3;
	s10 =	rddreg [dreg:$0x6];
	[sflag:s31] =	ssyncadd.s32 $0xFFFFD900  }
0xcc: {  	[hbm:s10], [sflag:s6] =	dma.local @!p0 [spmem:s8], $0x100  }
.Ltmp2:
0xcd: {  	_ = 	snop;
	(pc) =	sbr.rel @p1 .LBB2_1-.Ltmp2, $4  }
0xce: {  	s6 =	simm.s32 @!p0 $0x5  }
0xcf: {  	_ =	swait.ge @!p0 [sflag:s6], $0x100  }
0xd0: {  	[sflag:s6] =	ssyncset.done @!p0 $0x0  }
0xd1: {  	[sflag:s6] =	ssyncadd.s32 @!p0 $0xFFFFFF00  }
0xd2: {  	_ =	sfence.sel $0x180000  }
0xd3: {  	[bflag:$0x0] =	sbarrier.arrive $0xFFFF  }
0xd4: {  	_ =	strace $0x9000004D  }
0xd5: {  	[bflag:$0x2] =	sbarrier.arrive $0xFFFF  }
0xd6: {  	s0 =	rddreg [dreg:$0x2]  }
0xd7: {  	s0 =	sadd.s32 @!p0 $0x100000, s0  }
0xd8: {  	[sflag:s0] =	ssyncadd.tile.s32 @!p0 $0x1;
	_ =	shalt  }
.Lfunc_end2:
_tile_overlayer_lowered:
.L_overlay_start_2:
0xd9: {  	(tag) =	ssettag $0x2  }
0xda: {  	s0 =	rddreg [dreg:$0x0];
	s2 =	stileid.u32  }
0xdb: {  	s1 =	rddreg [dreg:$0x1];
	p0 =	sne.s32 s2, $0x0  }
0xdc: {  	s3 =	rddreg [dreg:$0x2];
	[bflag:$0x3] =	sbarrier.arrive $0xFFFF;
	s2 =	simm.s32 @!p0 $0x1C05  }
0xdd: {  	[timem:s3], [sflag:s2] =	dma.local @!p0 [hbm:s0], s1  }
0xde: {  	s0 =	simm.s32 @!p0 $0x5  }
0xdf: {  	_ =	swait.ge @!p0 [sflag:s0], s1  }
0xe0: {  	s1 =	ssub.s32 @!p0 $0x0, s1;
	[sflag:s0] =	ssyncset.done @!p0 $0x0  }
0xe1: {  	[sflag:s0] =	ssyncadd.s32 @!p0 s1  }
0xe2: {  	[bflag:$0x3] =	sbarrier.arrive $0xFFFF  }
0xe3: {  	_ =	shalt  }

// kernel: kernel.8.cloned.1.call-start
scs
__scs_entry_jumppad:
0x0: {  	(pc) =	sbr.rel $0x88, $3  }
0x1: {  	(tag) =	ssettag $0x0;
	lr =	simm.s32 $0x1  }
0x2: {  	[smem:$0x3F8F] =	sst lr;
	_ =	strace $0xD0000000  }
0x3: {  	_ = 	snop  }
0x4: {  	_ = 	snop  }
0x5: {  	_ = 	snop  }
0x6: {  	_ = 	snop  }
0x7: {  	_ = 	snop  }
__scs_overlays_trampoline_lowered:
0x8: {  	[smem:$0x3F9E] =	sst s0  }
0x9: {  	[smem:$0x3F9F] =	sst s1  }
0xa: {  	[smem:$0x3FA0] =	sst s2  }
0xb: {  	[smem:$0x3FA1] =	sst s3  }
0xc: {  	[smem:$0x3FA2] =	sst s4  }
0xd: {  	[smem:$0x3FA3] =	sst s5  }
0xe: {  	[smem:$0x3FA4] =	sst s6  }
0xf: {  	[smem:$0x3FA5] =	sst s7  }
0x10: {  	[smem:$0x3FA6] =	sst s8  }
0x11: {  	[smem:$0x3FA7] =	sst s9;
	s0 =	simm.s32 @!p0 $0x0  }
0x12: {  	s1 =	sld [smem:$0x3F8D];
	s0 =	simm.s32 @p0 $0x1  }
0x13: {  	[smem:$0x3FA8] =	sst s0;
	s0 =	simm.s32 @!p1 $0x0  }
0x14: {  	s2 =	sld [smem:$0x3F8C];
	s0 =	simm.s32 @p1 $0x1  }
0x15: {  	[smem:$0x3FA9] =	sst s0;
	s0 =	simm.s32 @!p2 $0x0  }
0x16: {  	s3 =	sld [smem:$0x3FDB];
	s0 =	simm.s32 @p2 $0x1  }
0x17: {  	s4 =	simm.s32 $0x1BF5;
	[smem:$0x3FAB] =	sst s0  }
0x18: {  	s0 =	sld [smem:$0x3F8E];
	_ =	swait.ge [sflag:s4], $0x0  }
0x19: {  	s7 =	sld [smem:$0x3F8F]  }
0x1a: {  	s8 =	sadd.s32 $0xFFFFE003, lr  }
0x1b: {  	s9 =	sadd.s32 $0xFFFFFEF7, lr;
	s5 =	simm.s32 $0xFFFFFFFF;
	p2 =	slt.u32 s8, $0xFFFFF086  }
0x1c: {  	p1 =	slt.u32 s9, $0xF7A;
	s5 =	simm.s32 @!p2 $0x0  }
0x1d: {  	s5 =	simm.s32 @p1 $0x1;
	p0 =	seq.s32 s7, s2  }
0x1e: {  	s7 =	smul.u32 @!p0 $0xF7A, s2;
	p2 =	seq.s32 @!p0 s5, $0x0  }
0x1f: {  	s9 =	smul.u32 $0xF7A, s1;
	s8 =	simm.s32 @!p0 $0x1BF5;
	p2 =	por !p2, p0  }
0x20: {  	[sflag:s8] =	ssyncset.s32 @!p0 $0xFFFFF086;
	s6 =	sadd.s32 @!p0 s3, s7;
	s7 =	simm.s32 @!p0 $0x108  }
0x21: {  	s3 =	sadd.s32 s3, s9;
	s6 =	sadd.s32 @!p0 $0x88, s6;
	s7 =	simm.s32 @p2 $0x1082  }
0x22: {  	[simem:s7], [sflag:s8] =	dma.local @!p0 [hbm:s6], $0xF7A  }
0x23: {  	s9 =	sor.u32 $0xD0000000, s2;
	s6 =	simm.s32 $0x108;
	_ =	swait.ge @!p0 [sflag:s8], $0x0  }
0x24: {  	s3 =	sadd.s32 $0x88, s3;
	s6 =	simm.s32 @!p1 $0x1082;
	[sflag:s4] =	ssyncset.s32 $0xFFFFF086  }
0x25: {  	[simem:s6], [sflag:s4] =	dma.local [hbm:s3], $0xF7A  }
0x26: {  	[smem:$0x3F8F] =	sst s1;
	(tag) =	ssettag s2;
	_ =	strace s9  }
0x27: {  	s1 =	sld [smem:$0x3F9F]  }
0x28: {  	s2 =	sld [smem:$0x3FA0]  }
0x29: {  	s4 =	sld [smem:$0x3FA2]  }
0x2a: {  	p0 =	seq.s32 s5, $0x0;
	s5 =	sld [smem:$0x3FA3]  }
0x2b: {  	s6 =	sld [smem:$0x3FA4]  }
0x2c: {  	s7 =	sld [smem:$0x3FA5]  }
0x2d: {  	s3 =	simm.s32 $0x108;
	s8 =	sld [smem:$0x3FA6]  }
0x2e: {  	s3 =	simm.s32 @!p0 $0x1082;
	s9 =	sld [smem:$0x3FA7]  }
0x2f: {  	lr =	sadd.s32 s0, s3;
	s0 =	sld [smem:$0x3F9E]  }
0x30: {  	s3 =	sld [smem:$0x3FA1]  }
0x31: {  	[smem:$0x3FAA] =	sst s10  }
0x32: {  	s10 =	sld [smem:$0x3FA8];
	_ =	sdelay $0x3  }
0x33: {  	p0 =	seq.s32 s10, $0x1;
	s10 =	sld [smem:$0x3FAA];
	_ =	sdelay $0x3  }
0x34: {  	[smem:$0x3FAA] =	sst s10  }
0x35: {  	s10 =	sld [smem:$0x3FA9];
	_ =	sdelay $0x3  }
0x36: {  	p1 =	seq.s32 s10, $0x1;
	s10 =	sld [smem:$0x3FAA];
	_ =	sdelay $0x3  }
0x37: {  	[smem:$0x3FAA] =	sst s10  }
0x38: {  	s10 =	sld [smem:$0x3FAB]  }
0x39: {  	_ = 	snop;
	(pc) =	sbr.ind lr, $3  }
0x3a: {  	_ = 	snop  }
0x3b: {  	_ = 	snop  }
0x3c: {  	p2 =	seq.s32 s10, $0x1;
	s10 =	sld [smem:$0x3FAA]  }
0x3d: {  	_ =	shalt  }
0x3e: {  	_ =	shalt  }
0x3f: {  	_ =	shalt  }
0x40: {  	_ =	shalt  }
0x41: {  	_ =	shalt  }
0x42: {  	_ =	shalt  }
0x43: {  	_ =	shalt  }
0x44: {  	_ =	shalt  }
0x45: {  	_ =	shalt  }
0x46: {  	_ =	shalt  }
0x47: {  	_ =	shalt  }
0x48: {  	_ =	shalt  }
0x49: {  	_ =	shalt  }
0x4a: {  	_ =	shalt  }
0x4b: {  	_ =	shalt  }
0x4c: {  	_ =	shalt  }
0x4d: {  	_ =	shalt  }
0x4e: {  	_ =	shalt  }
0x4f: {  	_ =	shalt  }
0x50: {  	_ =	shalt  }
0x51: {  	_ =	shalt  }
0x52: {  	_ =	shalt  }
0x53: {  	_ =	shalt  }
0x54: {  	_ =	shalt  }
0x55: {  	_ =	shalt  }
0x56: {  	_ =	shalt  }
0x57: {  	_ =	shalt  }
0x58: {  	_ =	shalt  }
0x59: {  	_ =	shalt  }
0x5a: {  	_ =	shalt  }
0x5b: {  	_ =	shalt  }
0x5c: {  	_ =	shalt  }
0x5d: {  	_ =	shalt  }
0x5e: {  	_ =	shalt  }
0x5f: {  	_ =	shalt  }
0x60: {  	_ =	shalt  }
0x61: {  	_ =	shalt  }
0x62: {  	_ =	shalt  }
0x63: {  	_ =	shalt  }
0x64: {  	_ =	shalt  }
0x65: {  	_ =	shalt  }
0x66: {  	_ =	shalt  }
0x67: {  	_ =	shalt  }
0x68: {  	_ =	shalt  }
0x69: {  	_ =	shalt  }
0x6a: {  	_ =	shalt  }
0x6b: {  	_ =	shalt  }
0x6c: {  	_ =	shalt  }
0x6d: {  	_ =	shalt  }
0x6e: {  	_ =	shalt  }
0x6f: {  	_ =	shalt  }
0x70: {  	_ =	shalt  }
0x71: {  	_ =	shalt  }
0x72: {  	_ =	shalt  }
0x73: {  	_ =	shalt  }
0x74: {  	_ =	shalt  }
0x75: {  	_ =	shalt  }
0x76: {  	_ =	shalt  }
0x77: {  	_ =	shalt  }
0x78: {  	_ =	shalt  }
0x79: {  	_ =	shalt  }
0x7a: {  	_ =	shalt  }
0x7b: {  	_ =	shalt  }
0x7c: {  	_ =	shalt  }
0x7d: {  	_ =	shalt  }
0x7e: {  	_ =	shalt  }
0x7f: {  	_ =	shalt  }
0x80: {  	_ =	shalt  }
0x81: {  	_ =	shalt  }
0x82: {  	_ =	shalt  }
0x83: {  	_ =	shalt  }
0x84: {  	_ =	shalt  }
0x85: {  	_ =	shalt  }
0x86: {  	_ =	shalt  }
0x87: {  	_ =	shalt  }
.Lfunc_end0:
.L_simem_size_0:
called_computation_lowered:
.L_overlay_start_0:
0x88: {  	s2 =	sld [smem:$0x3FD9]  }
0x89: {  	s3 =	sld [smem:$0x3FFE];
	_ =	sdelay $0x1  }
0x8a: {  	s1 =	srdreg.scid  }
0x8b: {  	s0 =	sand.u32 $0x1, s1  }
0x8c: {  	s17 =	sshll.u32 s0, $0xA;
	s2 =	sadd.s32 s3, s2  }
0x8d: {  	s2 =	sadd.s32 s2, s17  }
0x8e: {  	[smem:$0x3FB6] =	sst s2  }
0x8f: {  	_ = 	snop  }
0x90: {  	s2 =	sld [smem:$0x3FC8];
	(tm) =	ssettm $0x1  }
0x91: {  	s18 =	sld [smem:$0x3FFB];
	_ =	sdelay $0x3  }
0x92: {  	_ =	strace s18  }
0x93: {  	s3 =	sld [smem:$0x3FFC];
	_ =	sdelay $0x3  }
0x94: {  	_ =	strace s3  }
0x95: {  	s3 =	sld [smem:$0x3FFD];
	_ =	sdelay $0x3  }
0x96: {  	_ =	strace s3  }
0x97: {  	_ =	strace $0x8FFFFFFF  }
0x98: {  	s19 =	sld [smem:$0x3FDB];
	_ =	sdelay $0x1  }
0x99: {  	s4 =	simm.s32 $_scs_section_size  }
0x9a: {  	s5 =	simm.s32 $_size__tile_overlayer_lowered;
	s6 =	simm.s32 $_tile_overlayer_lowered  }
0x9b: {  	s22 =	simm.s32 $0x1BFF;
	s21 =	sshll.u32 s6, $0x1;
	s3 =	sadd.s32 s4, s19  }
0x9c: {  	s7 =	simm.s32 $0x0;
	s20 =	sshll.u32 s5, $0x1;
	s5 =	sadd.s32 s21, s3  }
0x9d: {  	[timem:s7], [sflag:s22] =	dma.local [hbm:s5], s20  }
0x9e: {  	_ =	swait.ge [sflag:s22], s20  }
0x9f: {  	s4 =	ssub.s32 $0x0, s20;
	[sflag:s22] =	ssyncset.done $0x0  }
0xa0: {  	[sflag:s22] =	ssyncadd.s32 s4;
	_ =	sdelay $0x1  }
0xa1: {  	s23 =	simm.s32 $0x1B8B  }
0xa2: {  	_ =	swait.ge [sflag:s23], $0x1  }
0xa3: {  	[sflag:s23] =	ssyncset.done $0x0  }
0xa4: {  	s25 =	simm.s32 $0x1B8E;
	s24 =	sld [smem:$0x3FFE];
	[sflag:s23] =	ssyncadd.s32 $0xFFFFFFFF  }
0xa5: {  	s26 =	simm.s32 $execute0_lowered;
	[smem:$0x3FD2] =	sst s25  }
0xa6: {  	s5 =	sshll.u32 s26, $0x1;
	_ =	strace $0x80000046;
	[dreg:$0x1] =	wrdreg $0xFFFFFFFF  }
0xa7: {  	s28 =	simm.s32 $_size_execute0_lowered;
	s3 =	sadd.s32 s3, s5;
	[dreg:$0x0] =	wrdreg $0x0  }
0xa8: {  	s5 =	sshll.u32 s28, $0x1;
	[dreg:$0x2] =	wrdreg s3  }
0xa9: {  	[dreg:$0x3] =	wrdreg s5  }
0xaa: {  	[dreg:$0x4] =	wrdreg $0xC0  }
0xab: {  	_ =	task [dreg:s7], $0x5FFFF  }
0xac: {  	[dreg:$0x1] =	wrdreg $0xFFFFFFFF  }
0xad: {  	[dreg:$0x0] =	wrdreg $0x60  }
0xae: {  	[dreg:$0x2] =	wrdreg s2  }
0xaf: {  	[dreg:$0x3] =	wrdreg s24  }
0xb0: {  	[dreg:$0x4] =	wrdreg $0xC7000  }
0xb1: {  	[dreg:$0x5] =	wrdreg $0x9  }
0xb2: {  	_ =	task.clear_ibuf [dreg:s7], $0x6FFFF;
	_ =	strace $0x90000046  }
0xb3: {  	s29 =	simm.s32 $0x9;
	_ =	strace $0x80000048  }
0xb4: {  	_ =	swait.ge [sflag:s29], $0x1  }
0xb5: {  	[sflag:s29] =	ssyncadd.s32 $0xFFFFFFFF  }
0xb6: {  	_ =	strace $0x90000048  }
0xb7: {  	_ =	sfence  }
0xb8: {  	s30 =	sld [smem:$0x0];
	_ =	sdelay $0x2  }
0xb9: {  	s31 =	sshll.u32 s1, $0xD;
	s1 =	sshrl.u32 s1, $0x2  }
0xba: {  	s3 =	sand.u32 $0x4000, s31;
	s1 =	sadd.s32 s1, s30  }
0xbb: {  	s0 =	sor.u32 s3, s0;
	s1 =	sshll.u32 s1, $0x11  }
0xbc: {  	s0 =	sor.u32 s1, s0  }
0xbd: {  	s0 =	sadd.s32 $0x8F2B, s0  }
0xbe: {  	[sflag:s0] =	ssyncadd.remote.s32 $0x1  }
0xbf: {  	_ =	sfence.sel $0xFFFF  }
0xc0: {  	[dreg:$0x0] =	wrdreg $0xFFFFFFFF;
	(pc) =	sbr.abs _section_cstart, $3  }
0xc1: {  	[dreg:$0x1] =	wrdreg $0xFFFFFFFF  }
0xc2: {  	_ =	task.clear_ibuf [dreg:s7], $0x2FFFF;
	_ =	strace $0x9FFFFFFF  }
0xc3: {  	(tm) =	ssettm $0x7FFFFFFF  }
tec
execute0_lowered:
.L_overlay_start_1:
0x0: {  	(tag) =	ssettag $0x1  }
0x1: {  	s0 =	rddreg [dreg:$0x0]  }
0x2: {  	s1 =	srdreg.scid;
	s2 =	rddreg [dreg:$0x1]  }
0x3: {  	s10 =	stileid.u32;
	s3 =	rddreg [dreg:$0x2];
	s28 =	simm.s32 $0x7700  }
0x4: {  	s29 =	simm.s32 $0x9F00;
	s30 =	simm.s32 $0x4F00;
	s31 =	simm.s32 $0x5  }
0x5: {  	s24 =	simm.s32 $0x3;
	s1 =	sand.u32 $0x1, s1;
	s8 =	smul.u32 $0x13800, s10  }
0x6: {  	s26 =	smul.u32 $0x4E000, s10;
	p0 =	sne.s32 s10, $0x0;
	s4 =	sshll.u32 s1, $0x4  }
0x7: {  	s6 =	ssub.s32 $0x2, s1;
	s1 =	smul.u32 $0x138800, s1;
	s5 =	sor.u32 s10, s4  }
0x8: {  	s4 =	simm.s32 $0x0;
	s7 =	sshrl.u32 s6, $0x1;
	s5 =	smul.u32 $0x2710, s5  }
0x9: {  	[smem:$0x7FF] =	sst s4;
	s6 =	ssub.s32 s6, s7;
	s7 =	sadd.s32 $0x138000, s3  }
0xa: {  	s8 =	sadd.s32 s8, s1;
	s1 =	sshrl.u32 s1, $0x3;
	s5 =	sshrl.u32 s5, $0x3  }
0xb: {  	_ =	strace $0x80000047;
	s8 =	sshrl.u32 s8, $0x3;
	s5 =	sadd.s32 s5, s2  }
0xc: {  	s11 =	smax.u32 s6, $0x1;
	s2 =	sadd.s32 $0x17600, s2;
	s25 =	sadd.s32 $0x3C00, s5  }
0xd: {  	s5 =	sadd.s32 $0xD840, s5;
	s1 =	sadd.s32 s2, s1;
	[dreg:$0x4] =	wrdreg s25  }
0xe: {  	s2 =	sadd.s32 s2, s8;
	[dreg:$0x5] =	wrdreg s5;
	s5 =	sshrl.u32 s26, $0x2  }
0xf: {  	[dreg:$0x6] =	wrdreg s2;
	s1 =	sadd.s32 $0x27000, s1;
	s25 =	simm.s32 $0x4  }
0x10: {  	s26 =	simm.s32 $0x50;
	s2 =	simm.s32 $0x2;
	s9 =	sadd.s32 s5, s3  }
0x11: {  	[dreg:$0x7] =	wrdreg s1;
	s1 =	simm.s32 $0x1;
	s5 =	simm.s32 $0x0  }
0x12: {  	s12 =	sadd.s32 $0x1800, s9;
	s13 =	sadd.s32 $0x3000, s9;
	s14 =	sadd.s32 $0x4800, s9  }
0x13: {  	s15 =	sadd.s32 $0x6000, s9;
	s16 =	sadd.s32 $0x7800, s9;
	s17 =	sadd.s32 $0x9000, s9  }
0x14: {  	s18 =	sadd.s32 $0xA800, s9;
	s19 =	sadd.s32 $0xC000, s9;
	s20 =	sadd.s32 $0xD800, s9  }
0x15: {  	v0 =	vimm.f32 $0.0e+00;
	s21 =	sadd.s32 $0xF000, s9;
	s22 =	sadd.s32 $0x10800, s9;
	s23 =	sadd.s32 $0x12000, s9  }
.LBB2_1:
0x16: {  	s6 =	rddreg [dreg:$0x4]  }
0x17: {  	[tilespmem:s4], [sflag:$0x4] =	stream.linear.gather [hbm4b:s6+s4], $0x2710, $0x38;
	[tilespmem:$0x1FF80] =	vst v63  }
0x18: {  	s10 =	rddreg [dreg:$0x5];
	s8 =	simm.s32 $0x2780  }
0x19: {  	[tilespmem:s8], [sflag:$0x4] =	stream.linear.gather [hbm4b:s10+s4], $0x2710, $0x38;
	[tilespmem:$0x1FF80] =	vst v63  }
0x1a: {  	s6 =	simm.s32 $0x70;
	s8 =	simm.s32 $0x3C0  }
.LBB2_2:
0x1b: {  	p1 =	sne.s32 s8, $0x5FC0;
	[tilespmem:s6+$0x4F00] =	vst v0  }
0x1c: {  	[tilespmem:s6+$0x4E90] =	vst v0  }
0x1d: {  	[tilespmem:s6+$0x4EA0] =	vst v0  }
.Ltmp0:
0x1e: {  	[tilespmem:s6+$0x4EB0] =	vst v0;
	(pc) =	sbr.rel @p1 .LBB2_2-.Ltmp0, $4  }
0x1f: {  	[tilespmem:s6+$0x4EC0] =	vst v0  }
0x20: {  	[tilespmem:s6+$0x4ED0] =	vst v0  }
0x21: {  	[tilespmem:s6+$0x4EE0] =	vst v0  }
0x22: {  	[tilespmem:s6+$0x4EF0] =	vst v0;
	s6 =	sshra.s32 s8, $0x2;
	s8 =	sadd.s32 $0x200, s8  }
0x23: {  	[tilespmem:s6+$0x4F00] =	vst v0  }
0x24: {  	[tilespmem:s6+$0x4E90] =	vst v0  }
0x25: {  	[tilespmem:s6+$0x4EA0] =	vst v0  }
0x26: {  	[tilespmem:s6+$0x4EB0] =	vst v0  }
0x27: {  	[tilespmem:s6+$0x4EC0] =	vst v0  }
0x28: {  	[tilespmem:s6+$0x4ED0] =	vst v0  }
0x29: {  	[tilespmem:s6+$0x4EE0] =	vst v0  }
0x2a: {  	[tilespmem:s6+$0x4EF0] =	vst v0  }
0x2b: {  	_ =	swait.ge [sflag:s25], $0x2710  }
0x2c: {  	[sflag:s25] =	ssyncset.done $0x0  }
0x2d: {  	[sflag:s25] =	ssyncadd.s32 $0xFFFFD8F0  }
0x2e: {  	_ =	swait.ge [sflag:s25], $0x2710  }
0x2f: {  	[sflag:s25] =	ssyncset.done $0x0  }
0x30: {  	[sflag:s25] =	ssyncadd.s32 $0xFFFFD8F0  }
0x31: {  	[tilespmem:s28], [sflag:$0x2] =	stream.indirect.gather [hbm4b:s0+s26], $0x80, s4, s26, $0xb8;
	[tilespmem:$0x1FF80] =	vst v63  }
0x32: {  	_ = 	snop  }
0x33: {  	[tilespmem:s29], [sflag:$0x3] =	stream.indirect.gather [hbm4b:s0+s26], $0x80, s26, s26, $0xb8;
	[tilespmem:$0x1FF80] =	vst v63  }
0x34: {  	_ = 	snop  }
0x35: {  	[spmem:s9] =	stream.linear.scatter [tilespmem:s30], [sflag:$0x5], $0x1800, $0x38;
	[tilespmem:$0x1FF80] =	vst v63  }
0x36: {  	_ =	swait.ge [sflag:s31], $0x1800  }
0x37: {  	[sflag:s31] =	ssyncset.done $0x0  }
0x38: {  	[sflag:s31] =	ssyncadd.s32 $0xFFFFE800  }
0x39: {  	[spmem:s12] =	stream.linear.scatter [tilespmem:s30], [sflag:$0x5], $0x1800, $0x38;
	[tilespmem:$0x1FF80] =	vst v63  }
0x3a: {  	_ =	swait.ge [sflag:s31], $0x1800  }
0x3b: {  	[sflag:s31] =	ssyncset.done $0x0  }
0x3c: {  	[sflag:s31] =	ssyncadd.s32 $0xFFFFE800  }
0x3d: {  	[spmem:s13] =	stream.linear.scatter [tilespmem:s30], [sflag:$0x5], $0x1800, $0x38;
	[tilespmem:$0x1FF80] =	vst v63  }
0x3e: {  	_ =	swait.ge [sflag:s31], $0x1800  }
0x3f: {  	[sflag:s31] =	ssyncset.done $0x0  }
0x40: {  	[sflag:s31] =	ssyncadd.s32 $0xFFFFE800  }
0x41: {  	[spmem:s14] =	stream.linear.scatter [tilespmem:s30], [sflag:$0x5], $0x1800, $0x38;
	[tilespmem:$0x1FF80] =	vst v63  }
0x42: {  	_ =	swait.ge [sflag:s31], $0x1800  }
0x43: {  	[sflag:s31] =	ssyncset.done $0x0  }
0x44: {  	[sflag:s31] =	ssyncadd.s32 $0xFFFFE800  }
0x45: {  	[spmem:s15] =	stream.linear.scatter [tilespmem:s30], [sflag:$0x5], $0x1800, $0x38;
	[tilespmem:$0x1FF80] =	vst v63  }
0x46: {  	_ =	swait.ge [sflag:s31], $0x1800  }
0x47: {  	[sflag:s31] =	ssyncset.done $0x0  }
0x48: {  	[sflag:s31] =	ssyncadd.s32 $0xFFFFE800  }
0x49: {  	[spmem:s16] =	stream.linear.scatter [tilespmem:s30], [sflag:$0x5], $0x1800, $0x38;
	[tilespmem:$0x1FF80] =	vst v63  }
0x4a: {  	_ =	swait.ge [sflag:s31], $0x1800  }
0x4b: {  	[sflag:s31] =	ssyncset.done $0x0  }
0x4c: {  	[sflag:s31] =	ssyncadd.s32 $0xFFFFE800  }
0x4d: {  	[spmem:s17] =	stream.linear.scatter [tilespmem:s30], [sflag:$0x5], $0x1800, $0x38;
	[tilespmem:$0x1FF80] =	vst v63  }
0x4e: {  	_ =	swait.ge [sflag:s31], $0x1800  }
0x4f: {  	[sflag:s31] =	ssyncset.done $0x0  }
0x50: {  	[sflag:s31] =	ssyncadd.s32 $0xFFFFE800  }
0x51: {  	[spmem:s18] =	stream.linear.scatter [tilespmem:s30], [sflag:$0x5], $0x1800, $0x38;
	[tilespmem:$0x1FF80] =	vst v63  }
0x52: {  	_ =	swait.ge [sflag:s31], $0x1800  }
0x53: {  	[sflag:s31] =	ssyncset.done $0x0  }
0x54: {  	[sflag:s31] =	ssyncadd.s32 $0xFFFFE800  }
0x55: {  	[spmem:s19] =	stream.linear.scatter [tilespmem:s30], [sflag:$0x5], $0x1800, $0x38;
	[tilespmem:$0x1FF80] =	vst v63  }
0x56: {  	_ =	swait.ge [sflag:s31], $0x1800  }
0x57: {  	[sflag:s31] =	ssyncset.done $0x0  }
0x58: {  	[sflag:s31] =	ssyncadd.s32 $0xFFFFE800  }
0x59: {  	[spmem:s20] =	stream.linear.scatter [tilespmem:s30], [sflag:$0x5], $0x1800, $0x38;
	[tilespmem:$0x1FF80] =	vst v63  }
0x5a: {  	_ =	swait.ge [sflag:s31], $0x1800  }
0x5b: {  	[sflag:s31] =	ssyncset.done $0x0  }
0x5c: {  	[sflag:s31] =	ssyncadd.s32 $0xFFFFE800  }
0x5d: {  	[spmem:s21] =	stream.linear.scatter [tilespmem:s30], [sflag:$0x5], $0x1800, $0x38;
	[tilespmem:$0x1FF80] =	vst v63  }
0x5e: {  	_ =	swait.ge [sflag:s31], $0x1800  }
0x5f: {  	[sflag:s31] =	ssyncset.done $0x0  }
0x60: {  	[sflag:s31] =	ssyncadd.s32 $0xFFFFE800  }
0x61: {  	[spmem:s22] =	stream.linear.scatter [tilespmem:s30], [sflag:$0x5], $0x1800, $0x38;
	[tilespmem:$0x1FF80] =	vst v63  }
0x62: {  	_ =	swait.ge [sflag:s31], $0x1800  }
0x63: {  	[sflag:s31] =	ssyncset.done $0x0  }
0x64: {  	[sflag:s31] =	ssyncadd.s32 $0xFFFFE800  }
0x65: {  	[spmem:s23] =	stream.linear.scatter [tilespmem:s30], [sflag:$0x5], $0x1800, $0x38;
	[tilespmem:$0x1FF80] =	vst v63  }
0x66: {  	_ =	swait.ge [sflag:s31], $0x1800  }
0x67: {  	[sflag:s31] =	ssyncset.done $0x0  }
0x68: {  	s6 =	simm.s32 @!p0 $0x4F00;
	[sflag:s31] =	ssyncadd.s32 $0xFFFFE800  }
0x69: {  	[spmem:s7] =	stream.linear.scatter @!p0 [tilespmem:s6], [sflag:$0x5], $0x800, $0x38;
	[tilespmem:$0x1FF80] =	vst v63  }
0x6a: {  	s6 =	simm.s32 @!p0 $0x5  }
0x6b: {  	_ =	swait.ge @!p0 [sflag:s6], $0x800  }
0x6c: {  	[sflag:s6] =	ssyncset.done @!p0 $0x0  }
0x6d: {  	s8 =	simm.s32 $0xA0;
	[sflag:s6] =	ssyncadd.s32 @!p0 $0xFFFFF800  }
0x6e: {  	[tilespmem:s30], [sflag:$0x1] =	stream.indirect.gather [hbm4b:s0+s26], $0x80, s8, s26, $0xb8;
	[tilespmem:$0x1FF80] =	vst v63  }
0x6f: {  	[bflag:$0x0] =	sbarrier.arrive $0xFFFF  }
0x70: {  	_ =	swait.ge [sflag:s2], $0x2800  }
0x71: {  	[sflag:s2] =	ssyncset.done $0x0  }
0x72: {  	s10 =	simm.s32 $0x2780;
	[sflag:s2] =	ssyncadd.s32 $0xFFFFD800  }
0x73: {  	[spmem:s3] =	stream.indirect.scatter.add.f32 [tilespmem:s28], [sflag:$0x5], $0x80, s10, s26, $0xb8;
	[tilespmem:$0x1FF80] =	vst v63  }
0x74: {  	_ =	swait.ge [sflag:s31], $0x2800  }
0x75: {  	[sflag:s31] =	ssyncset.done $0x0  }
0x76: {  	s8 =	simm.s32 $0xF0;
	[sflag:s31] =	ssyncadd.s32 $0xFFFFD800  }
0x77: {  	[tilespmem:s28], [sflag:$0x2] =	stream.indirect.gather [hbm4b:s0+s26], $0x80, s8, s26, $0xb8;
	[tilespmem:$0x1FF80] =	vst v63  }
0x78: {  	_ =	swait.ge [sflag:s24], $0x2800  }
0x79: {  	[sflag:s24] =	ssyncset.done $0x0  }
0x7a: {  	s10 =	simm.s32 $0x27D0;
	[sflag:s24] =	ssyncadd.s32 $0xFFFFD800  }
0x7b: {  	[spmem:s3] =	stream.indirect.scatter.add.f32 [tilespmem:s29], [sflag:$0x5], $0x80, s10, s26, $0xb8;
	[tilespmem:$0x1FF80] =	vst v63  }
0x7c: {  	_ =	swait.ge [sflag:s31], $0x2800  }
0x7d: {  	[sflag:s31] =	ssyncset.done $0x0  }
0x7e: {  	s8 =	simm.s32 $0x140;
	[sflag:s31] =	ssyncadd.s32 $0xFFFFD800  }
0x7f: {  	[tilespmem:s29], [sflag:$0x3] =	stream.indirect.gather [hbm4b:s0+s26], $0x80, s8, s26, $0xb8;
	[tilespmem:$0x1FF80] =	vst v63  }
0x80: {  	_ =	swait.ge [sflag:s1], $0x2800  }
0x81: {  	[sflag:s1] =	ssyncset.done $0x0  }
0x82: {  	s10 =	simm.s32 $0x2820;
	[sflag:s1] =	ssyncadd.s32 $0xFFFFD800  }
0x83: {  	[spmem:s3] =	stream.indirect.scatter.add.f32 [tilespmem:s30], [sflag:$0x5], $0x80, s10, s26, $0xb8;
	[tilespmem:$0x1FF80] =	vst v63  }
0x84: {  	_ =	swait.ge [sflag:s31], $0x2800  }
0x85: {  	[sflag:s31] =	ssyncset.done $0x0  }
0x86: {  	s6 =	simm.s32 $0x3C0;
	s8 =	simm.s32 $0x190;
	[sflag:s31] =	ssyncadd.s32 $0xFFFFD800  }
.LBB2_4:
0x87: {  	[tilespmem:s30], [sflag:$0x1] =	stream.indirect.gather [hbm4b:s0+s26], $0x80, s8, s26, $0xb8;
	[tilespmem:$0x1FF80] =	vst v63  }
0x88: {  	s8 =	smov.u32 s6  }
0x89: {  	p1 =	sne.s32 s6, $0x9240;
	s6 =	sadd.s32 $0x3C0, s6;
	_ =	swait.ge [sflag:s2], $0x2800  }
0x8a: {  	s8 =	sshra.s32 s8, $0x2;
	[sflag:s2] =	ssyncset.done $0x0  }
0x8b: {  	s10 =	sadd.s32 $0x2780, s8;
	[sflag:s2] =	ssyncadd.s32 $0xFFFFD800  }
0x8c: {  	[spmem:s3] =	stream.indirect.scatter.add.f32 [tilespmem:s28], [sflag:$0x5], $0x80, s10, s26, $0xb8;
	[tilespmem:$0x1FF80] =	vst v63  }
0x8d: {  	_ =	swait.ge [sflag:s31], $0x2800  }
0x8e: {  	[sflag:s31] =	ssyncset.done $0x0  }
0x8f: {  	s10 =	sadd.s32 $0xF0, s8;
	[sflag:s31] =	ssyncadd.s32 $0xFFFFD800  }
0x90: {  	[tilespmem:s28], [sflag:$0x2] =	stream.indirect.gather [hbm4b:s0+s26], $0x80, s10, s26, $0xb8;
	[tilespmem:$0x1FF80] =	vst v63  }
0x91: {  	_ =	swait.ge [sflag:s24], $0x2800  }
0x92: {  	[sflag:s24] =	ssyncset.done $0x0  }
0x93: {  	s10 =	sadd.s32 $0x27D0, s8;
	[sflag:s24] =	ssyncadd.s32 $0xFFFFD800  }
0x94: {  	[spmem:s3] =	stream.indirect.scatter.add.f32 [tilespmem:s29], [sflag:$0x5], $0x80, s10, s26, $0xb8;
	[tilespmem:$0x1FF80] =	vst v63  }
0x95: {  	_ =	swait.ge [sflag:s31], $0x2800  }
0x96: {  	[sflag:s31] =	ssyncset.done $0x0  }
0x97: {  	s10 =	sadd.s32 $0x140, s8;
	[sflag:s31] =	ssyncadd.s32 $0xFFFFD800  }
0x98: {  	[tilespmem:s29], [sflag:$0x3] =	stream.indirect.gather [hbm4b:s0+s26], $0x80, s10, s26, $0xb8;
	[tilespmem:$0x1FF80] =	vst v63  }
0x99: {  	_ =	swait.ge [sflag:s1], $0x2800  }
0x9a: {  	[sflag:s1] =	ssyncset.done $0x0  }
.Ltmp1:
0x9b: {  	s10 =	sadd.s32 $0x2820, s8;
	[sflag:s1] =	ssyncadd.s32 $0xFFFFD800;
	(pc) =	sbr.rel @p1 .LBB2_4-.Ltmp1, $4  }
0x9c: {  	[spmem:s3] =	stream.indirect.scatter.add.f32 [tilespmem:s30], [sflag:$0x5], $0x80, s10, s26, $0xb8;
	[tilespmem:$0x1FF80] =	vst v63  }
0x9d: {  	_ =	swait.ge [sflag:s31], $0x2800  }
0x9e: {  	[sflag:s31] =	ssyncset.done $0x0  }
0x9f: {  	s8 =	sadd.s32 $0x190, s8;
	[sflag:s31] =	ssyncadd.s32 $0xFFFFD800  }
0xa0: {  	[tilespmem:s30], [sflag:$0x1] =	stream.indirect.gather [hbm4b:s0+s26], $0x80, s8, s26, $0xb8;
	[tilespmem:$0x1FF80] =	vst v63  }
0xa1: {  	_ =	swait.ge [sflag:s2], $0x2800  }
0xa2: {  	[sflag:s2] =	ssyncset.done $0x0  }
0xa3: {  	s6 =	simm.s32 $0x4D00;
	[sflag:s2] =	ssyncadd.s32 $0xFFFFD800  }
0xa4: {  	[spmem:s3] =	stream.indirect.scatter.add.f32 [tilespmem:s28], [sflag:$0x5], $0x80, s6, s26, $0xb8;
	[tilespmem:$0x1FF80] =	vst v63  }
0xa5: {  	_ =	swait.ge [sflag:s31], $0x2800  }
0xa6: {  	[sflag:s31] =	ssyncset.done $0x0  }
0xa7: {  	s10 =	simm.s32 $0x2670;
	[sflag:s31] =	ssyncadd.s32 $0xFFFFD800  }
0xa8: {  	[tilespmem:s28], [sflag:$0x2] =	stream.indirect.gather [hbm4b:s0+s26], $0x80, s10, s26, $0xb8;
	[tilespmem:$0x1FF80] =	vst v63  }
0xa9: {  	_ =	swait.ge [sflag:s24], $0x2800  }
0xaa: {  	[sflag:s24] =	ssyncset.done $0x0  }
0xab: {  	s8 =	simm.s32 $0x4D50;
	[sflag:s24] =	ssyncadd.s32 $0xFFFFD800  }
0xac: {  	[spmem:s3] =	stream.indirect.scatter.add.f32 [tilespmem:s29], [sflag:$0x5], $0x80, s8, s26, $0xb8;
	[tilespmem:$0x1FF80] =	vst v63  }
0xad: {  	_ =	swait.ge [sflag:s31], $0x2800  }
0xae: {  	[sflag:s31] =	ssyncset.done $0x0  }
0xaf: {  	s10 =	simm.s32 $0x26C0;
	[sflag:s31] =	ssyncadd.s32 $0xFFFFD800  }
0xb0: {  	[tilespmem:s29], [sflag:$0x3] =	stream.indirect.gather [hbm4b:s0+s26], $0x80, s10, s26, $0xb8;
	[tilespmem:$0x1FF80] =	vst v63  }
0xb1: {  	_ =	swait.ge [sflag:s1], $0x2800  }
0xb2: {  	[sflag:s1] =	ssyncset.done $0x0  }
0xb3: {  	s8 =	simm.s32 $0x4DA0;
	[sflag:s1] =	ssyncadd.s32 $0xFFFFD800  }
0xb4: {  	[spmem:s3] =	stream.indirect.scatter.add.f32 [tilespmem:s30], [sflag:$0x5], $0x80, s8, s26, $0xb8;
	[tilespmem:$0x1FF80] =	vst v63  }
0xb5: {  	_ =	swait.ge [sflag:s31], $0x2800  }
0xb6: {  	[sflag:s31] =	ssyncset.done $0x0  }
0xb7: {  	[sflag:s31] =	ssyncadd.s32 $0xFFFFD800  }
0xb8: {  	_ =	swait.ge [sflag:s2], $0x2800  }
0xb9: {  	[sflag:s2] =	ssyncset.done $0x0  }
0xba: {  	s10 =	simm.s32 $0x4DF0;
	[sflag:s2] =	ssyncadd.s32 $0xFFFFD800  }
0xbb: {  	[spmem:s3] =	stream.indirect.scatter.add.f32 [tilespmem:s28], [sflag:$0x5], $0x80, s10, s26, $0xb8;
	[tilespmem:$0x1FF80] =	vst v63  }
0xbc: {  	_ =	swait.ge [sflag:s31], $0x2800  }
0xbd: {  	[sflag:s31] =	ssyncset.done $0x0  }
0xbe: {  	[sflag:s31] =	ssyncadd.s32 $0xFFFFD800  }
0xbf: {  	_ =	swait.ge [sflag:s24], $0x2800  }
0xc0: {  	[sflag:s24] =	ssyncset.done $0x0  }
0xc1: {  	s8 =	simm.s32 $0x4E40;
	[sflag:s24] =	ssyncadd.s32 $0xFFFFD800  }
0xc2: {  	[spmem:s3] =	stream.indirect.scatter.add.f32 [tilespmem:s29], [sflag:$0x5], $0x80, s8, s26, $0xb8;
	[tilespmem:$0x1FF80] =	vst v63  }
0xc3: {  	_ =	swait.ge [sflag:s31], $0x2800  }
0xc4: {  	[sflag:s31] =	ssyncset.done $0x0  }
0xc5: {  	s10 =	stileid.u32;
	[sflag:s31] =	ssyncadd.s32 $0xFFFFD800  }
0xc6: {  	s6 =	sshll.u32 s10, $0x6;
	[bflag:$0x0] =	sbarrier.arrive $0xFFFF  }
0xc7: {  	s6 =	sor.u32 $0x1C05, s6;
	s8 =	sshrl.u32 s9, $0x3;
	s10 =	rddreg [dreg:$0x6]  }
0xc8: {  	[hbm:s10], [sflag:s6] =	dma.local [spmem:s8], $0x2700  }
0xc9: {  	s5 =	sadd.s32 $0x1, s5;
	_ =	swait.ge [sflag:s31], $0x2700  }
0xca: {  	p1 =	sne.s32 s5, s11;
	[sflag:s31] =	ssyncset.done $0x0  }
0xcb: {  	s8 =	sshrl.u32 @!p0 s7, $0x3;
	s10 =	rddreg [dreg:$0x7];
	[sflag:s31] =	ssyncadd.s32 $0xFFFFD900  }
0xcc: {  	[hbm:s10], [sflag:s6] =	dma.local @!p0 [spmem:s8], $0x100  }
.Ltmp2:
0xcd: {  	_ = 	snop;
	(pc) =	sbr.rel @p1 .LBB2_1-.Ltmp2, $4  }
0xce: {  	s6 =	simm.s32 @!p0 $0x5  }
0xcf: {  	_ =	swait.ge @!p0 [sflag:s6], $0x100  }
0xd0: {  	[sflag:s6] =	ssyncset.done @!p0 $0x0  }
0xd1: {  	[sflag:s6] =	ssyncadd.s32 @!p0 $0xFFFFFF00  }
0xd2: {  	_ =	sfence.sel $0x180000  }
0xd3: {  	[bflag:$0x0] =	sbarrier.arrive $0xFFFF  }
0xd4: {  	_ =	strace $0x90000047  }
0xd5: {  	[bflag:$0x2] =	sbarrier.arrive $0xFFFF  }
0xd6: {  	s0 =	rddreg [dreg:$0x3]  }
0xd7: {  	s0 =	sadd.s32 @!p0 $0x100000, s0  }
0xd8: {  	[sflag:s0] =	ssyncadd.tile.s32 @!p0 $0x1;
	_ =	shalt  }
.Lfunc_end2:
_tile_overlayer_lowered:
.L_overlay_start_2:
0xd9: {  	(tag) =	ssettag $0x2  }
0xda: {  	s0 =	rddreg [dreg:$0x0];
	s2 =	stileid.u32  }
0xdb: {  	s1 =	rddreg [dreg:$0x1];
	p0 =	sne.s32 s2, $0x0  }
0xdc: {  	s3 =	rddreg [dreg:$0x2];
	[bflag:$0x3] =	sbarrier.arrive $0xFFFF;
	s2 =	simm.s32 @!p0 $0x1C05  }
0xdd: {  	[timem:s3], [sflag:s2] =	dma.local @!p0 [hbm:s0], s1  }
0xde: {  	s0 =	simm.s32 @!p0 $0x5  }
0xdf: {  	_ =	swait.ge @!p0 [sflag:s0], s1  }
0xe0: {  	s1 =	ssub.s32 @!p0 $0x0, s1;
	[sflag:s0] =	ssyncset.done @!p0 $0x0  }
0xe1: {  	[sflag:s0] =	ssyncadd.s32 @!p0 s1  }
0xe2: {  	[bflag:$0x3] =	sbarrier.arrive $0xFFFF  }
0xe3: {  	_ =	shalt  }

</sc_bundles>
